<compile_context>
chip_gen: v7x
topology: tpu7x:2x2x1
jax: 0.10.2.dev20260603
libtpu: 0.0.44.dev20260713+nightly
codegen_flags: <defaults>
</compile_context>

<pallas_src>
import functools

import jax
import jax.numpy as jnp
from jax import lax
from jax.experimental import pallas as pl
from jax.experimental.pallas import tpu as pltpu
from jax.experimental.pallas import tpu_sc as plsc

NUM_CORES = 2
NUM_SUBCORES = 16
NUM_TILES = NUM_CORES * NUM_SUBCORES
CHUNK = 40
ROW_BLK = 1000


def _spmm_sc(feat, src, dst, w):
    n, d = feat.shape
    e = src.shape[0]
    epw = e // NUM_TILES
    n_chunks = epw // CHUNK
    stripe_stride = (n // NUM_SUBCORES) // 8 * 8
    stripe_width = n - (NUM_SUBCORES - 1) * stripe_stride
    mesh = plsc.VectorSubcoreMesh(
        core_axis_name="c", subcore_axis_name="s",
        num_cores=NUM_CORES, num_subcores=NUM_SUBCORES)

    @functools.partial(
        pl.kernel,
        out_type=jax.ShapeDtypeStruct((NUM_CORES, n, d), jnp.float32),
        mesh=mesh,
        scratch_types=[
            pltpu.VMEM((n_chunks, CHUNK), jnp.int32),
            pltpu.VMEM((n_chunks, CHUNK), jnp.int32),
            pltpu.VMEM((n_chunks, CHUNK), jnp.float32),
            [pltpu.VMEM((CHUNK, d), jnp.float32)] * 2,
            [pltpu.VMEM((CHUNK, d), jnp.float32)] * 2,
            pltpu.VMEM_SHARED((n, d), jnp.float32),
            pltpu.SemaphoreType.DMA,
            [pltpu.SemaphoreType.DMA] * 2,
            [pltpu.SemaphoreType.DMA] * 2,
        ],
        compiler_params=pltpu.CompilerParams(use_tc_tiling_on_sc=False),
    )
    def k(feat_hbm, src_hbm, dst_hbm, w_hbm, zeros_hbm, out_hbm,
          src_v, dst_v, w_v, rows_g, rows_s, acc_sh, sem_l, sem_g, sem_s):
        c = lax.axis_index("c")
        s = lax.axis_index("s")
        wid = s * NUM_CORES + c

        def start_gather(ci, b):
            pltpu.async_copy(feat_hbm.at[src_v.at[ci]], rows_g[b], sem_g[b])

        def wait_gather(b):
            pltpu.make_async_copy(feat_hbm.at[src_v.at[0]], rows_g[b],
                                  sem_g[b]).wait()

        def scale(ci, b):
            @pl.loop(0, CHUNK)
            def _(j):
                jbase = jnp.minimum((j // 16) * 16, CHUNK - 16)
                w16 = w_v[ci, pl.ds(jbase, 16)]
                wvec = w16[jnp.full((16,), j, jnp.int32) - jbase]
                for kk in range(d // 16):
                    sl = (j, pl.ds(kk * 16, 16))
                    rows_s[b][sl] = rows_g[b][sl] * wvec

        def start_scatter(ci, b):
            pltpu.async_copy(rows_s[b], acc_sh.at[dst_v.at[ci]], sem_s[b],
                             add=True)

        def wait_scatter(b):
            pltpu.make_async_copy(rows_s[b], acc_sh.at[dst_v.at[0]],
                                  sem_s[b]).wait()

        cp_s = pltpu.async_copy(src_hbm.at[wid], src_v, sem_l)
        cp_d = pltpu.async_copy(dst_hbm.at[wid], dst_v, sem_l)
        cp_w = pltpu.async_copy(w_hbm.at[wid], w_v, sem_l)
        r0 = s * stripe_stride
        pltpu.sync_copy(zeros_hbm.at[pl.ds(r0, stripe_width)],
                        acc_sh.at[pl.ds(r0, stripe_width)])
        cp_s.wait()
        cp_d.wait()
        cp_w.wait()
        plsc.subcore_barrier()
        start_gather(0, 0)
        start_gather(1, 1)

        for i in (0, 1):
            wait_gather(i)
            scale(i, i)
            start_gather(i + 2, i)
            start_scatter(i, i)

        @pl.loop(2, n_chunks - 2, step=2)
        def _(ci):
            for b in range(2):
                i = ci + b
                wait_gather(b)
                wait_scatter(b)
                scale(i, b)
                start_gather(i + 2, b)
                start_scatter(i, b)

        for i in (n_chunks - 2, n_chunks - 1):
            b = i % 2
            wait_gather(b)
            wait_scatter(b)
            scale(i, b)
            start_scatter(i, b)

        wait_scatter(0)
        wait_scatter(1)
        plsc.subcore_barrier()
        pltpu.sync_copy(acc_sh.at[pl.ds(r0, stripe_width)],
                        out_hbm.at[c, pl.ds(r0, stripe_width)])

    e3 = (NUM_TILES, n_chunks, CHUNK)
    return k(feat, src.reshape(e3), dst.reshape(e3), w.reshape(e3),
             jnp.zeros((n, d), jnp.float32))


def _matmul_tc(x, w):
    n, kdim = x.shape
    m = w.shape[1]

    def body(x_ref, w_ref, o_ref):
        o_ref[...] = jnp.dot(x_ref[...], w_ref[...],
                             preferred_element_type=jnp.float32)

    return pl.pallas_call(
        body,
        grid=(n // ROW_BLK,),
        in_specs=[
            pl.BlockSpec((ROW_BLK, kdim), lambda i: (i, 0)),
            pl.BlockSpec((kdim, m), lambda i: (0, 0)),
        ],
        out_specs=pl.BlockSpec((ROW_BLK, m), lambda i: (i, 0)),
        out_shape=jax.ShapeDtypeStruct((n, m), jnp.float32),
    )(x, w)


def _combine_relu_matmul_tc(p, b, w):
    _, n, kdim = p.shape
    m = w.shape[1]

    def body(p_ref, b_ref, w_ref, o_ref):
        h = jnp.maximum(p_ref[0] + p_ref[1] + b_ref[...], 0.0)
        o_ref[...] = jnp.dot(h, w_ref[...],
                             preferred_element_type=jnp.float32)

    return pl.pallas_call(
        body,
        grid=(n // ROW_BLK,),
        in_specs=[
            pl.BlockSpec((2, ROW_BLK, kdim), lambda i: (0, i, 0)),
            pl.BlockSpec((1, kdim), lambda i: (0, 0)),
            pl.BlockSpec((kdim, m), lambda i: (0, 0)),
        ],
        out_specs=pl.BlockSpec((ROW_BLK, m), lambda i: (i, 0)),
        out_shape=jax.ShapeDtypeStruct((n, m), jnp.float32),
    )(p, b.reshape(1, kdim), w)


def _combine_logsoftmax_tc(p, b):
    _, n, m = p.shape

    def body(p_ref, b_ref, o_ref):
        y = p_ref[0] + p_ref[1] + b_ref[...]
        z = y - jnp.max(y, axis=1, keepdims=True)
        o_ref[...] = z - jnp.log(jnp.sum(jnp.exp(z), axis=1, keepdims=True))

    return pl.pallas_call(
        body,
        grid=(n // ROW_BLK,),
        in_specs=[
            pl.BlockSpec((2, ROW_BLK, m), lambda i: (0, i, 0)),
            pl.BlockSpec((1, m), lambda i: (0, 0)),
        ],
        out_specs=pl.BlockSpec((ROW_BLK, m), lambda i: (i, 0)),
        out_shape=jax.ShapeDtypeStruct((n, m), jnp.float32),
    )(p, b.reshape(1, m))


def kernel(x, edge_index, edge_weight, W1, b1, W2, b2):
    src = edge_index[0]
    dst = edge_index[1]
    xw1 = _matmul_tc(x, W1)
    p1 = _spmm_sc(xw1, src, dst, edge_weight)
    hw2 = _combine_relu_matmul_tc(p1, b1, W2)
    p2 = _spmm_sc(hw2, src, dst, edge_weight)
    return _combine_logsoftmax_tc(p2, b2)

# --- scband reference (transcript-rebuilt; emitter-appended) ---
"""Pipeline reference for scband-gcn-2680059592879 (READ-ONLY COPY).

The authoritative reference and input builder live on the scoring server;
editing this copy changes nothing except your own understanding.
"""

import jax, jax.numpy as jnp
import numpy as np

N = 10000
E = 320000
F_IN = 128
H = 128
C = 64


def setup_inputs(seed: int = 0) -> dict:
    key = jax.random.key(seed)
    ks = jax.random.split(key, 8)
    x = jax.random.normal(ks[0], (N, F_IN), dtype=jnp.float32)
    edge_index = jax.random.randint(ks[1], (2, E), 0, N, dtype=jnp.int32)
    edge_weight = jax.random.uniform(ks[2], (E,), dtype=jnp.float32)
    # GCNConv parameters (gc1: F_IN->H, gc2: H->C)
    W1 = jax.random.normal(ks[3], (F_IN, H), dtype=jnp.float32) * (1.0 / np.sqrt(F_IN))
    b1 = jnp.zeros((H,), dtype=jnp.float32)
    W2 = jax.random.normal(ks[4], (H, C), dtype=jnp.float32) * (1.0 / np.sqrt(H))
    b2 = jnp.zeros((C,), dtype=jnp.float32)
    return {"x": x, "edge_index": edge_index, "edge_weight": edge_weight,
            "W1": W1, "b1": b1, "W2": W2, "b2": b2}


def reference(x, edge_index, edge_weight, W1, b1, W2, b2):
    # adj is represented in COO form: edge_index[0]=src, edge_index[1]=dst,
    # edge_weight holds the (normalized) adjacency values. spmm(adj, feat)
    # is a gather along src + weighted scatter-add (segment_sum) onto dst.
    src = edge_index[0]
    dst = edge_index[1]

    def spmm(feat):
        msgs = feat[src] * edge_weight[:, None]
        return jax.ops.segment_sum(msgs, dst, num_segments=N)

    # gc1: x @ W1 then aggregate, + bias
    h = spmm(x @ W1) + b1
    h = jax.nn.relu(h)
    # dropout is identity in eval mode
    # gc2
    out = spmm(h @ W2) + b2
    return jax.nn.log_softmax(out, axis=1)

if __name__ == "__main__":
    import jax
    _d = setup_inputs()
    print(jax.jit(kernel)(*tuple(_d.values())))

</pallas_src>

<mosaic_0001>
#map = affine_map<(d0, d1) -> (0, 0)>
#map1 = affine_map<(d0, d1) -> (0, 0, 0)>
module attributes {stable_mosaic.version = 14 : i64} {
  func.func @k(%arg0: i32, %arg1: i32, %arg2: memref<10000x128xf32, #tpu.memory_space<hbm>>, %arg3: memref<32x250x40xi32, #tpu.memory_space<hbm>>, %arg4: memref<32x250x40xi32, #tpu.memory_space<hbm>>, %arg5: memref<32x250x40xf32, #tpu.memory_space<hbm>>, %arg6: memref<10000x128xf32, #tpu.memory_space<hbm>>, %arg7: memref<2x10000x128xf32, #tpu.memory_space<hbm>>, %arg8: memref<250x40xi32, #tpu.memory_space<vmem>>, %arg9: memref<250x40xi32, #tpu.memory_space<vmem>>, %arg10: memref<250x40xf32, #tpu.memory_space<vmem>>, %arg11: memref<40x128xf32, #tpu.memory_space<vmem>>, %arg12: memref<40x128xf32, #tpu.memory_space<vmem>>, %arg13: memref<40x128xf32, #tpu.memory_space<vmem>>, %arg14: memref<40x128xf32, #tpu.memory_space<vmem>>, %arg15: memref<10000x128xf32, #tpu.memory_space<vmem_shared>>, %arg16: memref<!tpu.dma_semaphore, #tpu.memory_space<semaphore_mem>>, %arg17: memref<!tpu.dma_semaphore, #tpu.memory_space<semaphore_mem>>, %arg18: memref<!tpu.dma_semaphore, #tpu.memory_space<semaphore_mem>>, %arg19: memref<!tpu.dma_semaphore, #tpu.memory_space<semaphore_mem>>, %arg20: memref<!tpu.dma_semaphore, #tpu.memory_space<semaphore_mem>>) attributes {dimension_semantics = [#tpu.dimension_semantics<core_parallel>, #tpu.dimension_semantics<subcore_parallel>], iteration_bounds = array<i64: 2, 16>, scalar_prefetch = 0 : i64, scratch_operands = 13 : i64, tpu.core_type = #tpu.core_type<sc_vector_subcore>, window_params = [{transform_indices = #map}, {transform_indices = #map1}, {transform_indices = #map1}, {transform_indices = #map1}, {transform_indices = #map}, {transform_indices = #map1}]} {
    %mul3A = arith.constant 2 : i32
    %mul3A_0 = arith.muli %arg1, %mul3A : i32
    %add3A = arith.addi %mul3A_0, %arg0 : i32
    %dma_start3A = arith.constant 0 : i32
    %dma_start3A_1 = arith.constant 0 : i32
    %dma_start3A_2 = tpu.memref_slice %arg3[%add3A, %dma_start3A, %dma_start3A_1] : memref<32x250x40xi32, #tpu.memory_space<hbm>> -> memref<1x250x40xi32, #tpu.memory_space<hbm>>
    %dma_start3A_3 = tpu.memref_squeeze %dma_start3A_2 : memref<1x250x40xi32, #tpu.memory_space<hbm>> -> memref<250x40xi32, #tpu.memory_space<hbm>>
    %dma_start3A_4 = arith.constant 0 : i32
    %dma_start3A_5 = arith.constant 0 : i32
    %dma_start3A_6 = tpu.memref_slice %arg3[%add3A, %dma_start3A_4, %dma_start3A_5] : memref<32x250x40xi32, #tpu.memory_space<hbm>> -> memref<1x250x40xi32, #tpu.memory_space<hbm>>
    %dma_start3A_7 = tpu.memref_squeeze %dma_start3A_6 : memref<1x250x40xi32, #tpu.memory_space<hbm>> -> memref<250x40xi32, #tpu.memory_space<hbm>>
    tpu.enqueue_dma source(%dma_start3A_7 : memref<250x40xi32, #tpu.memory_space<hbm>>) target(%arg8 : memref<250x40xi32, #tpu.memory_space<vmem>>) target_semaphore(%arg16 : memref<!tpu.dma_semaphore, #tpu.memory_space<semaphore_mem>>)
    %dma_start3A_8 = arith.constant 0 : i32
    %dma_start3A_9 = arith.constant 0 : i32
    %dma_start3A_10 = tpu.memref_slice %arg4[%add3A, %dma_start3A_8, %dma_start3A_9] : memref<32x250x40xi32, #tpu.memory_space<hbm>> -> memref<1x250x40xi32, #tpu.memory_space<hbm>>
    %dma_start3A_11 = tpu.memref_squeeze %dma_start3A_10 : memref<1x250x40xi32, #tpu.memory_space<hbm>> -> memref<250x40xi32, #tpu.memory_space<hbm>>
    %dma_start3A_12 = arith.constant 0 : i32
    %dma_start3A_13 = arith.constant 0 : i32
    %dma_start3A_14 = tpu.memref_slice %arg4[%add3A, %dma_start3A_12, %dma_start3A_13] : memref<32x250x40xi32, #tpu.memory_space<hbm>> -> memref<1x250x40xi32, #tpu.memory_space<hbm>>
    %dma_start3A_15 = tpu.memref_squeeze %dma_start3A_14 : memref<1x250x40xi32, #tpu.memory_space<hbm>> -> memref<250x40xi32, #tpu.memory_space<hbm>>
    tpu.enqueue_dma source(%dma_start3A_15 : memref<250x40xi32, #tpu.memory_space<hbm>>) target(%arg9 : memref<250x40xi32, #tpu.memory_space<vmem>>) target_semaphore(%arg16 : memref<!tpu.dma_semaphore, #tpu.memory_space<semaphore_mem>>)
    %dma_start3A_16 = arith.constant 0 : i32
    %dma_start3A_17 = arith.constant 0 : i32
    %dma_start3A_18 = tpu.memref_slice %arg5[%add3A, %dma_start3A_16, %dma_start3A_17] : memref<32x250x40xf32, #tpu.memory_space<hbm>> -> memref<1x250x40xf32, #tpu.memory_space<hbm>>
    %dma_start3A_19 = tpu.memref_squeeze %dma_start3A_18 : memref<1x250x40xf32, #tpu.memory_space<hbm>> -> memref<250x40xf32, #tpu.memory_space<hbm>>
    %dma_start3A_20 = arith.constant 0 : i32
    %dma_start3A_21 = arith.constant 0 : i32
    %dma_start3A_22 = tpu.memref_slice %arg5[%add3A, %dma_start3A_20, %dma_start3A_21] : memref<32x250x40xf32, #tpu.memory_space<hbm>> -> memref<1x250x40xf32, #tpu.memory_space<hbm>>
    %dma_start3A_23 = tpu.memref_squeeze %dma_start3A_22 : memref<1x250x40xf32, #tpu.memory_space<hbm>> -> memref<250x40xf32, #tpu.memory_space<hbm>>
    tpu.enqueue_dma source(%dma_start3A_23 : memref<250x40xf32, #tpu.memory_space<hbm>>) target(%arg10 : memref<250x40xf32, #tpu.memory_space<vmem>>) target_semaphore(%arg16 : memref<!tpu.dma_semaphore, #tpu.memory_space<semaphore_mem>>)
    %mul3A_24 = arith.constant 624 : i32
    %mul3A_25 = arith.muli %arg1, %mul3A_24 : i32
    "tpu.region"() ({
      %run_scoped3A = tpu.sem_alloc : memref<!tpu.dma_semaphore, #tpu.memory_space<semaphore_mem>>
      %dma_start3A_186 = arith.constant 0 : i32
      %dma_start3A_187 = tpu.memref_slice %arg15[%mul3A_25, %dma_start3A_186] : memref<10000x128xf32, #tpu.memory_space<vmem_shared>> -> memref<640x128xf32, #tpu.memory_space<vmem_shared>>
      %dma_start3A_188 = arith.constant 0 : i32
      %dma_start3A_189 = tpu.memref_slice %arg6[%mul3A_25, %dma_start3A_188] : memref<10000x128xf32, #tpu.memory_space<hbm>> -> memref<640x128xf32, #tpu.memory_space<hbm>>
      tpu.enqueue_dma source(%dma_start3A_189 : memref<640x128xf32, #tpu.memory_space<hbm>>) target(%dma_start3A_187 : memref<640x128xf32, #tpu.memory_space<vmem_shared>>) target_semaphore(%run_scoped3A : memref<!tpu.dma_semaphore, #tpu.memory_space<semaphore_mem>>)
      %dma_wait3A_190 = arith.constant 0 : i32
      %dma_wait3A_191 = tpu.memref_slice %arg15[%mul3A_25, %dma_wait3A_190] : memref<10000x128xf32, #tpu.memory_space<vmem_shared>> -> memref<640x128xf32, #tpu.memory_space<vmem_shared>>
      %dma_wait3A_192 = arith.constant 0 : i32
      %dma_wait3A_193 = tpu.memref_slice %arg6[%mul3A_25, %dma_wait3A_192] : memref<10000x128xf32, #tpu.memory_space<hbm>> -> memref<640x128xf32, #tpu.memory_space<hbm>>
      tpu.wait_dma2 semaphore(%run_scoped3A : memref<!tpu.dma_semaphore, #tpu.memory_space<semaphore_mem>>) src(%dma_wait3A_193 : memref<640x128xf32, #tpu.memory_space<hbm>>) dst(%dma_wait3A_191 : memref<640x128xf32, #tpu.memory_space<vmem_shared>>)
      tpu.yield
    }) : () -> ()
    %dma_wait3A = arith.constant 0 : i32
    %dma_wait3A_26 = arith.constant 0 : i32
    %dma_wait3A_27 = tpu.memref_slice %arg3[%add3A, %dma_wait3A, %dma_wait3A_26] : memref<32x250x40xi32, #tpu.memory_space<hbm>> -> memref<1x250x40xi32, #tpu.memory_space<hbm>>
    %dma_wait3A_28 = tpu.memref_squeeze %dma_wait3A_27 : memref<1x250x40xi32, #tpu.memory_space<hbm>> -> memref<250x40xi32, #tpu.memory_space<hbm>>
    %dma_wait3A_29 = arith.constant 0 : i32
    %dma_wait3A_30 = arith.constant 0 : i32
    %dma_wait3A_31 = tpu.memref_slice %arg3[%add3A, %dma_wait3A_29, %dma_wait3A_30] : memref<32x250x40xi32, #tpu.memory_space<hbm>> -> memref<1x250x40xi32, #tpu.memory_space<hbm>>
    %dma_wait3A_32 = tpu.memref_squeeze %dma_wait3A_31 : memref<1x250x40xi32, #tpu.memory_space<hbm>> -> memref<250x40xi32, #tpu.memory_space<hbm>>
    tpu.wait_dma2 semaphore(%arg16 : memref<!tpu.dma_semaphore, #tpu.memory_space<semaphore_mem>>) src(%dma_wait3A_32 : memref<250x40xi32, #tpu.memory_space<hbm>>) dst(%arg8 : memref<250x40xi32, #tpu.memory_space<vmem>>)
    %dma_wait3A_33 = arith.constant 0 : i32
    %dma_wait3A_34 = arith.constant 0 : i32
    %dma_wait3A_35 = tpu.memref_slice %arg4[%add3A, %dma_wait3A_33, %dma_wait3A_34] : memref<32x250x40xi32, #tpu.memory_space<hbm>> -> memref<1x250x40xi32, #tpu.memory_space<hbm>>
    %dma_wait3A_36 = tpu.memref_squeeze %dma_wait3A_35 : memref<1x250x40xi32, #tpu.memory_space<hbm>> -> memref<250x40xi32, #tpu.memory_space<hbm>>
    %dma_wait3A_37 = arith.constant 0 : i32
    %dma_wait3A_38 = arith.constant 0 : i32
    %dma_wait3A_39 = tpu.memref_slice %arg4[%add3A, %dma_wait3A_37, %dma_wait3A_38] : memref<32x250x40xi32, #tpu.memory_space<hbm>> -> memref<1x250x40xi32, #tpu.memory_space<hbm>>
    %dma_wait3A_40 = tpu.memref_squeeze %dma_wait3A_39 : memref<1x250x40xi32, #tpu.memory_space<hbm>> -> memref<250x40xi32, #tpu.memory_space<hbm>>
    tpu.wait_dma2 semaphore(%arg16 : memref<!tpu.dma_semaphore, #tpu.memory_space<semaphore_mem>>) src(%dma_wait3A_40 : memref<250x40xi32, #tpu.memory_space<hbm>>) dst(%arg9 : memref<250x40xi32, #tpu.memory_space<vmem>>)
    %dma_wait3A_41 = arith.constant 0 : i32
    %dma_wait3A_42 = arith.constant 0 : i32
    %dma_wait3A_43 = tpu.memref_slice %arg5[%add3A, %dma_wait3A_41, %dma_wait3A_42] : memref<32x250x40xf32, #tpu.memory_space<hbm>> -> memref<1x250x40xf32, #tpu.memory_space<hbm>>
    %dma_wait3A_44 = tpu.memref_squeeze %dma_wait3A_43 : memref<1x250x40xf32, #tpu.memory_space<hbm>> -> memref<250x40xf32, #tpu.memory_space<hbm>>
    %dma_wait3A_45 = arith.constant 0 : i32
    %dma_wait3A_46 = arith.constant 0 : i32
    %dma_wait3A_47 = tpu.memref_slice %arg5[%add3A, %dma_wait3A_45, %dma_wait3A_46] : memref<32x250x40xf32, #tpu.memory_space<hbm>> -> memref<1x250x40xf32, #tpu.memory_space<hbm>>
    %dma_wait3A_48 = tpu.memref_squeeze %dma_wait3A_47 : memref<1x250x40xf32, #tpu.memory_space<hbm>> -> memref<250x40xf32, #tpu.memory_space<hbm>>
    tpu.wait_dma2 semaphore(%arg16 : memref<!tpu.dma_semaphore, #tpu.memory_space<semaphore_mem>>) src(%dma_wait3A_48 : memref<250x40xf32, #tpu.memory_space<hbm>>) dst(%arg10 : memref<250x40xf32, #tpu.memory_space<vmem>>)
    %barrier3A = arith.constant 0 : index
    tpu.barrier barrier_id(%barrier3A)
    %dma_start3A_49 = arith.constant 0 : i32
    %dma_start3A_50 = arith.constant 0 : i32
    %dma_start3A_51 = tpu.memref_slice %arg8[%dma_start3A_49, %dma_start3A_50] : memref<250x40xi32, #tpu.memory_space<vmem>> -> memref<1x40xi32, #tpu.memory_space<vmem>>
    %dma_start3A_52 = tpu.memref_squeeze %dma_start3A_51 : memref<1x40xi32, #tpu.memory_space<vmem>> -> memref<40xi32, #tpu.memory_space<vmem>>
    %dma_start3A_53 = arith.constant 0 : i32
    %dma_start3A_54 = arith.constant 0 : i32
    %dma_start3A_55 = tpu.memref_slice %arg2[%dma_start3A_53, %dma_start3A_54] : memref<10000x128xf32, #tpu.memory_space<hbm>> -> memref<10000x128xf32, #tpu.memory_space<hbm>>
    tpu.enqueue_indirect_dma source(%dma_start3A_55 : memref<10000x128xf32, #tpu.memory_space<hbm>>) target(%arg11 : memref<40x128xf32, #tpu.memory_space<vmem>>) offsets(%dma_start3A_52 : memref<40xi32, #tpu.memory_space<vmem>>) semaphore(%arg17 : memref<!tpu.dma_semaphore, #tpu.memory_space<semaphore_mem>>)
    %dma_start3A_56 = arith.constant 1 : i32
    %dma_start3A_57 = arith.constant 0 : i32
    %dma_start3A_58 = tpu.memref_slice %arg8[%dma_start3A_56, %dma_start3A_57] : memref<250x40xi32, #tpu.memory_space<vmem>> -> memref<1x40xi32, #tpu.memory_space<vmem>>
    %dma_start3A_59 = tpu.memref_squeeze %dma_start3A_58 : memref<1x40xi32, #tpu.memory_space<vmem>> -> memref<40xi32, #tpu.memory_space<vmem>>
    %dma_start3A_60 = arith.constant 0 : i32
    %dma_start3A_61 = arith.constant 0 : i32
    %dma_start3A_62 = tpu.memref_slice %arg2[%dma_start3A_60, %dma_start3A_61] : memref<10000x128xf32, #tpu.memory_space<hbm>> -> memref<10000x128xf32, #tpu.memory_space<hbm>>
    tpu.enqueue_indirect_dma source(%dma_start3A_62 : memref<10000x128xf32, #tpu.memory_space<hbm>>) target(%arg12 : memref<40x128xf32, #tpu.memory_space<vmem>>) offsets(%dma_start3A_59 : memref<40xi32, #tpu.memory_space<vmem>>) semaphore(%arg18 : memref<!tpu.dma_semaphore, #tpu.memory_space<semaphore_mem>>)
    %dma_wait3A_63 = arith.constant 0 : i32
    %dma_wait3A_64 = arith.constant 0 : i32
    %dma_wait3A_65 = tpu.memref_slice %arg8[%dma_wait3A_63, %dma_wait3A_64] : memref<250x40xi32, #tpu.memory_space<vmem>> -> memref<1x40xi32, #tpu.memory_space<vmem>>
    %dma_wait3A_66 = tpu.memref_squeeze %dma_wait3A_65 : memref<1x40xi32, #tpu.memory_space<vmem>> -> memref<40xi32, #tpu.memory_space<vmem>>
    %dma_wait3A_67 = arith.constant 0 : i32
    %dma_wait3A_68 = arith.constant 0 : i32
    %dma_wait3A_69 = tpu.memref_slice %arg2[%dma_wait3A_67, %dma_wait3A_68] : memref<10000x128xf32, #tpu.memory_space<hbm>> -> memref<10000x128xf32, #tpu.memory_space<hbm>>
    tpu.wait_indirect_dma semaphore(%arg17 : memref<!tpu.dma_semaphore, #tpu.memory_space<semaphore_mem>>) src(%dma_wait3A_69 : memref<10000x128xf32, #tpu.memory_space<hbm>>) dst(%arg11 : memref<40x128xf32, #tpu.memory_space<vmem>>)
    %scan3A = arith.constant 0 : i32
    %scan3A_70 = arith.constant 40 : i32
    %scan3A_71 = arith.addi %scan3A, %scan3A_70 : i32
    %scan3A_72 = arith.constant 1 : i32
    scf.for %scan3A_186 = %scan3A to %scan3A_71 step %scan3A_72  : i32 {
      %mul3A_187 = arith.constant 1 : i32
      %mul3A_188 = arith.muli %scan3A_186, %mul3A_187 : i32
      %add3A_189 = arith.constant 0 : i32
      %add3A_190 = arith.addi %add3A_189, %mul3A_188 : i32
      %jit3A = arith.constant 16 : i32
      %div3A = arith.divsi %add3A_190, %jit3A : i32
      %sign3A = arith.constant 0 : i32
      %sign3A_191 = arith.cmpi sgt, %add3A_190, %sign3A : i32
      %sign3A_192 = arith.extui %sign3A_191 : i1 to i32
      %sign3A_193 = arith.constant 0 : i32
      %sign3A_194 = arith.cmpi slt, %add3A_190, %sign3A_193 : i32
      %sign3A_195 = arith.extui %sign3A_194 : i1 to i32
      %sign3A_196 = arith.subi %sign3A_192, %sign3A_195 : i32
      %sign3A_197 = arith.constant 0 : i32
      %sign3A_198 = arith.cmpi sgt, %jit3A, %sign3A_197 : i32
      %sign3A_199 = arith.extui %sign3A_198 : i1 to i32
      %sign3A_200 = arith.constant 0 : i32
      %sign3A_201 = arith.cmpi slt, %jit3A, %sign3A_200 : i32
      %sign3A_202 = arith.extui %sign3A_201 : i1 to i32
      %sign3A_203 = arith.subi %sign3A_199, %sign3A_202 : i32
      %ne3A = arith.cmpi ne, %sign3A_196, %sign3A_203 : i32
      %rem3A = arith.remsi %add3A_190, %jit3A : i32
      %ne3A_204 = arith.constant 0 : i32
      %ne3A_205 = arith.cmpi ne, %rem3A, %ne3A_204 : i32
      %and3A = arith.andi %ne3A, %ne3A_205 : i1
      %sub3A = arith.constant 1 : i32
      %sub3A_206 = arith.subi %div3A, %sub3A : i32
      %select_n3A = arith.select %and3A, %sub3A_206, %div3A : i32
      %mul3A_207 = arith.constant 16 : i32
      %mul3A_208 = arith.muli %select_n3A, %mul3A_207 : i32
      %min3A = arith.constant 24 : i32
      %min3A_209 = arith.minsi %mul3A_208, %min3A : i32
      %get3A = arith.constant 0 : i32
      %get3A_210 = arith.index_cast %get3A : i32 to index
      %get3A_211 = arith.index_cast %min3A_209 : i32 to index
      %get3A_212 = tpu.vector_load %arg10[%get3A_210, %get3A_211] {strides = array<i32>} : memref<250x40xf32, #tpu.memory_space<vmem>>, vector<1x16xf32>,
      %get3A_213 = vector.shape_cast %get3A_212 : vector<1x16xf32> to vector<16xf32>
      %broadcast_in_dim3A = vector.broadcast %add3A_190 : i32 to vector<16xi32>
      %sub3A_214 = vector.broadcast %min3A_209 : i32 to vector<16xi32>
      %sub3A_215 = arith.subi %broadcast_in_dim3A, %sub3A_214 : vector<16xi32>
      %lt3A = arith.constant 0 : i32
      %lt3A_216 = vector.broadcast %lt3A : i32 to vector<16xi32>
      %lt3A_217 = arith.cmpi slt, %sub3A_215, %lt3A_216 : vector<16xi32>
      %add3A_218 = arith.constant 16 : i32
      %add3A_219 = vector.broadcast %add3A_218 : i32 to vector<16xi32>
      %add3A_220 = arith.addi %sub3A_215, %add3A_219 : vector<16xi32>
      %select_n3A_221 = arith.select %lt3A_217, %add3A_220, %sub3A_215 : vector<16xi1>, vector<16xi32>
      %broadcast_in_dim3A_222 = vector.shape_cast %select_n3A_221 : vector<16xi32> to vector<16x1xi32>
      %gather3A = vector.shape_cast %broadcast_in_dim3A_222 : vector<16x1xi32> to vector<16xi32>
      %gather3A_223 = tpu.dynamic_gather %get3A_213[%gather3A] in [0] : vector<16xf32>, vector<16xi32> -> vector<16xf32>
      %get3A_224 = arith.index_cast %add3A_190 : i32 to index
      %get3A_225 = arith.constant 0 : index
      %get3A_226 = tpu.vector_load %arg11[%get3A_224, %get3A_225] {strides = array<i32>} : memref<40x128xf32, #tpu.memory_space<vmem>>, vector<1x16xf32>,
      %get3A_227 = vector.shape_cast %get3A_226 : vector<1x16xf32> to vector<16xf32>
      %mul3A_228 = arith.mulf %get3A_227, %gather3A_223 : vector<16xf32>
      %swap3A = arith.index_cast %add3A_190 : i32 to index
      %swap3A_229 = arith.constant 0 : index
      %swap3A_230 = tpu.vector_load %arg13[%swap3A, %swap3A_229] {strides = array<i32>} : memref<40x128xf32, #tpu.memory_space<vmem>>, vector<1x16xf32>,
      %swap3A_231 = vector.shape_cast %swap3A_230 : vector<1x16xf32> to vector<16xf32>
      %swap3A_232 = vector.shape_cast %mul3A_228 : vector<16xf32> to vector<1x16xf32>
      tpu.vector_store %arg13[%swap3A, %swap3A_229], %swap3A_232 {strides = array<i32>} : memref<40x128xf32, #tpu.memory_space<vmem>>, vector<1x16xf32>,
      %get3A_233 = arith.index_cast %add3A_190 : i32 to index
      %get3A_234 = arith.constant 16 : index
      %get3A_235 = tpu.vector_load %arg11[%get3A_233, %get3A_234] {strides = array<i32>} : memref<40x128xf32, #tpu.memory_space<vmem>>, vector<1x16xf32>,
      %get3A_236 = vector.shape_cast %get3A_235 : vector<1x16xf32> to vector<16xf32>
      %mul3A_237 = arith.mulf %get3A_236, %gather3A_223 : vector<16xf32>
      %swap3A_238 = arith.index_cast %add3A_190 : i32 to index
      %swap3A_239 = arith.constant 16 : index
      %swap3A_240 = tpu.vector_load %arg13[%swap3A_238, %swap3A_239] {strides = array<i32>} : memref<40x128xf32, #tpu.memory_space<vmem>>, vector<1x16xf32>,
      %swap3A_241 = vector.shape_cast %swap3A_240 : vector<1x16xf32> to vector<16xf32>
      %swap3A_242 = vector.shape_cast %mul3A_237 : vector<16xf32> to vector<1x16xf32>
      tpu.vector_store %arg13[%swap3A_238, %swap3A_239], %swap3A_242 {strides = array<i32>} : memref<40x128xf32, #tpu.memory_space<vmem>>, vector<1x16xf32>,
      %get3A_243 = arith.index_cast %add3A_190 : i32 to index
      %get3A_244 = arith.constant 32 : index
      %get3A_245 = tpu.vector_load %arg11[%get3A_243, %get3A_244] {strides = array<i32>} : memref<40x128xf32, #tpu.memory_space<vmem>>, vector<1x16xf32>,
      %get3A_246 = vector.shape_cast %get3A_245 : vector<1x16xf32> to vector<16xf32>
      %mul3A_247 = arith.mulf %get3A_246, %gather3A_223 : vector<16xf32>
      %swap3A_248 = arith.index_cast %add3A_190 : i32 to index
      %swap3A_249 = arith.constant 32 : index
      %swap3A_250 = tpu.vector_load %arg13[%swap3A_248, %swap3A_249] {strides = array<i32>} : memref<40x128xf32, #tpu.memory_space<vmem>>, vector<1x16xf32>,
      %swap3A_251 = vector.shape_cast %swap3A_250 : vector<1x16xf32> to vector<16xf32>
      %swap3A_252 = vector.shape_cast %mul3A_247 : vector<16xf32> to vector<1x16xf32>
      tpu.vector_store %arg13[%swap3A_248, %swap3A_249], %swap3A_252 {strides = array<i32>} : memref<40x128xf32, #tpu.memory_space<vmem>>, vector<1x16xf32>,
      %get3A_253 = arith.index_cast %add3A_190 : i32 to index
      %get3A_254 = arith.constant 48 : index
      %get3A_255 = tpu.vector_load %arg11[%get3A_253, %get3A_254] {strides = array<i32>} : memref<40x128xf32, #tpu.memory_space<vmem>>, vector<1x16xf32>,
      %get3A_256 = vector.shape_cast %get3A_255 : vector<1x16xf32> to vector<16xf32>
      %mul3A_257 = arith.mulf %get3A_256, %gather3A_223 : vector<16xf32>
      %swap3A_258 = arith.index_cast %add3A_190 : i32 to index
      %swap3A_259 = arith.constant 48 : index
      %swap3A_260 = tpu.vector_load %arg13[%swap3A_258, %swap3A_259] {strides = array<i32>} : memref<40x128xf32, #tpu.memory_space<vmem>>, vector<1x16xf32>,
      %swap3A_261 = vector.shape_cast %swap3A_260 : vector<1x16xf32> to vector<16xf32>
      %swap3A_262 = vector.shape_cast %mul3A_257 : vector<16xf32> to vector<1x16xf32>
      tpu.vector_store %arg13[%swap3A_258, %swap3A_259], %swap3A_262 {strides = array<i32>} : memref<40x128xf32, #tpu.memory_space<vmem>>, vector<1x16xf32>,
      %get3A_263 = arith.index_cast %add3A_190 : i32 to index
      %get3A_264 = arith.constant 64 : index
      %get3A_265 = tpu.vector_load %arg11[%get3A_263, %get3A_264] {strides = array<i32>} : memref<40x128xf32, #tpu.memory_space<vmem>>, vector<1x16xf32>,
      %get3A_266 = vector.shape_cast %get3A_265 : vector<1x16xf32> to vector<16xf32>
      %mul3A_267 = arith.mulf %get3A_266, %gather3A_223 : vector<16xf32>
      %swap3A_268 = arith.index_cast %add3A_190 : i32 to index
      %swap3A_269 = arith.constant 64 : index
      %swap3A_270 = tpu.vector_load %arg13[%swap3A_268, %swap3A_269] {strides = array<i32>} : memref<40x128xf32, #tpu.memory_space<vmem>>, vector<1x16xf32>,
      %swap3A_271 = vector.shape_cast %swap3A_270 : vector<1x16xf32> to vector<16xf32>
      %swap3A_272 = vector.shape_cast %mul3A_267 : vector<16xf32> to vector<1x16xf32>
      tpu.vector_store %arg13[%swap3A_268, %swap3A_269], %swap3A_272 {strides = array<i32>} : memref<40x128xf32, #tpu.memory_space<vmem>>, vector<1x16xf32>,
      %get3A_273 = arith.index_cast %add3A_190 : i32 to index
      %get3A_274 = arith.constant 80 : index
      %get3A_275 = tpu.vector_load %arg11[%get3A_273, %get3A_274] {strides = array<i32>} : memref<40x128xf32, #tpu.memory_space<vmem>>, vector<1x16xf32>,
      %get3A_276 = vector.shape_cast %get3A_275 : vector<1x16xf32> to vector<16xf32>
      %mul3A_277 = arith.mulf %get3A_276, %gather3A_223 : vector<16xf32>
      %swap3A_278 = arith.index_cast %add3A_190 : i32 to index
      %swap3A_279 = arith.constant 80 : index
      %swap3A_280 = tpu.vector_load %arg13[%swap3A_278, %swap3A_279] {strides = array<i32>} : memref<40x128xf32, #tpu.memory_space<vmem>>, vector<1x16xf32>,
      %swap3A_281 = vector.shape_cast %swap3A_280 : vector<1x16xf32> to vector<16xf32>
      %swap3A_282 = vector.shape_cast %mul3A_277 : vector<16xf32> to vector<1x16xf32>
      tpu.vector_store %arg13[%swap3A_278, %swap3A_279], %swap3A_282 {strides = array<i32>} : memref<40x128xf32, #tpu.memory_space<vmem>>, vector<1x16xf32>,
      %get3A_283 = arith.index_cast %add3A_190 : i32 to index
      %get3A_284 = arith.constant 96 : index
      %get3A_285 = tpu.vector_load %arg11[%get3A_283, %get3A_284] {strides = array<i32>} : memref<40x128xf32, #tpu.memory_space<vmem>>, vector<1x16xf32>,
      %get3A_286 = vector.shape_cast %get3A_285 : vector<1x16xf32> to vector<16xf32>
      %mul3A_287 = arith.mulf %get3A_286, %gather3A_223 : vector<16xf32>
      %swap3A_288 = arith.index_cast %add3A_190 : i32 to index
      %swap3A_289 = arith.constant 96 : index
      %swap3A_290 = tpu.vector_load %arg13[%swap3A_288, %swap3A_289] {strides = array<i32>} : memref<40x128xf32, #tpu.memory_space<vmem>>, vector<1x16xf32>,
      %swap3A_291 = vector.shape_cast %swap3A_290 : vector<1x16xf32> to vector<16xf32>
      %swap3A_292 = vector.shape_cast %mul3A_287 : vector<16xf32> to vector<1x16xf32>
      tpu.vector_store %arg13[%swap3A_288, %swap3A_289], %swap3A_292 {strides = array<i32>} : memref<40x128xf32, #tpu.memory_space<vmem>>, vector<1x16xf32>,
      %get3A_293 = arith.index_cast %add3A_190 : i32 to index
      %get3A_294 = arith.constant 112 : index
      %get3A_295 = tpu.vector_load %arg11[%get3A_293, %get3A_294] {strides = array<i32>} : memref<40x128xf32, #tpu.memory_space<vmem>>, vector<1x16xf32>,
      %get3A_296 = vector.shape_cast %get3A_295 : vector<1x16xf32> to vector<16xf32>
      %mul3A_297 = arith.mulf %get3A_296, %gather3A_223 : vector<16xf32>
      %swap3A_298 = arith.index_cast %add3A_190 : i32 to index
      %swap3A_299 = arith.constant 112 : index
      %swap3A_300 = tpu.vector_load %arg13[%swap3A_298, %swap3A_299] {strides = array<i32>} : memref<40x128xf32, #tpu.memory_space<vmem>>, vector<1x16xf32>,
      %swap3A_301 = vector.shape_cast %swap3A_300 : vector<1x16xf32> to vector<16xf32>
      %swap3A_302 = vector.shape_cast %mul3A_297 : vector<16xf32> to vector<1x16xf32>
      tpu.vector_store %arg13[%swap3A_298, %swap3A_299], %swap3A_302 {strides = array<i32>} : memref<40x128xf32, #tpu.memory_space<vmem>>, vector<1x16xf32>,
    }
    %scan3A_73 = arith.constant 40 : i32
    %dma_start3A_74 = arith.constant 2 : i32
    %dma_start3A_75 = arith.constant 0 : i32
    %dma_start3A_76 = tpu.memref_slice %arg8[%dma_start3A_74, %dma_start3A_75] : memref<250x40xi32, #tpu.memory_space<vmem>> -> memref<1x40xi32, #tpu.memory_space<vmem>>
    %dma_start3A_77 = tpu.memref_squeeze %dma_start3A_76 : memref<1x40xi32, #tpu.memory_space<vmem>> -> memref<40xi32, #tpu.memory_space<vmem>>
    %dma_start3A_78 = arith.constant 0 : i32
    %dma_start3A_79 = arith.constant 0 : i32
    %dma_start3A_80 = tpu.memref_slice %arg2[%dma_start3A_78, %dma_start3A_79] : memref<10000x128xf32, #tpu.memory_space<hbm>> -> memref<10000x128xf32, #tpu.memory_space<hbm>>
    tpu.enqueue_indirect_dma source(%dma_start3A_80 : memref<10000x128xf32, #tpu.memory_space<hbm>>) target(%arg11 : memref<40x128xf32, #tpu.memory_space<vmem>>) offsets(%dma_start3A_77 : memref<40xi32, #tpu.memory_space<vmem>>) semaphore(%arg17 : memref<!tpu.dma_semaphore, #tpu.memory_space<semaphore_mem>>)
    %dma_start3A_81 = arith.constant 0 : i32
    %dma_start3A_82 = arith.constant 0 : i32
    %dma_start3A_83 = tpu.memref_slice %arg9[%dma_start3A_81, %dma_start3A_82] : memref<250x40xi32, #tpu.memory_space<vmem>> -> memref<1x40xi32, #tpu.memory_space<vmem>>
    %dma_start3A_84 = tpu.memref_squeeze %dma_start3A_83 : memref<1x40xi32, #tpu.memory_space<vmem>> -> memref<40xi32, #tpu.memory_space<vmem>>
    %dma_start3A_85 = arith.constant 0 : i32
    %dma_start3A_86 = arith.constant 0 : i32
    %dma_start3A_87 = tpu.memref_slice %arg15[%dma_start3A_85, %dma_start3A_86] : memref<10000x128xf32, #tpu.memory_space<vmem_shared>> -> memref<10000x128xf32, #tpu.memory_space<vmem_shared>>
    tpu.enqueue_indirect_dma source(%arg13 : memref<40x128xf32, #tpu.memory_space<vmem>>) target(%dma_start3A_87 : memref<10000x128xf32, #tpu.memory_space<vmem_shared>>) offsets(%dma_start3A_84 : memref<40xi32, #tpu.memory_space<vmem>>) semaphore(%arg19 : memref<!tpu.dma_semaphore, #tpu.memory_space<semaphore_mem>>) {add = true}
    %dma_wait3A_88 = arith.constant 0 : i32
    %dma_wait3A_89 = arith.constant 0 : i32
    %dma_wait3A_90 = tpu.memref_slice %arg8[%dma_wait3A_88, %dma_wait3A_89] : memref<250x40xi32, #tpu.memory_space<vmem>> -> memref<1x40xi32, #tpu.memory_space<vmem>>
    %dma_wait3A_91 = tpu.memref_squeeze %dma_wait3A_90 : memref<1x40xi32, #tpu.memory_space<vmem>> -> memref<40xi32, #tpu.memory_space<vmem>>
    %dma_wait3A_92 = arith.constant 0 : i32
    %dma_wait3A_93 = arith.constant 0 : i32
    %dma_wait3A_94 = tpu.memref_slice %arg2[%dma_wait3A_92, %dma_wait3A_93] : memref<10000x128xf32, #tpu.memory_space<hbm>> -> memref<10000x128xf32, #tpu.memory_space<hbm>>
    tpu.wait_indirect_dma semaphore(%arg18 : memref<!tpu.dma_semaphore, #tpu.memory_space<semaphore_mem>>) src(%dma_wait3A_94 : memref<10000x128xf32, #tpu.memory_space<hbm>>) dst(%arg12 : memref<40x128xf32, #tpu.memory_space<vmem>>)
    %scan3A_95 = arith.constant 0 : i32
    %scan3A_96 = arith.constant 40 : i32
    %scan3A_97 = arith.addi %scan3A_95, %scan3A_96 : i32
    %scan3A_98 = arith.constant 1 : i32
    scf.for %scan3A_186 = %scan3A_95 to %scan3A_97 step %scan3A_98  : i32 {
      %mul3A_187 = arith.constant 1 : i32
      %mul3A_188 = arith.muli %scan3A_186, %mul3A_187 : i32
      %add3A_189 = arith.constant 0 : i32
      %add3A_190 = arith.addi %add3A_189, %mul3A_188 : i32
      %jit3A = arith.constant 16 : i32
      %div3A = arith.divsi %add3A_190, %jit3A : i32
      %sign3A = arith.constant 0 : i32
      %sign3A_191 = arith.cmpi sgt, %add3A_190, %sign3A : i32
      %sign3A_192 = arith.extui %sign3A_191 : i1 to i32
      %sign3A_193 = arith.constant 0 : i32
      %sign3A_194 = arith.cmpi slt, %add3A_190, %sign3A_193 : i32
      %sign3A_195 = arith.extui %sign3A_194 : i1 to i32
      %sign3A_196 = arith.subi %sign3A_192, %sign3A_195 : i32
      %sign3A_197 = arith.constant 0 : i32
      %sign3A_198 = arith.cmpi sgt, %jit3A, %sign3A_197 : i32
      %sign3A_199 = arith.extui %sign3A_198 : i1 to i32
      %sign3A_200 = arith.constant 0 : i32
      %sign3A_201 = arith.cmpi slt, %jit3A, %sign3A_200 : i32
      %sign3A_202 = arith.extui %sign3A_201 : i1 to i32
      %sign3A_203 = arith.subi %sign3A_199, %sign3A_202 : i32
      %ne3A = arith.cmpi ne, %sign3A_196, %sign3A_203 : i32
      %rem3A = arith.remsi %add3A_190, %jit3A : i32
      %ne3A_204 = arith.constant 0 : i32
      %ne3A_205 = arith.cmpi ne, %rem3A, %ne3A_204 : i32
      %and3A = arith.andi %ne3A, %ne3A_205 : i1
      %sub3A = arith.constant 1 : i32
      %sub3A_206 = arith.subi %div3A, %sub3A : i32
      %select_n3A = arith.select %and3A, %sub3A_206, %div3A : i32
      %mul3A_207 = arith.constant 16 : i32
      %mul3A_208 = arith.muli %select_n3A, %mul3A_207 : i32
      %min3A = arith.constant 24 : i32
      %min3A_209 = arith.minsi %mul3A_208, %min3A : i32
      %get3A = arith.constant 1 : i32
      %get3A_210 = arith.index_cast %get3A : i32 to index
      %get3A_211 = arith.index_cast %min3A_209 : i32 to index
      %get3A_212 = tpu.vector_load %arg10[%get3A_210, %get3A_211] {strides = array<i32>} : memref<250x40xf32, #tpu.memory_space<vmem>>, vector<1x16xf32>,
      %get3A_213 = vector.shape_cast %get3A_212 : vector<1x16xf32> to vector<16xf32>
      %broadcast_in_dim3A = vector.broadcast %add3A_190 : i32 to vector<16xi32>
      %sub3A_214 = vector.broadcast %min3A_209 : i32 to vector<16xi32>
      %sub3A_215 = arith.subi %broadcast_in_dim3A, %sub3A_214 : vector<16xi32>
      %lt3A = arith.constant 0 : i32
      %lt3A_216 = vector.broadcast %lt3A : i32 to vector<16xi32>
      %lt3A_217 = arith.cmpi slt, %sub3A_215, %lt3A_216 : vector<16xi32>
      %add3A_218 = arith.constant 16 : i32
      %add3A_219 = vector.broadcast %add3A_218 : i32 to vector<16xi32>
      %add3A_220 = arith.addi %sub3A_215, %add3A_219 : vector<16xi32>
      %select_n3A_221 = arith.select %lt3A_217, %add3A_220, %sub3A_215 : vector<16xi1>, vector<16xi32>
      %broadcast_in_dim3A_222 = vector.shape_cast %select_n3A_221 : vector<16xi32> to vector<16x1xi32>
      %gather3A = vector.shape_cast %broadcast_in_dim3A_222 : vector<16x1xi32> to vector<16xi32>
      %gather3A_223 = tpu.dynamic_gather %get3A_213[%gather3A] in [0] : vector<16xf32>, vector<16xi32> -> vector<16xf32>
      %get3A_224 = arith.index_cast %add3A_190 : i32 to index
      %get3A_225 = arith.constant 0 : index
      %get3A_226 = tpu.vector_load %arg12[%get3A_224, %get3A_225] {strides = array<i32>} : memref<40x128xf32, #tpu.memory_space<vmem>>, vector<1x16xf32>,
      %get3A_227 = vector.shape_cast %get3A_226 : vector<1x16xf32> to vector<16xf32>
      %mul3A_228 = arith.mulf %get3A_227, %gather3A_223 : vector<16xf32>
      %swap3A = arith.index_cast %add3A_190 : i32 to index
      %swap3A_229 = arith.constant 0 : index
      %swap3A_230 = tpu.vector_load %arg14[%swap3A, %swap3A_229] {strides = array<i32>} : memref<40x128xf32, #tpu.memory_space<vmem>>, vector<1x16xf32>,
      %swap3A_231 = vector.shape_cast %swap3A_230 : vector<1x16xf32> to vector<16xf32>
      %swap3A_232 = vector.shape_cast %mul3A_228 : vector<16xf32> to vector<1x16xf32>
      tpu.vector_store %arg14[%swap3A, %swap3A_229], %swap3A_232 {strides = array<i32>} : memref<40x128xf32, #tpu.memory_space<vmem>>, vector<1x16xf32>,
      %get3A_233 = arith.index_cast %add3A_190 : i32 to index
      %get3A_234 = arith.constant 16 : index
      %get3A_235 = tpu.vector_load %arg12[%get3A_233, %get3A_234] {strides = array<i32>} : memref<40x128xf32, #tpu.memory_space<vmem>>, vector<1x16xf32>,
      %get3A_236 = vector.shape_cast %get3A_235 : vector<1x16xf32> to vector<16xf32>
      %mul3A_237 = arith.mulf %get3A_236, %gather3A_223 : vector<16xf32>
      %swap3A_238 = arith.index_cast %add3A_190 : i32 to index
      %swap3A_239 = arith.constant 16 : index
      %swap3A_240 = tpu.vector_load %arg14[%swap3A_238, %swap3A_239] {strides = array<i32>} : memref<40x128xf32, #tpu.memory_space<vmem>>, vector<1x16xf32>,
      %swap3A_241 = vector.shape_cast %swap3A_240 : vector<1x16xf32> to vector<16xf32>
      %swap3A_242 = vector.shape_cast %mul3A_237 : vector<16xf32> to vector<1x16xf32>
      tpu.vector_store %arg14[%swap3A_238, %swap3A_239], %swap3A_242 {strides = array<i32>} : memref<40x128xf32, #tpu.memory_space<vmem>>, vector<1x16xf32>,
      %get3A_243 = arith.index_cast %add3A_190 : i32 to index
      %get3A_244 = arith.constant 32 : index
      %get3A_245 = tpu.vector_load %arg12[%get3A_243, %get3A_244] {strides = array<i32>} : memref<40x128xf32, #tpu.memory_space<vmem>>, vector<1x16xf32>,
      %get3A_246 = vector.shape_cast %get3A_245 : vector<1x16xf32> to vector<16xf32>
      %mul3A_247 = arith.mulf %get3A_246, %gather3A_223 : vector<16xf32>
      %swap3A_248 = arith.index_cast %add3A_190 : i32 to index
      %swap3A_249 = arith.constant 32 : index
      %swap3A_250 = tpu.vector_load %arg14[%swap3A_248, %swap3A_249] {strides = array<i32>} : memref<40x128xf32, #tpu.memory_space<vmem>>, vector<1x16xf32>,
      %swap3A_251 = vector.shape_cast %swap3A_250 : vector<1x16xf32> to vector<16xf32>
      %swap3A_252 = vector.shape_cast %mul3A_247 : vector<16xf32> to vector<1x16xf32>
      tpu.vector_store %arg14[%swap3A_248, %swap3A_249], %swap3A_252 {strides = array<i32>} : memref<40x128xf32, #tpu.memory_space<vmem>>, vector<1x16xf32>,
      %get3A_253 = arith.index_cast %add3A_190 : i32 to index
      %get3A_254 = arith.constant 48 : index
      %get3A_255 = tpu.vector_load %arg12[%get3A_253, %get3A_254] {strides = array<i32>} : memref<40x128xf32, #tpu.memory_space<vmem>>, vector<1x16xf32>,
      %get3A_256 = vector.shape_cast %get3A_255 : vector<1x16xf32> to vector<16xf32>
      %mul3A_257 = arith.mulf %get3A_256, %gather3A_223 : vector<16xf32>
      %swap3A_258 = arith.index_cast %add3A_190 : i32 to index
      %swap3A_259 = arith.constant 48 : index
      %swap3A_260 = tpu.vector_load %arg14[%swap3A_258, %swap3A_259] {strides = array<i32>} : memref<40x128xf32, #tpu.memory_space<vmem>>, vector<1x16xf32>,
      %swap3A_261 = vector.shape_cast %swap3A_260 : vector<1x16xf32> to vector<16xf32>
      %swap3A_262 = vector.shape_cast %mul3A_257 : vector<16xf32> to vector<1x16xf32>
      tpu.vector_store %arg14[%swap3A_258, %swap3A_259], %swap3A_262 {strides = array<i32>} : memref<40x128xf32, #tpu.memory_space<vmem>>, vector<1x16xf32>,
      %get3A_263 = arith.index_cast %add3A_190 : i32 to index
      %get3A_264 = arith.constant 64 : index
      %get3A_265 = tpu.vector_load %arg12[%get3A_263, %get3A_264] {strides = array<i32>} : memref<40x128xf32, #tpu.memory_space<vmem>>, vector<1x16xf32>,
      %get3A_266 = vector.shape_cast %get3A_265 : vector<1x16xf32> to vector<16xf32>
      %mul3A_267 = arith.mulf %get3A_266, %gather3A_223 : vector<16xf32>
      %swap3A_268 = arith.index_cast %add3A_190 : i32 to index
      %swap3A_269 = arith.constant 64 : index
      %swap3A_270 = tpu.vector_load %arg14[%swap3A_268, %swap3A_269] {strides = array<i32>} : memref<40x128xf32, #tpu.memory_space<vmem>>, vector<1x16xf32>,
      %swap3A_271 = vector.shape_cast %swap3A_270 : vector<1x16xf32> to vector<16xf32>
      %swap3A_272 = vector.shape_cast %mul3A_267 : vector<16xf32> to vector<1x16xf32>
      tpu.vector_store %arg14[%swap3A_268, %swap3A_269], %swap3A_272 {strides = array<i32>} : memref<40x128xf32, #tpu.memory_space<vmem>>, vector<1x16xf32>,
      %get3A_273 = arith.index_cast %add3A_190 : i32 to index
      %get3A_274 = arith.constant 80 : index
      %get3A_275 = tpu.vector_load %arg12[%get3A_273, %get3A_274] {strides = array<i32>} : memref<40x128xf32, #tpu.memory_space<vmem>>, vector<1x16xf32>,
      %get3A_276 = vector.shape_cast %get3A_275 : vector<1x16xf32> to vector<16xf32>
      %mul3A_277 = arith.mulf %get3A_276, %gather3A_223 : vector<16xf32>
      %swap3A_278 = arith.index_cast %add3A_190 : i32 to index
      %swap3A_279 = arith.constant 80 : index
      %swap3A_280 = tpu.vector_load %arg14[%swap3A_278, %swap3A_279] {strides = array<i32>} : memref<40x128xf32, #tpu.memory_space<vmem>>, vector<1x16xf32>,
      %swap3A_281 = vector.shape_cast %swap3A_280 : vector<1x16xf32> to vector<16xf32>
      %swap3A_282 = vector.shape_cast %mul3A_277 : vector<16xf32> to vector<1x16xf32>
      tpu.vector_store %arg14[%swap3A_278, %swap3A_279], %swap3A_282 {strides = array<i32>} : memref<40x128xf32, #tpu.memory_space<vmem>>, vector<1x16xf32>,
      %get3A_283 = arith.index_cast %add3A_190 : i32 to index
      %get3A_284 = arith.constant 96 : index
      %get3A_285 = tpu.vector_load %arg12[%get3A_283, %get3A_284] {strides = array<i32>} : memref<40x128xf32, #tpu.memory_space<vmem>>, vector<1x16xf32>,
      %get3A_286 = vector.shape_cast %get3A_285 : vector<1x16xf32> to vector<16xf32>
      %mul3A_287 = arith.mulf %get3A_286, %gather3A_223 : vector<16xf32>
      %swap3A_288 = arith.index_cast %add3A_190 : i32 to index
      %swap3A_289 = arith.constant 96 : index
      %swap3A_290 = tpu.vector_load %arg14[%swap3A_288, %swap3A_289] {strides = array<i32>} : memref<40x128xf32, #tpu.memory_space<vmem>>, vector<1x16xf32>,
      %swap3A_291 = vector.shape_cast %swap3A_290 : vector<1x16xf32> to vector<16xf32>
      %swap3A_292 = vector.shape_cast %mul3A_287 : vector<16xf32> to vector<1x16xf32>
      tpu.vector_store %arg14[%swap3A_288, %swap3A_289], %swap3A_292 {strides = array<i32>} : memref<40x128xf32, #tpu.memory_space<vmem>>, vector<1x16xf32>,
      %get3A_293 = arith.index_cast %add3A_190 : i32 to index
      %get3A_294 = arith.constant 112 : index
      %get3A_295 = tpu.vector_load %arg12[%get3A_293, %get3A_294] {strides = array<i32>} : memref<40x128xf32, #tpu.memory_space<vmem>>, vector<1x16xf32>,
      %get3A_296 = vector.shape_cast %get3A_295 : vector<1x16xf32> to vector<16xf32>
      %mul3A_297 = arith.mulf %get3A_296, %gather3A_223 : vector<16xf32>
      %swap3A_298 = arith.index_cast %add3A_190 : i32 to index
      %swap3A_299 = arith.constant 112 : index
      %swap3A_300 = tpu.vector_load %arg14[%swap3A_298, %swap3A_299] {strides = array<i32>} : memref<40x128xf32, #tpu.memory_space<vmem>>, vector<1x16xf32>,
      %swap3A_301 = vector.shape_cast %swap3A_300 : vector<1x16xf32> to vector<16xf32>
      %swap3A_302 = vector.shape_cast %mul3A_297 : vector<16xf32> to vector<1x16xf32>
      tpu.vector_store %arg14[%swap3A_298, %swap3A_299], %swap3A_302 {strides = array<i32>} : memref<40x128xf32, #tpu.memory_space<vmem>>, vector<1x16xf32>,
    }
    %scan3A_99 = arith.constant 40 : i32
    %dma_start3A_100 = arith.constant 3 : i32
    %dma_start3A_101 = arith.constant 0 : i32
    %dma_start3A_102 = tpu.memref_slice %arg8[%dma_start3A_100, %dma_start3A_101] : memref<250x40xi32, #tpu.memory_space<vmem>> -> memref<1x40xi32, #tpu.memory_space<vmem>>
    %dma_start3A_103 = tpu.memref_squeeze %dma_start3A_102 : memref<1x40xi32, #tpu.memory_space<vmem>> -> memref<40xi32, #tpu.memory_space<vmem>>
    %dma_start3A_104 = arith.constant 0 : i32
    %dma_start3A_105 = arith.constant 0 : i32
    %dma_start3A_106 = tpu.memref_slice %arg2[%dma_start3A_104, %dma_start3A_105] : memref<10000x128xf32, #tpu.memory_space<hbm>> -> memref<10000x128xf32, #tpu.memory_space<hbm>>
    tpu.enqueue_indirect_dma source(%dma_start3A_106 : memref<10000x128xf32, #tpu.memory_space<hbm>>) target(%arg12 : memref<40x128xf32, #tpu.memory_space<vmem>>) offsets(%dma_start3A_103 : memref<40xi32, #tpu.memory_space<vmem>>) semaphore(%arg18 : memref<!tpu.dma_semaphore, #tpu.memory_space<semaphore_mem>>)
    %dma_start3A_107 = arith.constant 1 : i32
    %dma_start3A_108 = arith.constant 0 : i32
    %dma_start3A_109 = tpu.memref_slice %arg9[%dma_start3A_107, %dma_start3A_108] : memref<250x40xi32, #tpu.memory_space<vmem>> -> memref<1x40xi32, #tpu.memory_space<vmem>>
    %dma_start3A_110 = tpu.memref_squeeze %dma_start3A_109 : memref<1x40xi32, #tpu.memory_space<vmem>> -> memref<40xi32, #tpu.memory_space<vmem>>
    %dma_start3A_111 = arith.constant 0 : i32
    %dma_start3A_112 = arith.constant 0 : i32
    %dma_start3A_113 = tpu.memref_slice %arg15[%dma_start3A_111, %dma_start3A_112] : memref<10000x128xf32, #tpu.memory_space<vmem_shared>> -> memref<10000x128xf32, #tpu.memory_space<vmem_shared>>
    tpu.enqueue_indirect_dma source(%arg14 : memref<40x128xf32, #tpu.memory_space<vmem>>) target(%dma_start3A_113 : memref<10000x128xf32, #tpu.memory_space<vmem_shared>>) offsets(%dma_start3A_110 : memref<40xi32, #tpu.memory_space<vmem>>) semaphore(%arg20 : memref<!tpu.dma_semaphore, #tpu.memory_space<semaphore_mem>>) {add = true}
    %scan3A_114 = arith.constant 0 : i32
    %scan3A_115 = arith.constant 123 : i32
    %scan3A_116 = arith.addi %scan3A_114, %scan3A_115 : i32
    %scan3A_117 = arith.constant 1 : i32
    scf.for %scan3A_186 = %scan3A_114 to %scan3A_116 step %scan3A_117  : i32 {
      %mul3A_187 = arith.constant 2 : i32
      %mul3A_188 = arith.muli %scan3A_186, %mul3A_187 : i32
      %add3A_189 = arith.constant 2 : i32
      %add3A_190 = arith.addi %add3A_189, %mul3A_188 : i32
      %add3A_191 = arith.constant 0 : i32
      %add3A_192 = arith.addi %add3A_190, %add3A_191 : i32
      %dma_wait3A_193 = arith.constant 0 : i32
      %dma_wait3A_194 = arith.constant 0 : i32
      %dma_wait3A_195 = tpu.memref_slice %arg8[%dma_wait3A_193, %dma_wait3A_194] : memref<250x40xi32, #tpu.memory_space<vmem>> -> memref<1x40xi32, #tpu.memory_space<vmem>>
      %dma_wait3A_196 = tpu.memref_squeeze %dma_wait3A_195 : memref<1x40xi32, #tpu.memory_space<vmem>> -> memref<40xi32, #tpu.memory_space<vmem>>
      %dma_wait3A_197 = arith.constant 0 : i32
      %dma_wait3A_198 = arith.constant 0 : i32
      %dma_wait3A_199 = tpu.memref_slice %arg2[%dma_wait3A_197, %dma_wait3A_198] : memref<10000x128xf32, #tpu.memory_space<hbm>> -> memref<10000x128xf32, #tpu.memory_space<hbm>>
      tpu.wait_indirect_dma semaphore(%arg17 : memref<!tpu.dma_semaphore, #tpu.memory_space<semaphore_mem>>) src(%dma_wait3A_199 : memref<10000x128xf32, #tpu.memory_space<hbm>>) dst(%arg11 : memref<40x128xf32, #tpu.memory_space<vmem>>)
      %dma_wait3A_200 = arith.constant 0 : i32
      %dma_wait3A_201 = arith.constant 0 : i32
      %dma_wait3A_202 = tpu.memref_slice %arg9[%dma_wait3A_200, %dma_wait3A_201] : memref<250x40xi32, #tpu.memory_space<vmem>> -> memref<1x40xi32, #tpu.memory_space<vmem>>
      %dma_wait3A_203 = tpu.memref_squeeze %dma_wait3A_202 : memref<1x40xi32, #tpu.memory_space<vmem>> -> memref<40xi32, #tpu.memory_space<vmem>>
      %dma_wait3A_204 = arith.constant 0 : i32
      %dma_wait3A_205 = arith.constant 0 : i32
      %dma_wait3A_206 = tpu.memref_slice %arg15[%dma_wait3A_204, %dma_wait3A_205] : memref<10000x128xf32, #tpu.memory_space<vmem_shared>> -> memref<10000x128xf32, #tpu.memory_space<vmem_shared>>
      tpu.wait_indirect_dma semaphore(%arg19 : memref<!tpu.dma_semaphore, #tpu.memory_space<semaphore_mem>>) src(%arg13 : memref<40x128xf32, #tpu.memory_space<vmem>>) dst(%dma_wait3A_206 : memref<10000x128xf32, #tpu.memory_space<vmem_shared>>)
      %scan3A_207 = arith.constant 0 : i32
      %scan3A_208 = arith.constant 40 : i32
      %scan3A_209 = arith.addi %scan3A_207, %scan3A_208 : i32
      %scan3A_210 = arith.constant 1 : i32
      scf.for %scan3A_261 = %scan3A_207 to %scan3A_209 step %scan3A_210  : i32 {
        %mul3A_262 = arith.constant 1 : i32
        %mul3A_263 = arith.muli %scan3A_261, %mul3A_262 : i32
        %add3A_264 = arith.constant 0 : i32
        %add3A_265 = arith.addi %add3A_264, %mul3A_263 : i32
        %jit3A = arith.constant 16 : i32
        %div3A = arith.divsi %add3A_265, %jit3A : i32
        %sign3A = arith.constant 0 : i32
        %sign3A_266 = arith.cmpi sgt, %add3A_265, %sign3A : i32
        %sign3A_267 = arith.extui %sign3A_266 : i1 to i32
        %sign3A_268 = arith.constant 0 : i32
        %sign3A_269 = arith.cmpi slt, %add3A_265, %sign3A_268 : i32
        %sign3A_270 = arith.extui %sign3A_269 : i1 to i32
        %sign3A_271 = arith.subi %sign3A_267, %sign3A_270 : i32
        %sign3A_272 = arith.constant 0 : i32
        %sign3A_273 = arith.cmpi sgt, %jit3A, %sign3A_272 : i32
        %sign3A_274 = arith.extui %sign3A_273 : i1 to i32
        %sign3A_275 = arith.constant 0 : i32
        %sign3A_276 = arith.cmpi slt, %jit3A, %sign3A_275 : i32
        %sign3A_277 = arith.extui %sign3A_276 : i1 to i32
        %sign3A_278 = arith.subi %sign3A_274, %sign3A_277 : i32
        %ne3A = arith.cmpi ne, %sign3A_271, %sign3A_278 : i32
        %rem3A = arith.remsi %add3A_265, %jit3A : i32
        %ne3A_279 = arith.constant 0 : i32
        %ne3A_280 = arith.cmpi ne, %rem3A, %ne3A_279 : i32
        %and3A = arith.andi %ne3A, %ne3A_280 : i1
        %sub3A = arith.constant 1 : i32
        %sub3A_281 = arith.subi %div3A, %sub3A : i32
        %select_n3A = arith.select %and3A, %sub3A_281, %div3A : i32
        %mul3A_282 = arith.constant 16 : i32
        %mul3A_283 = arith.muli %select_n3A, %mul3A_282 : i32
        %min3A = arith.constant 24 : i32
        %min3A_284 = arith.minsi %mul3A_283, %min3A : i32
        %get3A = arith.index_cast %add3A_192 : i32 to index
        %get3A_285 = arith.index_cast %min3A_284 : i32 to index
        %get3A_286 = tpu.vector_load %arg10[%get3A, %get3A_285] {strides = array<i32>} : memref<250x40xf32, #tpu.memory_space<vmem>>, vector<1x16xf32>,
        %get3A_287 = vector.shape_cast %get3A_286 : vector<1x16xf32> to vector<16xf32>
        %broadcast_in_dim3A = vector.broadcast %add3A_265 : i32 to vector<16xi32>
        %sub3A_288 = vector.broadcast %min3A_284 : i32 to vector<16xi32>
        %sub3A_289 = arith.subi %broadcast_in_dim3A, %sub3A_288 : vector<16xi32>
        %lt3A = arith.constant 0 : i32
        %lt3A_290 = vector.broadcast %lt3A : i32 to vector<16xi32>
        %lt3A_291 = arith.cmpi slt, %sub3A_289, %lt3A_290 : vector<16xi32>
        %add3A_292 = arith.constant 16 : i32
        %add3A_293 = vector.broadcast %add3A_292 : i32 to vector<16xi32>
        %add3A_294 = arith.addi %sub3A_289, %add3A_293 : vector<16xi32>
        %select_n3A_295 = arith.select %lt3A_291, %add3A_294, %sub3A_289 : vector<16xi1>, vector<16xi32>
        %broadcast_in_dim3A_296 = vector.shape_cast %select_n3A_295 : vector<16xi32> to vector<16x1xi32>
        %gather3A = vector.shape_cast %broadcast_in_dim3A_296 : vector<16x1xi32> to vector<16xi32>
        %gather3A_297 = tpu.dynamic_gather %get3A_287[%gather3A] in [0] : vector<16xf32>, vector<16xi32> -> vector<16xf32>
        %get3A_298 = arith.index_cast %add3A_265 : i32 to index
        %get3A_299 = arith.constant 0 : index
        %get3A_300 = tpu.vector_load %arg11[%get3A_298, %get3A_299] {strides = array<i32>} : memref<40x128xf32, #tpu.memory_space<vmem>>, vector<1x16xf32>,
        %get3A_301 = vector.shape_cast %get3A_300 : vector<1x16xf32> to vector<16xf32>
        %mul3A_302 = arith.mulf %get3A_301, %gather3A_297 : vector<16xf32>
        %swap3A = arith.index_cast %add3A_265 : i32 to index
        %swap3A_303 = arith.constant 0 : index
        %swap3A_304 = tpu.vector_load %arg13[%swap3A, %swap3A_303] {strides = array<i32>} : memref<40x128xf32, #tpu.memory_space<vmem>>, vector<1x16xf32>,
        %swap3A_305 = vector.shape_cast %swap3A_304 : vector<1x16xf32> to vector<16xf32>
        %swap3A_306 = vector.shape_cast %mul3A_302 : vector<16xf32> to vector<1x16xf32>
        tpu.vector_store %arg13[%swap3A, %swap3A_303], %swap3A_306 {strides = array<i32>} : memref<40x128xf32, #tpu.memory_space<vmem>>, vector<1x16xf32>,
        %get3A_307 = arith.index_cast %add3A_265 : i32 to index
        %get3A_308 = arith.constant 16 : index
        %get3A_309 = tpu.vector_load %arg11[%get3A_307, %get3A_308] {strides = array<i32>} : memref<40x128xf32, #tpu.memory_space<vmem>>, vector<1x16xf32>,
        %get3A_310 = vector.shape_cast %get3A_309 : vector<1x16xf32> to vector<16xf32>
        %mul3A_311 = arith.mulf %get3A_310, %gather3A_297 : vector<16xf32>
        %swap3A_312 = arith.index_cast %add3A_265 : i32 to index
        %swap3A_313 = arith.constant 16 : index
        %swap3A_314 = tpu.vector_load %arg13[%swap3A_312, %swap3A_313] {strides = array<i32>} : memref<40x128xf32, #tpu.memory_space<vmem>>, vector<1x16xf32>,
        %swap3A_315 = vector.shape_cast %swap3A_314 : vector<1x16xf32> to vector<16xf32>
        %swap3A_316 = vector.shape_cast %mul3A_311 : vector<16xf32> to vector<1x16xf32>
        tpu.vector_store %arg13[%swap3A_312, %swap3A_313], %swap3A_316 {strides = array<i32>} : memref<40x128xf32, #tpu.memory_space<vmem>>, vector<1x16xf32>,
        %get3A_317 = arith.index_cast %add3A_265 : i32 to index
        %get3A_318 = arith.constant 32 : index
        %get3A_319 = tpu.vector_load %arg11[%get3A_317, %get3A_318] {strides = array<i32>} : memref<40x128xf32, #tpu.memory_space<vmem>>, vector<1x16xf32>,
        %get3A_320 = vector.shape_cast %get3A_319 : vector<1x16xf32> to vector<16xf32>
        %mul3A_321 = arith.mulf %get3A_320, %gather3A_297 : vector<16xf32>
        %swap3A_322 = arith.index_cast %add3A_265 : i32 to index
        %swap3A_323 = arith.constant 32 : index
        %swap3A_324 = tpu.vector_load %arg13[%swap3A_322, %swap3A_323] {strides = array<i32>} : memref<40x128xf32, #tpu.memory_space<vmem>>, vector<1x16xf32>,
        %swap3A_325 = vector.shape_cast %swap3A_324 : vector<1x16xf32> to vector<16xf32>
        %swap3A_326 = vector.shape_cast %mul3A_321 : vector<16xf32> to vector<1x16xf32>
        tpu.vector_store %arg13[%swap3A_322, %swap3A_323], %swap3A_326 {strides = array<i32>} : memref<40x128xf32, #tpu.memory_space<vmem>>, vector<1x16xf32>,
        %get3A_327 = arith.index_cast %add3A_265 : i32 to index
        %get3A_328 = arith.constant 48 : index
        %get3A_329 = tpu.vector_load %arg11[%get3A_327, %get3A_328] {strides = array<i32>} : memref<40x128xf32, #tpu.memory_space<vmem>>, vector<1x16xf32>,
        %get3A_330 = vector.shape_cast %get3A_329 : vector<1x16xf32> to vector<16xf32>
        %mul3A_331 = arith.mulf %get3A_330, %gather3A_297 : vector<16xf32>
        %swap3A_332 = arith.index_cast %add3A_265 : i32 to index
        %swap3A_333 = arith.constant 48 : index
        %swap3A_334 = tpu.vector_load %arg13[%swap3A_332, %swap3A_333] {strides = array<i32>} : memref<40x128xf32, #tpu.memory_space<vmem>>, vector<1x16xf32>,
        %swap3A_335 = vector.shape_cast %swap3A_334 : vector<1x16xf32> to vector<16xf32>
        %swap3A_336 = vector.shape_cast %mul3A_331 : vector<16xf32> to vector<1x16xf32>
        tpu.vector_store %arg13[%swap3A_332, %swap3A_333], %swap3A_336 {strides = array<i32>} : memref<40x128xf32, #tpu.memory_space<vmem>>, vector<1x16xf32>,
        %get3A_337 = arith.index_cast %add3A_265 : i32 to index
        %get3A_338 = arith.constant 64 : index
        %get3A_339 = tpu.vector_load %arg11[%get3A_337, %get3A_338] {strides = array<i32>} : memref<40x128xf32, #tpu.memory_space<vmem>>, vector<1x16xf32>,
        %get3A_340 = vector.shape_cast %get3A_339 : vector<1x16xf32> to vector<16xf32>
        %mul3A_341 = arith.mulf %get3A_340, %gather3A_297 : vector<16xf32>
        %swap3A_342 = arith.index_cast %add3A_265 : i32 to index
        %swap3A_343 = arith.constant 64 : index
        %swap3A_344 = tpu.vector_load %arg13[%swap3A_342, %swap3A_343] {strides = array<i32>} : memref<40x128xf32, #tpu.memory_space<vmem>>, vector<1x16xf32>,
        %swap3A_345 = vector.shape_cast %swap3A_344 : vector<1x16xf32> to vector<16xf32>
        %swap3A_346 = vector.shape_cast %mul3A_341 : vector<16xf32> to vector<1x16xf32>
        tpu.vector_store %arg13[%swap3A_342, %swap3A_343], %swap3A_346 {strides = array<i32>} : memref<40x128xf32, #tpu.memory_space<vmem>>, vector<1x16xf32>,
        %get3A_347 = arith.index_cast %add3A_265 : i32 to index
        %get3A_348 = arith.constant 80 : index
        %get3A_349 = tpu.vector_load %arg11[%get3A_347, %get3A_348] {strides = array<i32>} : memref<40x128xf32, #tpu.memory_space<vmem>>, vector<1x16xf32>,
        %get3A_350 = vector.shape_cast %get3A_349 : vector<1x16xf32> to vector<16xf32>
        %mul3A_351 = arith.mulf %get3A_350, %gather3A_297 : vector<16xf32>
        %swap3A_352 = arith.index_cast %add3A_265 : i32 to index
        %swap3A_353 = arith.constant 80 : index
        %swap3A_354 = tpu.vector_load %arg13[%swap3A_352, %swap3A_353] {strides = array<i32>} : memref<40x128xf32, #tpu.memory_space<vmem>>, vector<1x16xf32>,
        %swap3A_355 = vector.shape_cast %swap3A_354 : vector<1x16xf32> to vector<16xf32>
        %swap3A_356 = vector.shape_cast %mul3A_351 : vector<16xf32> to vector<1x16xf32>
        tpu.vector_store %arg13[%swap3A_352, %swap3A_353], %swap3A_356 {strides = array<i32>} : memref<40x128xf32, #tpu.memory_space<vmem>>, vector<1x16xf32>,
        %get3A_357 = arith.index_cast %add3A_265 : i32 to index
        %get3A_358 = arith.constant 96 : index
        %get3A_359 = tpu.vector_load %arg11[%get3A_357, %get3A_358] {strides = array<i32>} : memref<40x128xf32, #tpu.memory_space<vmem>>, vector<1x16xf32>,
        %get3A_360 = vector.shape_cast %get3A_359 : vector<1x16xf32> to vector<16xf32>
        %mul3A_361 = arith.mulf %get3A_360, %gather3A_297 : vector<16xf32>
        %swap3A_362 = arith.index_cast %add3A_265 : i32 to index
        %swap3A_363 = arith.constant 96 : index
        %swap3A_364 = tpu.vector_load %arg13[%swap3A_362, %swap3A_363] {strides = array<i32>} : memref<40x128xf32, #tpu.memory_space<vmem>>, vector<1x16xf32>,
        %swap3A_365 = vector.shape_cast %swap3A_364 : vector<1x16xf32> to vector<16xf32>
        %swap3A_366 = vector.shape_cast %mul3A_361 : vector<16xf32> to vector<1x16xf32>
        tpu.vector_store %arg13[%swap3A_362, %swap3A_363], %swap3A_366 {strides = array<i32>} : memref<40x128xf32, #tpu.memory_space<vmem>>, vector<1x16xf32>,
        %get3A_367 = arith.index_cast %add3A_265 : i32 to index
        %get3A_368 = arith.constant 112 : index
        %get3A_369 = tpu.vector_load %arg11[%get3A_367, %get3A_368] {strides = array<i32>} : memref<40x128xf32, #tpu.memory_space<vmem>>, vector<1x16xf32>,
        %get3A_370 = vector.shape_cast %get3A_369 : vector<1x16xf32> to vector<16xf32>
        %mul3A_371 = arith.mulf %get3A_370, %gather3A_297 : vector<16xf32>
        %swap3A_372 = arith.index_cast %add3A_265 : i32 to index
        %swap3A_373 = arith.constant 112 : index
        %swap3A_374 = tpu.vector_load %arg13[%swap3A_372, %swap3A_373] {strides = array<i32>} : memref<40x128xf32, #tpu.memory_space<vmem>>, vector<1x16xf32>,
        %swap3A_375 = vector.shape_cast %swap3A_374 : vector<1x16xf32> to vector<16xf32>
        %swap3A_376 = vector.shape_cast %mul3A_371 : vector<16xf32> to vector<1x16xf32>
        tpu.vector_store %arg13[%swap3A_372, %swap3A_373], %swap3A_376 {strides = array<i32>} : memref<40x128xf32, #tpu.memory_space<vmem>>, vector<1x16xf32>,
      }
      %scan3A_211 = arith.constant 40 : i32
      %add3A_212 = arith.constant 2 : i32
      %add3A_213 = arith.addi %add3A_192, %add3A_212 : i32
      %dma_start3A_214 = arith.constant 0 : i32
      %dma_start3A_215 = tpu.memref_slice %arg8[%add3A_213, %dma_start3A_214] : memref<250x40xi32, #tpu.memory_space<vmem>> -> memref<1x40xi32, #tpu.memory_space<vmem>>
      %dma_start3A_216 = tpu.memref_squeeze %dma_start3A_215 : memref<1x40xi32, #tpu.memory_space<vmem>> -> memref<40xi32, #tpu.memory_space<vmem>>
      %dma_start3A_217 = arith.constant 0 : i32
      %dma_start3A_218 = arith.constant 0 : i32
      %dma_start3A_219 = tpu.memref_slice %arg2[%dma_start3A_217, %dma_start3A_218] : memref<10000x128xf32, #tpu.memory_space<hbm>> -> memref<10000x128xf32, #tpu.memory_space<hbm>>
      tpu.enqueue_indirect_dma source(%dma_start3A_219 : memref<10000x128xf32, #tpu.memory_space<hbm>>) target(%arg11 : memref<40x128xf32, #tpu.memory_space<vmem>>) offsets(%dma_start3A_216 : memref<40xi32, #tpu.memory_space<vmem>>) semaphore(%arg17 : memref<!tpu.dma_semaphore, #tpu.memory_space<semaphore_mem>>)
      %dma_start3A_220 = arith.constant 0 : i32
      %dma_start3A_221 = tpu.memref_slice %arg9[%add3A_192, %dma_start3A_220] : memref<250x40xi32, #tpu.memory_space<vmem>> -> memref<1x40xi32, #tpu.memory_space<vmem>>
      %dma_start3A_222 = tpu.memref_squeeze %dma_start3A_221 : memref<1x40xi32, #tpu.memory_space<vmem>> -> memref<40xi32, #tpu.memory_space<vmem>>
      %dma_start3A_223 = arith.constant 0 : i32
      %dma_start3A_224 = arith.constant 0 : i32
      %dma_start3A_225 = tpu.memref_slice %arg15[%dma_start3A_223, %dma_start3A_224] : memref<10000x128xf32, #tpu.memory_space<vmem_shared>> -> memref<10000x128xf32, #tpu.memory_space<vmem_shared>>
      tpu.enqueue_indirect_dma source(%arg13 : memref<40x128xf32, #tpu.memory_space<vmem>>) target(%dma_start3A_225 : memref<10000x128xf32, #tpu.memory_space<vmem_shared>>) offsets(%dma_start3A_222 : memref<40xi32, #tpu.memory_space<vmem>>) semaphore(%arg19 : memref<!tpu.dma_semaphore, #tpu.memory_space<semaphore_mem>>) {add = true}
      %add3A_226 = arith.constant 1 : i32
      %add3A_227 = arith.addi %add3A_190, %add3A_226 : i32
      %dma_wait3A_228 = arith.constant 0 : i32
      %dma_wait3A_229 = arith.constant 0 : i32
      %dma_wait3A_230 = tpu.memref_slice %arg8[%dma_wait3A_228, %dma_wait3A_229] : memref<250x40xi32, #tpu.memory_space<vmem>> -> memref<1x40xi32, #tpu.memory_space<vmem>>
      %dma_wait3A_231 = tpu.memref_squeeze %dma_wait3A_230 : memref<1x40xi32, #tpu.memory_space<vmem>> -> memref<40xi32, #tpu.memory_space<vmem>>
      %dma_wait3A_232 = arith.constant 0 : i32
      %dma_wait3A_233 = arith.constant 0 : i32
      %dma_wait3A_234 = tpu.memref_slice %arg2[%dma_wait3A_232, %dma_wait3A_233] : memref<10000x128xf32, #tpu.memory_space<hbm>> -> memref<10000x128xf32, #tpu.memory_space<hbm>>
      tpu.wait_indirect_dma semaphore(%arg18 : memref<!tpu.dma_semaphore, #tpu.memory_space<semaphore_mem>>) src(%dma_wait3A_234 : memref<10000x128xf32, #tpu.memory_space<hbm>>) dst(%arg12 : memref<40x128xf32, #tpu.memory_space<vmem>>)
      %dma_wait3A_235 = arith.constant 0 : i32
      %dma_wait3A_236 = arith.constant 0 : i32
      %dma_wait3A_237 = tpu.memref_slice %arg9[%dma_wait3A_235, %dma_wait3A_236] : memref<250x40xi32, #tpu.memory_space<vmem>> -> memref<1x40xi32, #tpu.memory_space<vmem>>
      %dma_wait3A_238 = tpu.memref_squeeze %dma_wait3A_237 : memref<1x40xi32, #tpu.memory_space<vmem>> -> memref<40xi32, #tpu.memory_space<vmem>>
      %dma_wait3A_239 = arith.constant 0 : i32
      %dma_wait3A_240 = arith.constant 0 : i32
      %dma_wait3A_241 = tpu.memref_slice %arg15[%dma_wait3A_239, %dma_wait3A_240] : memref<10000x128xf32, #tpu.memory_space<vmem_shared>> -> memref<10000x128xf32, #tpu.memory_space<vmem_shared>>
      tpu.wait_indirect_dma semaphore(%arg20 : memref<!tpu.dma_semaphore, #tpu.memory_space<semaphore_mem>>) src(%arg14 : memref<40x128xf32, #tpu.memory_space<vmem>>) dst(%dma_wait3A_241 : memref<10000x128xf32, #tpu.memory_space<vmem_shared>>)
      %scan3A_242 = arith.constant 0 : i32
      %scan3A_243 = arith.constant 40 : i32
      %scan3A_244 = arith.addi %scan3A_242, %scan3A_243 : i32
      %scan3A_245 = arith.constant 1 : i32
      scf.for %scan3A_261 = %scan3A_242 to %scan3A_244 step %scan3A_245  : i32 {
        %mul3A_262 = arith.constant 1 : i32
        %mul3A_263 = arith.muli %scan3A_261, %mul3A_262 : i32
        %add3A_264 = arith.constant 0 : i32
        %add3A_265 = arith.addi %add3A_264, %mul3A_263 : i32
        %jit3A = arith.constant 16 : i32
        %div3A = arith.divsi %add3A_265, %jit3A : i32
        %sign3A = arith.constant 0 : i32
        %sign3A_266 = arith.cmpi sgt, %add3A_265, %sign3A : i32
        %sign3A_267 = arith.extui %sign3A_266 : i1 to i32
        %sign3A_268 = arith.constant 0 : i32
        %sign3A_269 = arith.cmpi slt, %add3A_265, %sign3A_268 : i32
        %sign3A_270 = arith.extui %sign3A_269 : i1 to i32
        %sign3A_271 = arith.subi %sign3A_267, %sign3A_270 : i32
        %sign3A_272 = arith.constant 0 : i32
        %sign3A_273 = arith.cmpi sgt, %jit3A, %sign3A_272 : i32
        %sign3A_274 = arith.extui %sign3A_273 : i1 to i32
        %sign3A_275 = arith.constant 0 : i32
        %sign3A_276 = arith.cmpi slt, %jit3A, %sign3A_275 : i32
        %sign3A_277 = arith.extui %sign3A_276 : i1 to i32
        %sign3A_278 = arith.subi %sign3A_274, %sign3A_277 : i32
        %ne3A = arith.cmpi ne, %sign3A_271, %sign3A_278 : i32
        %rem3A = arith.remsi %add3A_265, %jit3A : i32
        %ne3A_279 = arith.constant 0 : i32
        %ne3A_280 = arith.cmpi ne, %rem3A, %ne3A_279 : i32
        %and3A = arith.andi %ne3A, %ne3A_280 : i1
        %sub3A = arith.constant 1 : i32
        %sub3A_281 = arith.subi %div3A, %sub3A : i32
        %select_n3A = arith.select %and3A, %sub3A_281, %div3A : i32
        %mul3A_282 = arith.constant 16 : i32
        %mul3A_283 = arith.muli %select_n3A, %mul3A_282 : i32
        %min3A = arith.constant 24 : i32
        %min3A_284 = arith.minsi %mul3A_283, %min3A : i32
        %get3A = arith.index_cast %add3A_227 : i32 to index
        %get3A_285 = arith.index_cast %min3A_284 : i32 to index
        %get3A_286 = tpu.vector_load %arg10[%get3A, %get3A_285] {strides = array<i32>} : memref<250x40xf32, #tpu.memory_space<vmem>>, vector<1x16xf32>,
        %get3A_287 = vector.shape_cast %get3A_286 : vector<1x16xf32> to vector<16xf32>
        %broadcast_in_dim3A = vector.broadcast %add3A_265 : i32 to vector<16xi32>
        %sub3A_288 = vector.broadcast %min3A_284 : i32 to vector<16xi32>
        %sub3A_289 = arith.subi %broadcast_in_dim3A, %sub3A_288 : vector<16xi32>
        %lt3A = arith.constant 0 : i32
        %lt3A_290 = vector.broadcast %lt3A : i32 to vector<16xi32>
        %lt3A_291 = arith.cmpi slt, %sub3A_289, %lt3A_290 : vector<16xi32>
        %add3A_292 = arith.constant 16 : i32
        %add3A_293 = vector.broadcast %add3A_292 : i32 to vector<16xi32>
        %add3A_294 = arith.addi %sub3A_289, %add3A_293 : vector<16xi32>
        %select_n3A_295 = arith.select %lt3A_291, %add3A_294, %sub3A_289 : vector<16xi1>, vector<16xi32>
        %broadcast_in_dim3A_296 = vector.shape_cast %select_n3A_295 : vector<16xi32> to vector<16x1xi32>
        %gather3A = vector.shape_cast %broadcast_in_dim3A_296 : vector<16x1xi32> to vector<16xi32>
        %gather3A_297 = tpu.dynamic_gather %get3A_287[%gather3A] in [0] : vector<16xf32>, vector<16xi32> -> vector<16xf32>
        %get3A_298 = arith.index_cast %add3A_265 : i32 to index
        %get3A_299 = arith.constant 0 : index
        %get3A_300 = tpu.vector_load %arg12[%get3A_298, %get3A_299] {strides = array<i32>} : memref<40x128xf32, #tpu.memory_space<vmem>>, vector<1x16xf32>,
        %get3A_301 = vector.shape_cast %get3A_300 : vector<1x16xf32> to vector<16xf32>
        %mul3A_302 = arith.mulf %get3A_301, %gather3A_297 : vector<16xf32>
        %swap3A = arith.index_cast %add3A_265 : i32 to index
        %swap3A_303 = arith.constant 0 : index
        %swap3A_304 = tpu.vector_load %arg14[%swap3A, %swap3A_303] {strides = array<i32>} : memref<40x128xf32, #tpu.memory_space<vmem>>, vector<1x16xf32>,
        %swap3A_305 = vector.shape_cast %swap3A_304 : vector<1x16xf32> to vector<16xf32>
        %swap3A_306 = vector.shape_cast %mul3A_302 : vector<16xf32> to vector<1x16xf32>
        tpu.vector_store %arg14[%swap3A, %swap3A_303], %swap3A_306 {strides = array<i32>} : memref<40x128xf32, #tpu.memory_space<vmem>>, vector<1x16xf32>,
        %get3A_307 = arith.index_cast %add3A_265 : i32 to index
        %get3A_308 = arith.constant 16 : index
        %get3A_309 = tpu.vector_load %arg12[%get3A_307, %get3A_308] {strides = array<i32>} : memref<40x128xf32, #tpu.memory_space<vmem>>, vector<1x16xf32>,
        %get3A_310 = vector.shape_cast %get3A_309 : vector<1x16xf32> to vector<16xf32>
        %mul3A_311 = arith.mulf %get3A_310, %gather3A_297 : vector<16xf32>
        %swap3A_312 = arith.index_cast %add3A_265 : i32 to index
        %swap3A_313 = arith.constant 16 : index
        %swap3A_314 = tpu.vector_load %arg14[%swap3A_312, %swap3A_313] {strides = array<i32>} : memref<40x128xf32, #tpu.memory_space<vmem>>, vector<1x16xf32>,
        %swap3A_315 = vector.shape_cast %swap3A_314 : vector<1x16xf32> to vector<16xf32>
        %swap3A_316 = vector.shape_cast %mul3A_311 : vector<16xf32> to vector<1x16xf32>
        tpu.vector_store %arg14[%swap3A_312, %swap3A_313], %swap3A_316 {strides = array<i32>} : memref<40x128xf32, #tpu.memory_space<vmem>>, vector<1x16xf32>,
        %get3A_317 = arith.index_cast %add3A_265 : i32 to index
        %get3A_318 = arith.constant 32 : index
        %get3A_319 = tpu.vector_load %arg12[%get3A_317, %get3A_318] {strides = array<i32>} : memref<40x128xf32, #tpu.memory_space<vmem>>, vector<1x16xf32>,
        %get3A_320 = vector.shape_cast %get3A_319 : vector<1x16xf32> to vector<16xf32>
        %mul3A_321 = arith.mulf %get3A_320, %gather3A_297 : vector<16xf32>
        %swap3A_322 = arith.index_cast %add3A_265 : i32 to index
        %swap3A_323 = arith.constant 32 : index
        %swap3A_324 = tpu.vector_load %arg14[%swap3A_322, %swap3A_323] {strides = array<i32>} : memref<40x128xf32, #tpu.memory_space<vmem>>, vector<1x16xf32>,
        %swap3A_325 = vector.shape_cast %swap3A_324 : vector<1x16xf32> to vector<16xf32>
        %swap3A_326 = vector.shape_cast %mul3A_321 : vector<16xf32> to vector<1x16xf32>
        tpu.vector_store %arg14[%swap3A_322, %swap3A_323], %swap3A_326 {strides = array<i32>} : memref<40x128xf32, #tpu.memory_space<vmem>>, vector<1x16xf32>,
        %get3A_327 = arith.index_cast %add3A_265 : i32 to index
        %get3A_328 = arith.constant 48 : index
        %get3A_329 = tpu.vector_load %arg12[%get3A_327, %get3A_328] {strides = array<i32>} : memref<40x128xf32, #tpu.memory_space<vmem>>, vector<1x16xf32>,
        %get3A_330 = vector.shape_cast %get3A_329 : vector<1x16xf32> to vector<16xf32>
        %mul3A_331 = arith.mulf %get3A_330, %gather3A_297 : vector<16xf32>
        %swap3A_332 = arith.index_cast %add3A_265 : i32 to index
        %swap3A_333 = arith.constant 48 : index
        %swap3A_334 = tpu.vector_load %arg14[%swap3A_332, %swap3A_333] {strides = array<i32>} : memref<40x128xf32, #tpu.memory_space<vmem>>, vector<1x16xf32>,
        %swap3A_335 = vector.shape_cast %swap3A_334 : vector<1x16xf32> to vector<16xf32>
        %swap3A_336 = vector.shape_cast %mul3A_331 : vector<16xf32> to vector<1x16xf32>
        tpu.vector_store %arg14[%swap3A_332, %swap3A_333], %swap3A_336 {strides = array<i32>} : memref<40x128xf32, #tpu.memory_space<vmem>>, vector<1x16xf32>,
        %get3A_337 = arith.index_cast %add3A_265 : i32 to index
        %get3A_338 = arith.constant 64 : index
        %get3A_339 = tpu.vector_load %arg12[%get3A_337, %get3A_338] {strides = array<i32>} : memref<40x128xf32, #tpu.memory_space<vmem>>, vector<1x16xf32>,
        %get3A_340 = vector.shape_cast %get3A_339 : vector<1x16xf32> to vector<16xf32>
        %mul3A_341 = arith.mulf %get3A_340, %gather3A_297 : vector<16xf32>
        %swap3A_342 = arith.index_cast %add3A_265 : i32 to index
        %swap3A_343 = arith.constant 64 : index
        %swap3A_344 = tpu.vector_load %arg14[%swap3A_342, %swap3A_343] {strides = array<i32>} : memref<40x128xf32, #tpu.memory_space<vmem>>, vector<1x16xf32>,
        %swap3A_345 = vector.shape_cast %swap3A_344 : vector<1x16xf32> to vector<16xf32>
        %swap3A_346 = vector.shape_cast %mul3A_341 : vector<16xf32> to vector<1x16xf32>
        tpu.vector_store %arg14[%swap3A_342, %swap3A_343], %swap3A_346 {strides = array<i32>} : memref<40x128xf32, #tpu.memory_space<vmem>>, vector<1x16xf32>,
        %get3A_347 = arith.index_cast %add3A_265 : i32 to index
        %get3A_348 = arith.constant 80 : index
        %get3A_349 = tpu.vector_load %arg12[%get3A_347, %get3A_348] {strides = array<i32>} : memref<40x128xf32, #tpu.memory_space<vmem>>, vector<1x16xf32>,
        %get3A_350 = vector.shape_cast %get3A_349 : vector<1x16xf32> to vector<16xf32>
        %mul3A_351 = arith.mulf %get3A_350, %gather3A_297 : vector<16xf32>
        %swap3A_352 = arith.index_cast %add3A_265 : i32 to index
        %swap3A_353 = arith.constant 80 : index
        %swap3A_354 = tpu.vector_load %arg14[%swap3A_352, %swap3A_353] {strides = array<i32>} : memref<40x128xf32, #tpu.memory_space<vmem>>, vector<1x16xf32>,
        %swap3A_355 = vector.shape_cast %swap3A_354 : vector<1x16xf32> to vector<16xf32>
        %swap3A_356 = vector.shape_cast %mul3A_351 : vector<16xf32> to vector<1x16xf32>
        tpu.vector_store %arg14[%swap3A_352, %swap3A_353], %swap3A_356 {strides = array<i32>} : memref<40x128xf32, #tpu.memory_space<vmem>>, vector<1x16xf32>,
        %get3A_357 = arith.index_cast %add3A_265 : i32 to index
        %get3A_358 = arith.constant 96 : index
        %get3A_359 = tpu.vector_load %arg12[%get3A_357, %get3A_358] {strides = array<i32>} : memref<40x128xf32, #tpu.memory_space<vmem>>, vector<1x16xf32>,
        %get3A_360 = vector.shape_cast %get3A_359 : vector<1x16xf32> to vector<16xf32>
        %mul3A_361 = arith.mulf %get3A_360, %gather3A_297 : vector<16xf32>
        %swap3A_362 = arith.index_cast %add3A_265 : i32 to index
        %swap3A_363 = arith.constant 96 : index
        %swap3A_364 = tpu.vector_load %arg14[%swap3A_362, %swap3A_363] {strides = array<i32>} : memref<40x128xf32, #tpu.memory_space<vmem>>, vector<1x16xf32>,
        %swap3A_365 = vector.shape_cast %swap3A_364 : vector<1x16xf32> to vector<16xf32>
        %swap3A_366 = vector.shape_cast %mul3A_361 : vector<16xf32> to vector<1x16xf32>
        tpu.vector_store %arg14[%swap3A_362, %swap3A_363], %swap3A_366 {strides = array<i32>} : memref<40x128xf32, #tpu.memory_space<vmem>>, vector<1x16xf32>,
        %get3A_367 = arith.index_cast %add3A_265 : i32 to index
        %get3A_368 = arith.constant 112 : index
        %get3A_369 = tpu.vector_load %arg12[%get3A_367, %get3A_368] {strides = array<i32>} : memref<40x128xf32, #tpu.memory_space<vmem>>, vector<1x16xf32>,
        %get3A_370 = vector.shape_cast %get3A_369 : vector<1x16xf32> to vector<16xf32>
        %mul3A_371 = arith.mulf %get3A_370, %gather3A_297 : vector<16xf32>
        %swap3A_372 = arith.index_cast %add3A_265 : i32 to index
        %swap3A_373 = arith.constant 112 : index
        %swap3A_374 = tpu.vector_load %arg14[%swap3A_372, %swap3A_373] {strides = array<i32>} : memref<40x128xf32, #tpu.memory_space<vmem>>, vector<1x16xf32>,
        %swap3A_375 = vector.shape_cast %swap3A_374 : vector<1x16xf32> to vector<16xf32>
        %swap3A_376 = vector.shape_cast %mul3A_371 : vector<16xf32> to vector<1x16xf32>
        tpu.vector_store %arg14[%swap3A_372, %swap3A_373], %swap3A_376 {strides = array<i32>} : memref<40x128xf32, #tpu.memory_space<vmem>>, vector<1x16xf32>,
      }
      %scan3A_246 = arith.constant 40 : i32
      %add3A_247 = arith.constant 2 : i32
      %add3A_248 = arith.addi %add3A_227, %add3A_247 : i32
      %dma_start3A_249 = arith.constant 0 : i32
      %dma_start3A_250 = tpu.memref_slice %arg8[%add3A_248, %dma_start3A_249] : memref<250x40xi32, #tpu.memory_space<vmem>> -> memref<1x40xi32, #tpu.memory_space<vmem>>
      %dma_start3A_251 = tpu.memref_squeeze %dma_start3A_250 : memref<1x40xi32, #tpu.memory_space<vmem>> -> memref<40xi32, #tpu.memory_space<vmem>>
      %dma_start3A_252 = arith.constant 0 : i32
      %dma_start3A_253 = arith.constant 0 : i32
      %dma_start3A_254 = tpu.memref_slice %arg2[%dma_start3A_252, %dma_start3A_253] : memref<10000x128xf32, #tpu.memory_space<hbm>> -> memref<10000x128xf32, #tpu.memory_space<hbm>>
      tpu.enqueue_indirect_dma source(%dma_start3A_254 : memref<10000x128xf32, #tpu.memory_space<hbm>>) target(%arg12 : memref<40x128xf32, #tpu.memory_space<vmem>>) offsets(%dma_start3A_251 : memref<40xi32, #tpu.memory_space<vmem>>) semaphore(%arg18 : memref<!tpu.dma_semaphore, #tpu.memory_space<semaphore_mem>>)
      %dma_start3A_255 = arith.constant 0 : i32
      %dma_start3A_256 = tpu.memref_slice %arg9[%add3A_227, %dma_start3A_255] : memref<250x40xi32, #tpu.memory_space<vmem>> -> memref<1x40xi32, #tpu.memory_space<vmem>>
      %dma_start3A_257 = tpu.memref_squeeze %dma_start3A_256 : memref<1x40xi32, #tpu.memory_space<vmem>> -> memref<40xi32, #tpu.memory_space<vmem>>
      %dma_start3A_258 = arith.constant 0 : i32
      %dma_start3A_259 = arith.constant 0 : i32
      %dma_start3A_260 = tpu.memref_slice %arg15[%dma_start3A_258, %dma_start3A_259] : memref<10000x128xf32, #tpu.memory_space<vmem_shared>> -> memref<10000x128xf32, #tpu.memory_space<vmem_shared>>
      tpu.enqueue_indirect_dma source(%arg14 : memref<40x128xf32, #tpu.memory_space<vmem>>) target(%dma_start3A_260 : memref<10000x128xf32, #tpu.memory_space<vmem_shared>>) offsets(%dma_start3A_257 : memref<40xi32, #tpu.memory_space<vmem>>) semaphore(%arg20 : memref<!tpu.dma_semaphore, #tpu.memory_space<semaphore_mem>>) {add = true}
    }
    %scan3A_118 = arith.constant 123 : i32
    %dma_wait3A_119 = arith.constant 0 : i32
    %dma_wait3A_120 = arith.constant 0 : i32
    %dma_wait3A_121 = tpu.memref_slice %arg8[%dma_wait3A_119, %dma_wait3A_120] : memref<250x40xi32, #tpu.memory_space<vmem>> -> memref<1x40xi32, #tpu.memory_space<vmem>>
    %dma_wait3A_122 = tpu.memref_squeeze %dma_wait3A_121 : memref<1x40xi32, #tpu.memory_space<vmem>> -> memref<40xi32, #tpu.memory_space<vmem>>
    %dma_wait3A_123 = arith.constant 0 : i32
    %dma_wait3A_124 = arith.constant 0 : i32
    %dma_wait3A_125 = tpu.memref_slice %arg2[%dma_wait3A_123, %dma_wait3A_124] : memref<10000x128xf32, #tpu.memory_space<hbm>> -> memref<10000x128xf32, #tpu.memory_space<hbm>>
    tpu.wait_indirect_dma semaphore(%arg17 : memref<!tpu.dma_semaphore, #tpu.memory_space<semaphore_mem>>) src(%dma_wait3A_125 : memref<10000x128xf32, #tpu.memory_space<hbm>>) dst(%arg11 : memref<40x128xf32, #tpu.memory_space<vmem>>)
    %dma_wait3A_126 = arith.constant 0 : i32
    %dma_wait3A_127 = arith.constant 0 : i32
    %dma_wait3A_128 = tpu.memref_slice %arg9[%dma_wait3A_126, %dma_wait3A_127] : memref<250x40xi32, #tpu.memory_space<vmem>> -> memref<1x40xi32, #tpu.memory_space<vmem>>
    %dma_wait3A_129 = tpu.memref_squeeze %dma_wait3A_128 : memref<1x40xi32, #tpu.memory_space<vmem>> -> memref<40xi32, #tpu.memory_space<vmem>>
    %dma_wait3A_130 = arith.constant 0 : i32
    %dma_wait3A_131 = arith.constant 0 : i32
    %dma_wait3A_132 = tpu.memref_slice %arg15[%dma_wait3A_130, %dma_wait3A_131] : memref<10000x128xf32, #tpu.memory_space<vmem_shared>> -> memref<10000x128xf32, #tpu.memory_space<vmem_shared>>
    tpu.wait_indirect_dma semaphore(%arg19 : memref<!tpu.dma_semaphore, #tpu.memory_space<semaphore_mem>>) src(%arg13 : memref<40x128xf32, #tpu.memory_space<vmem>>) dst(%dma_wait3A_132 : memref<10000x128xf32, #tpu.memory_space<vmem_shared>>)
    %scan3A_133 = arith.constant 0 : i32
    %scan3A_134 = arith.constant 40 : i32
    %scan3A_135 = arith.addi %scan3A_133, %scan3A_134 : i32
    %scan3A_136 = arith.constant 1 : i32
    scf.for %scan3A_186 = %scan3A_133 to %scan3A_135 step %scan3A_136  : i32 {
      %mul3A_187 = arith.constant 1 : i32
      %mul3A_188 = arith.muli %scan3A_186, %mul3A_187 : i32
      %add3A_189 = arith.constant 0 : i32
      %add3A_190 = arith.addi %add3A_189, %mul3A_188 : i32
      %jit3A = arith.constant 16 : i32
      %div3A = arith.divsi %add3A_190, %jit3A : i32
      %sign3A = arith.constant 0 : i32
      %sign3A_191 = arith.cmpi sgt, %add3A_190, %sign3A : i32
      %sign3A_192 = arith.extui %sign3A_191 : i1 to i32
      %sign3A_193 = arith.constant 0 : i32
      %sign3A_194 = arith.cmpi slt, %add3A_190, %sign3A_193 : i32
      %sign3A_195 = arith.extui %sign3A_194 : i1 to i32
      %sign3A_196 = arith.subi %sign3A_192, %sign3A_195 : i32
      %sign3A_197 = arith.constant 0 : i32
      %sign3A_198 = arith.cmpi sgt, %jit3A, %sign3A_197 : i32
      %sign3A_199 = arith.extui %sign3A_198 : i1 to i32
      %sign3A_200 = arith.constant 0 : i32
      %sign3A_201 = arith.cmpi slt, %jit3A, %sign3A_200 : i32
      %sign3A_202 = arith.extui %sign3A_201 : i1 to i32
      %sign3A_203 = arith.subi %sign3A_199, %sign3A_202 : i32
      %ne3A = arith.cmpi ne, %sign3A_196, %sign3A_203 : i32
      %rem3A = arith.remsi %add3A_190, %jit3A : i32
      %ne3A_204 = arith.constant 0 : i32
      %ne3A_205 = arith.cmpi ne, %rem3A, %ne3A_204 : i32
      %and3A = arith.andi %ne3A, %ne3A_205 : i1
      %sub3A = arith.constant 1 : i32
      %sub3A_206 = arith.subi %div3A, %sub3A : i32
      %select_n3A = arith.select %and3A, %sub3A_206, %div3A : i32
      %mul3A_207 = arith.constant 16 : i32
      %mul3A_208 = arith.muli %select_n3A, %mul3A_207 : i32
      %min3A = arith.constant 24 : i32
      %min3A_209 = arith.minsi %mul3A_208, %min3A : i32
      %get3A = arith.constant 248 : i32
      %get3A_210 = arith.index_cast %get3A : i32 to index
      %get3A_211 = arith.index_cast %min3A_209 : i32 to index
      %get3A_212 = tpu.vector_load %arg10[%get3A_210, %get3A_211] {strides = array<i32>} : memref<250x40xf32, #tpu.memory_space<vmem>>, vector<1x16xf32>,
      %get3A_213 = vector.shape_cast %get3A_212 : vector<1x16xf32> to vector<16xf32>
      %broadcast_in_dim3A = vector.broadcast %add3A_190 : i32 to vector<16xi32>
      %sub3A_214 = vector.broadcast %min3A_209 : i32 to vector<16xi32>
      %sub3A_215 = arith.subi %broadcast_in_dim3A, %sub3A_214 : vector<16xi32>
      %lt3A = arith.constant 0 : i32
      %lt3A_216 = vector.broadcast %lt3A : i32 to vector<16xi32>
      %lt3A_217 = arith.cmpi slt, %sub3A_215, %lt3A_216 : vector<16xi32>
      %add3A_218 = arith.constant 16 : i32
      %add3A_219 = vector.broadcast %add3A_218 : i32 to vector<16xi32>
      %add3A_220 = arith.addi %sub3A_215, %add3A_219 : vector<16xi32>
      %select_n3A_221 = arith.select %lt3A_217, %add3A_220, %sub3A_215 : vector<16xi1>, vector<16xi32>
      %broadcast_in_dim3A_222 = vector.shape_cast %select_n3A_221 : vector<16xi32> to vector<16x1xi32>
      %gather3A = vector.shape_cast %broadcast_in_dim3A_222 : vector<16x1xi32> to vector<16xi32>
      %gather3A_223 = tpu.dynamic_gather %get3A_213[%gather3A] in [0] : vector<16xf32>, vector<16xi32> -> vector<16xf32>
      %get3A_224 = arith.index_cast %add3A_190 : i32 to index
      %get3A_225 = arith.constant 0 : index
      %get3A_226 = tpu.vector_load %arg11[%get3A_224, %get3A_225] {strides = array<i32>} : memref<40x128xf32, #tpu.memory_space<vmem>>, vector<1x16xf32>,
      %get3A_227 = vector.shape_cast %get3A_226 : vector<1x16xf32> to vector<16xf32>
      %mul3A_228 = arith.mulf %get3A_227, %gather3A_223 : vector<16xf32>
      %swap3A = arith.index_cast %add3A_190 : i32 to index
      %swap3A_229 = arith.constant 0 : index
      %swap3A_230 = tpu.vector_load %arg13[%swap3A, %swap3A_229] {strides = array<i32>} : memref<40x128xf32, #tpu.memory_space<vmem>>, vector<1x16xf32>,
      %swap3A_231 = vector.shape_cast %swap3A_230 : vector<1x16xf32> to vector<16xf32>
      %swap3A_232 = vector.shape_cast %mul3A_228 : vector<16xf32> to vector<1x16xf32>
      tpu.vector_store %arg13[%swap3A, %swap3A_229], %swap3A_232 {strides = array<i32>} : memref<40x128xf32, #tpu.memory_space<vmem>>, vector<1x16xf32>,
      %get3A_233 = arith.index_cast %add3A_190 : i32 to index
      %get3A_234 = arith.constant 16 : index
      %get3A_235 = tpu.vector_load %arg11[%get3A_233, %get3A_234] {strides = array<i32>} : memref<40x128xf32, #tpu.memory_space<vmem>>, vector<1x16xf32>,
      %get3A_236 = vector.shape_cast %get3A_235 : vector<1x16xf32> to vector<16xf32>
      %mul3A_237 = arith.mulf %get3A_236, %gather3A_223 : vector<16xf32>
      %swap3A_238 = arith.index_cast %add3A_190 : i32 to index
      %swap3A_239 = arith.constant 16 : index
      %swap3A_240 = tpu.vector_load %arg13[%swap3A_238, %swap3A_239] {strides = array<i32>} : memref<40x128xf32, #tpu.memory_space<vmem>>, vector<1x16xf32>,
      %swap3A_241 = vector.shape_cast %swap3A_240 : vector<1x16xf32> to vector<16xf32>
      %swap3A_242 = vector.shape_cast %mul3A_237 : vector<16xf32> to vector<1x16xf32>
      tpu.vector_store %arg13[%swap3A_238, %swap3A_239], %swap3A_242 {strides = array<i32>} : memref<40x128xf32, #tpu.memory_space<vmem>>, vector<1x16xf32>,
      %get3A_243 = arith.index_cast %add3A_190 : i32 to index
      %get3A_244 = arith.constant 32 : index
      %get3A_245 = tpu.vector_load %arg11[%get3A_243, %get3A_244] {strides = array<i32>} : memref<40x128xf32, #tpu.memory_space<vmem>>, vector<1x16xf32>,
      %get3A_246 = vector.shape_cast %get3A_245 : vector<1x16xf32> to vector<16xf32>
      %mul3A_247 = arith.mulf %get3A_246, %gather3A_223 : vector<16xf32>
      %swap3A_248 = arith.index_cast %add3A_190 : i32 to index
      %swap3A_249 = arith.constant 32 : index
      %swap3A_250 = tpu.vector_load %arg13[%swap3A_248, %swap3A_249] {strides = array<i32>} : memref<40x128xf32, #tpu.memory_space<vmem>>, vector<1x16xf32>,
      %swap3A_251 = vector.shape_cast %swap3A_250 : vector<1x16xf32> to vector<16xf32>
      %swap3A_252 = vector.shape_cast %mul3A_247 : vector<16xf32> to vector<1x16xf32>
      tpu.vector_store %arg13[%swap3A_248, %swap3A_249], %swap3A_252 {strides = array<i32>} : memref<40x128xf32, #tpu.memory_space<vmem>>, vector<1x16xf32>,
      %get3A_253 = arith.index_cast %add3A_190 : i32 to index
      %get3A_254 = arith.constant 48 : index
      %get3A_255 = tpu.vector_load %arg11[%get3A_253, %get3A_254] {strides = array<i32>} : memref<40x128xf32, #tpu.memory_space<vmem>>, vector<1x16xf32>,
      %get3A_256 = vector.shape_cast %get3A_255 : vector<1x16xf32> to vector<16xf32>
      %mul3A_257 = arith.mulf %get3A_256, %gather3A_223 : vector<16xf32>
      %swap3A_258 = arith.index_cast %add3A_190 : i32 to index
      %swap3A_259 = arith.constant 48 : index
      %swap3A_260 = tpu.vector_load %arg13[%swap3A_258, %swap3A_259] {strides = array<i32>} : memref<40x128xf32, #tpu.memory_space<vmem>>, vector<1x16xf32>,
      %swap3A_261 = vector.shape_cast %swap3A_260 : vector<1x16xf32> to vector<16xf32>
      %swap3A_262 = vector.shape_cast %mul3A_257 : vector<16xf32> to vector<1x16xf32>
      tpu.vector_store %arg13[%swap3A_258, %swap3A_259], %swap3A_262 {strides = array<i32>} : memref<40x128xf32, #tpu.memory_space<vmem>>, vector<1x16xf32>,
      %get3A_263 = arith.index_cast %add3A_190 : i32 to index
      %get3A_264 = arith.constant 64 : index
      %get3A_265 = tpu.vector_load %arg11[%get3A_263, %get3A_264] {strides = array<i32>} : memref<40x128xf32, #tpu.memory_space<vmem>>, vector<1x16xf32>,
      %get3A_266 = vector.shape_cast %get3A_265 : vector<1x16xf32> to vector<16xf32>
      %mul3A_267 = arith.mulf %get3A_266, %gather3A_223 : vector<16xf32>
      %swap3A_268 = arith.index_cast %add3A_190 : i32 to index
      %swap3A_269 = arith.constant 64 : index
      %swap3A_270 = tpu.vector_load %arg13[%swap3A_268, %swap3A_269] {strides = array<i32>} : memref<40x128xf32, #tpu.memory_space<vmem>>, vector<1x16xf32>,
      %swap3A_271 = vector.shape_cast %swap3A_270 : vector<1x16xf32> to vector<16xf32>
      %swap3A_272 = vector.shape_cast %mul3A_267 : vector<16xf32> to vector<1x16xf32>
      tpu.vector_store %arg13[%swap3A_268, %swap3A_269], %swap3A_272 {strides = array<i32>} : memref<40x128xf32, #tpu.memory_space<vmem>>, vector<1x16xf32>,
      %get3A_273 = arith.index_cast %add3A_190 : i32 to index
      %get3A_274 = arith.constant 80 : index
      %get3A_275 = tpu.vector_load %arg11[%get3A_273, %get3A_274] {strides = array<i32>} : memref<40x128xf32, #tpu.memory_space<vmem>>, vector<1x16xf32>,
      %get3A_276 = vector.shape_cast %get3A_275 : vector<1x16xf32> to vector<16xf32>
      %mul3A_277 = arith.mulf %get3A_276, %gather3A_223 : vector<16xf32>
      %swap3A_278 = arith.index_cast %add3A_190 : i32 to index
      %swap3A_279 = arith.constant 80 : index
      %swap3A_280 = tpu.vector_load %arg13[%swap3A_278, %swap3A_279] {strides = array<i32>} : memref<40x128xf32, #tpu.memory_space<vmem>>, vector<1x16xf32>,
      %swap3A_281 = vector.shape_cast %swap3A_280 : vector<1x16xf32> to vector<16xf32>
      %swap3A_282 = vector.shape_cast %mul3A_277 : vector<16xf32> to vector<1x16xf32>
      tpu.vector_store %arg13[%swap3A_278, %swap3A_279], %swap3A_282 {strides = array<i32>} : memref<40x128xf32, #tpu.memory_space<vmem>>, vector<1x16xf32>,
      %get3A_283 = arith.index_cast %add3A_190 : i32 to index
      %get3A_284 = arith.constant 96 : index
      %get3A_285 = tpu.vector_load %arg11[%get3A_283, %get3A_284] {strides = array<i32>} : memref<40x128xf32, #tpu.memory_space<vmem>>, vector<1x16xf32>,
      %get3A_286 = vector.shape_cast %get3A_285 : vector<1x16xf32> to vector<16xf32>
      %mul3A_287 = arith.mulf %get3A_286, %gather3A_223 : vector<16xf32>
      %swap3A_288 = arith.index_cast %add3A_190 : i32 to index
      %swap3A_289 = arith.constant 96 : index
      %swap3A_290 = tpu.vector_load %arg13[%swap3A_288, %swap3A_289] {strides = array<i32>} : memref<40x128xf32, #tpu.memory_space<vmem>>, vector<1x16xf32>,
      %swap3A_291 = vector.shape_cast %swap3A_290 : vector<1x16xf32> to vector<16xf32>
      %swap3A_292 = vector.shape_cast %mul3A_287 : vector<16xf32> to vector<1x16xf32>
      tpu.vector_store %arg13[%swap3A_288, %swap3A_289], %swap3A_292 {strides = array<i32>} : memref<40x128xf32, #tpu.memory_space<vmem>>, vector<1x16xf32>,
      %get3A_293 = arith.index_cast %add3A_190 : i32 to index
      %get3A_294 = arith.constant 112 : index
      %get3A_295 = tpu.vector_load %arg11[%get3A_293, %get3A_294] {strides = array<i32>} : memref<40x128xf32, #tpu.memory_space<vmem>>, vector<1x16xf32>,
      %get3A_296 = vector.shape_cast %get3A_295 : vector<1x16xf32> to vector<16xf32>
      %mul3A_297 = arith.mulf %get3A_296, %gather3A_223 : vector<16xf32>
      %swap3A_298 = arith.index_cast %add3A_190 : i32 to index
      %swap3A_299 = arith.constant 112 : index
      %swap3A_300 = tpu.vector_load %arg13[%swap3A_298, %swap3A_299] {strides = array<i32>} : memref<40x128xf32, #tpu.memory_space<vmem>>, vector<1x16xf32>,
      %swap3A_301 = vector.shape_cast %swap3A_300 : vector<1x16xf32> to vector<16xf32>
      %swap3A_302 = vector.shape_cast %mul3A_297 : vector<16xf32> to vector<1x16xf32>
      tpu.vector_store %arg13[%swap3A_298, %swap3A_299], %swap3A_302 {strides = array<i32>} : memref<40x128xf32, #tpu.memory_space<vmem>>, vector<1x16xf32>,
    }
    %scan3A_137 = arith.constant 40 : i32
    %dma_start3A_138 = arith.constant 248 : i32
    %dma_start3A_139 = arith.constant 0 : i32
    %dma_start3A_140 = tpu.memref_slice %arg9[%dma_start3A_138, %dma_start3A_139] : memref<250x40xi32, #tpu.memory_space<vmem>> -> memref<1x40xi32, #tpu.memory_space<vmem>>
    %dma_start3A_141 = tpu.memref_squeeze %dma_start3A_140 : memref<1x40xi32, #tpu.memory_space<vmem>> -> memref<40xi32, #tpu.memory_space<vmem>>
    %dma_start3A_142 = arith.constant 0 : i32
    %dma_start3A_143 = arith.constant 0 : i32
    %dma_start3A_144 = tpu.memref_slice %arg15[%dma_start3A_142, %dma_start3A_143] : memref<10000x128xf32, #tpu.memory_space<vmem_shared>> -> memref<10000x128xf32, #tpu.memory_space<vmem_shared>>
    tpu.enqueue_indirect_dma source(%arg13 : memref<40x128xf32, #tpu.memory_space<vmem>>) target(%dma_start3A_144 : memref<10000x128xf32, #tpu.memory_space<vmem_shared>>) offsets(%dma_start3A_141 : memref<40xi32, #tpu.memory_space<vmem>>) semaphore(%arg19 : memref<!tpu.dma_semaphore, #tpu.memory_space<semaphore_mem>>) {add = true}
    %dma_wait3A_145 = arith.constant 0 : i32
    %dma_wait3A_146 = arith.constant 0 : i32
    %dma_wait3A_147 = tpu.memref_slice %arg8[%dma_wait3A_145, %dma_wait3A_146] : memref<250x40xi32, #tpu.memory_space<vmem>> -> memref<1x40xi32, #tpu.memory_space<vmem>>
    %dma_wait3A_148 = tpu.memref_squeeze %dma_wait3A_147 : memref<1x40xi32, #tpu.memory_space<vmem>> -> memref<40xi32, #tpu.memory_space<vmem>>
    %dma_wait3A_149 = arith.constant 0 : i32
    %dma_wait3A_150 = arith.constant 0 : i32
    %dma_wait3A_151 = tpu.memref_slice %arg2[%dma_wait3A_149, %dma_wait3A_150] : memref<10000x128xf32, #tpu.memory_space<hbm>> -> memref<10000x128xf32, #tpu.memory_space<hbm>>
    tpu.wait_indirect_dma semaphore(%arg18 : memref<!tpu.dma_semaphore, #tpu.memory_space<semaphore_mem>>) src(%dma_wait3A_151 : memref<10000x128xf32, #tpu.memory_space<hbm>>) dst(%arg12 : memref<40x128xf32, #tpu.memory_space<vmem>>)
    %dma_wait3A_152 = arith.constant 0 : i32
    %dma_wait3A_153 = arith.constant 0 : i32
    %dma_wait3A_154 = tpu.memref_slice %arg9[%dma_wait3A_152, %dma_wait3A_153] : memref<250x40xi32, #tpu.memory_space<vmem>> -> memref<1x40xi32, #tpu.memory_space<vmem>>
    %dma_wait3A_155 = tpu.memref_squeeze %dma_wait3A_154 : memref<1x40xi32, #tpu.memory_space<vmem>> -> memref<40xi32, #tpu.memory_space<vmem>>
    %dma_wait3A_156 = arith.constant 0 : i32
    %dma_wait3A_157 = arith.constant 0 : i32
    %dma_wait3A_158 = tpu.memref_slice %arg15[%dma_wait3A_156, %dma_wait3A_157] : memref<10000x128xf32, #tpu.memory_space<vmem_shared>> -> memref<10000x128xf32, #tpu.memory_space<vmem_shared>>
    tpu.wait_indirect_dma semaphore(%arg20 : memref<!tpu.dma_semaphore, #tpu.memory_space<semaphore_mem>>) src(%arg14 : memref<40x128xf32, #tpu.memory_space<vmem>>) dst(%dma_wait3A_158 : memref<10000x128xf32, #tpu.memory_space<vmem_shared>>)
    %scan3A_159 = arith.constant 0 : i32
    %scan3A_160 = arith.constant 40 : i32
    %scan3A_161 = arith.addi %scan3A_159, %scan3A_160 : i32
    %scan3A_162 = arith.constant 1 : i32
    scf.for %scan3A_186 = %scan3A_159 to %scan3A_161 step %scan3A_162  : i32 {
      %mul3A_187 = arith.constant 1 : i32
      %mul3A_188 = arith.muli %scan3A_186, %mul3A_187 : i32
      %add3A_189 = arith.constant 0 : i32
      %add3A_190 = arith.addi %add3A_189, %mul3A_188 : i32
      %jit3A = arith.constant 16 : i32
      %div3A = arith.divsi %add3A_190, %jit3A : i32
      %sign3A = arith.constant 0 : i32
      %sign3A_191 = arith.cmpi sgt, %add3A_190, %sign3A : i32
      %sign3A_192 = arith.extui %sign3A_191 : i1 to i32
      %sign3A_193 = arith.constant 0 : i32
      %sign3A_194 = arith.cmpi slt, %add3A_190, %sign3A_193 : i32
      %sign3A_195 = arith.extui %sign3A_194 : i1 to i32
      %sign3A_196 = arith.subi %sign3A_192, %sign3A_195 : i32
      %sign3A_197 = arith.constant 0 : i32
      %sign3A_198 = arith.cmpi sgt, %jit3A, %sign3A_197 : i32
      %sign3A_199 = arith.extui %sign3A_198 : i1 to i32
      %sign3A_200 = arith.constant 0 : i32
      %sign3A_201 = arith.cmpi slt, %jit3A, %sign3A_200 : i32
      %sign3A_202 = arith.extui %sign3A_201 : i1 to i32
      %sign3A_203 = arith.subi %sign3A_199, %sign3A_202 : i32
      %ne3A = arith.cmpi ne, %sign3A_196, %sign3A_203 : i32
      %rem3A = arith.remsi %add3A_190, %jit3A : i32
      %ne3A_204 = arith.constant 0 : i32
      %ne3A_205 = arith.cmpi ne, %rem3A, %ne3A_204 : i32
      %and3A = arith.andi %ne3A, %ne3A_205 : i1
      %sub3A = arith.constant 1 : i32
      %sub3A_206 = arith.subi %div3A, %sub3A : i32
      %select_n3A = arith.select %and3A, %sub3A_206, %div3A : i32
      %mul3A_207 = arith.constant 16 : i32
      %mul3A_208 = arith.muli %select_n3A, %mul3A_207 : i32
      %min3A = arith.constant 24 : i32
      %min3A_209 = arith.minsi %mul3A_208, %min3A : i32
      %get3A = arith.constant 249 : i32
      %get3A_210 = arith.index_cast %get3A : i32 to index
      %get3A_211 = arith.index_cast %min3A_209 : i32 to index
      %get3A_212 = tpu.vector_load %arg10[%get3A_210, %get3A_211] {strides = array<i32>} : memref<250x40xf32, #tpu.memory_space<vmem>>, vector<1x16xf32>,
      %get3A_213 = vector.shape_cast %get3A_212 : vector<1x16xf32> to vector<16xf32>
      %broadcast_in_dim3A = vector.broadcast %add3A_190 : i32 to vector<16xi32>
      %sub3A_214 = vector.broadcast %min3A_209 : i32 to vector<16xi32>
      %sub3A_215 = arith.subi %broadcast_in_dim3A, %sub3A_214 : vector<16xi32>
      %lt3A = arith.constant 0 : i32
      %lt3A_216 = vector.broadcast %lt3A : i32 to vector<16xi32>
      %lt3A_217 = arith.cmpi slt, %sub3A_215, %lt3A_216 : vector<16xi32>
      %add3A_218 = arith.constant 16 : i32
      %add3A_219 = vector.broadcast %add3A_218 : i32 to vector<16xi32>
      %add3A_220 = arith.addi %sub3A_215, %add3A_219 : vector<16xi32>
      %select_n3A_221 = arith.select %lt3A_217, %add3A_220, %sub3A_215 : vector<16xi1>, vector<16xi32>
      %broadcast_in_dim3A_222 = vector.shape_cast %select_n3A_221 : vector<16xi32> to vector<16x1xi32>
      %gather3A = vector.shape_cast %broadcast_in_dim3A_222 : vector<16x1xi32> to vector<16xi32>
      %gather3A_223 = tpu.dynamic_gather %get3A_213[%gather3A] in [0] : vector<16xf32>, vector<16xi32> -> vector<16xf32>
      %get3A_224 = arith.index_cast %add3A_190 : i32 to index
      %get3A_225 = arith.constant 0 : index
      %get3A_226 = tpu.vector_load %arg12[%get3A_224, %get3A_225] {strides = array<i32>} : memref<40x128xf32, #tpu.memory_space<vmem>>, vector<1x16xf32>,
      %get3A_227 = vector.shape_cast %get3A_226 : vector<1x16xf32> to vector<16xf32>
      %mul3A_228 = arith.mulf %get3A_227, %gather3A_223 : vector<16xf32>
      %swap3A = arith.index_cast %add3A_190 : i32 to index
      %swap3A_229 = arith.constant 0 : index
      %swap3A_230 = tpu.vector_load %arg14[%swap3A, %swap3A_229] {strides = array<i32>} : memref<40x128xf32, #tpu.memory_space<vmem>>, vector<1x16xf32>,
      %swap3A_231 = vector.shape_cast %swap3A_230 : vector<1x16xf32> to vector<16xf32>
      %swap3A_232 = vector.shape_cast %mul3A_228 : vector<16xf32> to vector<1x16xf32>
      tpu.vector_store %arg14[%swap3A, %swap3A_229], %swap3A_232 {strides = array<i32>} : memref<40x128xf32, #tpu.memory_space<vmem>>, vector<1x16xf32>,
      %get3A_233 = arith.index_cast %add3A_190 : i32 to index
      %get3A_234 = arith.constant 16 : index
      %get3A_235 = tpu.vector_load %arg12[%get3A_233, %get3A_234] {strides = array<i32>} : memref<40x128xf32, #tpu.memory_space<vmem>>, vector<1x16xf32>,
      %get3A_236 = vector.shape_cast %get3A_235 : vector<1x16xf32> to vector<16xf32>
      %mul3A_237 = arith.mulf %get3A_236, %gather3A_223 : vector<16xf32>
      %swap3A_238 = arith.index_cast %add3A_190 : i32 to index
      %swap3A_239 = arith.constant 16 : index
      %swap3A_240 = tpu.vector_load %arg14[%swap3A_238, %swap3A_239] {strides = array<i32>} : memref<40x128xf32, #tpu.memory_space<vmem>>, vector<1x16xf32>,
      %swap3A_241 = vector.shape_cast %swap3A_240 : vector<1x16xf32> to vector<16xf32>
      %swap3A_242 = vector.shape_cast %mul3A_237 : vector<16xf32> to vector<1x16xf32>
      tpu.vector_store %arg14[%swap3A_238, %swap3A_239], %swap3A_242 {strides = array<i32>} : memref<40x128xf32, #tpu.memory_space<vmem>>, vector<1x16xf32>,
      %get3A_243 = arith.index_cast %add3A_190 : i32 to index
      %get3A_244 = arith.constant 32 : index
      %get3A_245 = tpu.vector_load %arg12[%get3A_243, %get3A_244] {strides = array<i32>} : memref<40x128xf32, #tpu.memory_space<vmem>>, vector<1x16xf32>,
      %get3A_246 = vector.shape_cast %get3A_245 : vector<1x16xf32> to vector<16xf32>
      %mul3A_247 = arith.mulf %get3A_246, %gather3A_223 : vector<16xf32>
      %swap3A_248 = arith.index_cast %add3A_190 : i32 to index
      %swap3A_249 = arith.constant 32 : index
      %swap3A_250 = tpu.vector_load %arg14[%swap3A_248, %swap3A_249] {strides = array<i32>} : memref<40x128xf32, #tpu.memory_space<vmem>>, vector<1x16xf32>,
      %swap3A_251 = vector.shape_cast %swap3A_250 : vector<1x16xf32> to vector<16xf32>
      %swap3A_252 = vector.shape_cast %mul3A_247 : vector<16xf32> to vector<1x16xf32>
      tpu.vector_store %arg14[%swap3A_248, %swap3A_249], %swap3A_252 {strides = array<i32>} : memref<40x128xf32, #tpu.memory_space<vmem>>, vector<1x16xf32>,
      %get3A_253 = arith.index_cast %add3A_190 : i32 to index
      %get3A_254 = arith.constant 48 : index
      %get3A_255 = tpu.vector_load %arg12[%get3A_253, %get3A_254] {strides = array<i32>} : memref<40x128xf32, #tpu.memory_space<vmem>>, vector<1x16xf32>,
      %get3A_256 = vector.shape_cast %get3A_255 : vector<1x16xf32> to vector<16xf32>
      %mul3A_257 = arith.mulf %get3A_256, %gather3A_223 : vector<16xf32>
      %swap3A_258 = arith.index_cast %add3A_190 : i32 to index
      %swap3A_259 = arith.constant 48 : index
      %swap3A_260 = tpu.vector_load %arg14[%swap3A_258, %swap3A_259] {strides = array<i32>} : memref<40x128xf32, #tpu.memory_space<vmem>>, vector<1x16xf32>,
      %swap3A_261 = vector.shape_cast %swap3A_260 : vector<1x16xf32> to vector<16xf32>
      %swap3A_262 = vector.shape_cast %mul3A_257 : vector<16xf32> to vector<1x16xf32>
      tpu.vector_store %arg14[%swap3A_258, %swap3A_259], %swap3A_262 {strides = array<i32>} : memref<40x128xf32, #tpu.memory_space<vmem>>, vector<1x16xf32>,
      %get3A_263 = arith.index_cast %add3A_190 : i32 to index
      %get3A_264 = arith.constant 64 : index
      %get3A_265 = tpu.vector_load %arg12[%get3A_263, %get3A_264] {strides = array<i32>} : memref<40x128xf32, #tpu.memory_space<vmem>>, vector<1x16xf32>,
      %get3A_266 = vector.shape_cast %get3A_265 : vector<1x16xf32> to vector<16xf32>
      %mul3A_267 = arith.mulf %get3A_266, %gather3A_223 : vector<16xf32>
      %swap3A_268 = arith.index_cast %add3A_190 : i32 to index
      %swap3A_269 = arith.constant 64 : index
      %swap3A_270 = tpu.vector_load %arg14[%swap3A_268, %swap3A_269] {strides = array<i32>} : memref<40x128xf32, #tpu.memory_space<vmem>>, vector<1x16xf32>,
      %swap3A_271 = vector.shape_cast %swap3A_270 : vector<1x16xf32> to vector<16xf32>
      %swap3A_272 = vector.shape_cast %mul3A_267 : vector<16xf32> to vector<1x16xf32>
      tpu.vector_store %arg14[%swap3A_268, %swap3A_269], %swap3A_272 {strides = array<i32>} : memref<40x128xf32, #tpu.memory_space<vmem>>, vector<1x16xf32>,
      %get3A_273 = arith.index_cast %add3A_190 : i32 to index
      %get3A_274 = arith.constant 80 : index
      %get3A_275 = tpu.vector_load %arg12[%get3A_273, %get3A_274] {strides = array<i32>} : memref<40x128xf32, #tpu.memory_space<vmem>>, vector<1x16xf32>,
      %get3A_276 = vector.shape_cast %get3A_275 : vector<1x16xf32> to vector<16xf32>
      %mul3A_277 = arith.mulf %get3A_276, %gather3A_223 : vector<16xf32>
      %swap3A_278 = arith.index_cast %add3A_190 : i32 to index
      %swap3A_279 = arith.constant 80 : index
      %swap3A_280 = tpu.vector_load %arg14[%swap3A_278, %swap3A_279] {strides = array<i32>} : memref<40x128xf32, #tpu.memory_space<vmem>>, vector<1x16xf32>,
      %swap3A_281 = vector.shape_cast %swap3A_280 : vector<1x16xf32> to vector<16xf32>
      %swap3A_282 = vector.shape_cast %mul3A_277 : vector<16xf32> to vector<1x16xf32>
      tpu.vector_store %arg14[%swap3A_278, %swap3A_279], %swap3A_282 {strides = array<i32>} : memref<40x128xf32, #tpu.memory_space<vmem>>, vector<1x16xf32>,
      %get3A_283 = arith.index_cast %add3A_190 : i32 to index
      %get3A_284 = arith.constant 96 : index
      %get3A_285 = tpu.vector_load %arg12[%get3A_283, %get3A_284] {strides = array<i32>} : memref<40x128xf32, #tpu.memory_space<vmem>>, vector<1x16xf32>,
      %get3A_286 = vector.shape_cast %get3A_285 : vector<1x16xf32> to vector<16xf32>
      %mul3A_287 = arith.mulf %get3A_286, %gather3A_223 : vector<16xf32>
      %swap3A_288 = arith.index_cast %add3A_190 : i32 to index
      %swap3A_289 = arith.constant 96 : index
      %swap3A_290 = tpu.vector_load %arg14[%swap3A_288, %swap3A_289] {strides = array<i32>} : memref<40x128xf32, #tpu.memory_space<vmem>>, vector<1x16xf32>,
      %swap3A_291 = vector.shape_cast %swap3A_290 : vector<1x16xf32> to vector<16xf32>
      %swap3A_292 = vector.shape_cast %mul3A_287 : vector<16xf32> to vector<1x16xf32>
      tpu.vector_store %arg14[%swap3A_288, %swap3A_289], %swap3A_292 {strides = array<i32>} : memref<40x128xf32, #tpu.memory_space<vmem>>, vector<1x16xf32>,
      %get3A_293 = arith.index_cast %add3A_190 : i32 to index
      %get3A_294 = arith.constant 112 : index
      %get3A_295 = tpu.vector_load %arg12[%get3A_293, %get3A_294] {strides = array<i32>} : memref<40x128xf32, #tpu.memory_space<vmem>>, vector<1x16xf32>,
      %get3A_296 = vector.shape_cast %get3A_295 : vector<1x16xf32> to vector<16xf32>
      %mul3A_297 = arith.mulf %get3A_296, %gather3A_223 : vector<16xf32>
      %swap3A_298 = arith.index_cast %add3A_190 : i32 to index
      %swap3A_299 = arith.constant 112 : index
      %swap3A_300 = tpu.vector_load %arg14[%swap3A_298, %swap3A_299] {strides = array<i32>} : memref<40x128xf32, #tpu.memory_space<vmem>>, vector<1x16xf32>,
      %swap3A_301 = vector.shape_cast %swap3A_300 : vector<1x16xf32> to vector<16xf32>
      %swap3A_302 = vector.shape_cast %mul3A_297 : vector<16xf32> to vector<1x16xf32>
      tpu.vector_store %arg14[%swap3A_298, %swap3A_299], %swap3A_302 {strides = array<i32>} : memref<40x128xf32, #tpu.memory_space<vmem>>, vector<1x16xf32>,
    }
    %scan3A_163 = arith.constant 40 : i32
    %dma_start3A_164 = arith.constant 249 : i32
    %dma_start3A_165 = arith.constant 0 : i32
    %dma_start3A_166 = tpu.memref_slice %arg9[%dma_start3A_164, %dma_start3A_165] : memref<250x40xi32, #tpu.memory_space<vmem>> -> memref<1x40xi32, #tpu.memory_space<vmem>>
    %dma_start3A_167 = tpu.memref_squeeze %dma_start3A_166 : memref<1x40xi32, #tpu.memory_space<vmem>> -> memref<40xi32, #tpu.memory_space<vmem>>
    %dma_start3A_168 = arith.constant 0 : i32
    %dma_start3A_169 = arith.constant 0 : i32
    %dma_start3A_170 = tpu.memref_slice %arg15[%dma_start3A_168, %dma_start3A_169] : memref<10000x128xf32, #tpu.memory_space<vmem_shared>> -> memref<10000x128xf32, #tpu.memory_space<vmem_shared>>
    tpu.enqueue_indirect_dma source(%arg14 : memref<40x128xf32, #tpu.memory_space<vmem>>) target(%dma_start3A_170 : memref<10000x128xf32, #tpu.memory_space<vmem_shared>>) offsets(%dma_start3A_167 : memref<40xi32, #tpu.memory_space<vmem>>) semaphore(%arg20 : memref<!tpu.dma_semaphore, #tpu.memory_space<semaphore_mem>>) {add = true}
    %dma_wait3A_171 = arith.constant 0 : i32
    %dma_wait3A_172 = arith.constant 0 : i32
    %dma_wait3A_173 = tpu.memref_slice %arg9[%dma_wait3A_171, %dma_wait3A_172] : memref<250x40xi32, #tpu.memory_space<vmem>> -> memref<1x40xi32, #tpu.memory_space<vmem>>
    %dma_wait3A_174 = tpu.memref_squeeze %dma_wait3A_173 : memref<1x40xi32, #tpu.memory_space<vmem>> -> memref<40xi32, #tpu.memory_space<vmem>>
    %dma_wait3A_175 = arith.constant 0 : i32
    %dma_wait3A_176 = arith.constant 0 : i32
    %dma_wait3A_177 = tpu.memref_slice %arg15[%dma_wait3A_175, %dma_wait3A_176] : memref<10000x128xf32, #tpu.memory_space<vmem_shared>> -> memref<10000x128xf32, #tpu.memory_space<vmem_shared>>
    tpu.wait_indirect_dma semaphore(%arg19 : memref<!tpu.dma_semaphore, #tpu.memory_space<semaphore_mem>>) src(%arg13 : memref<40x128xf32, #tpu.memory_space<vmem>>) dst(%dma_wait3A_177 : memref<10000x128xf32, #tpu.memory_space<vmem_shared>>)
    %dma_wait3A_178 = arith.constant 0 : i32
    %dma_wait3A_179 = arith.constant 0 : i32
    %dma_wait3A_180 = tpu.memref_slice %arg9[%dma_wait3A_178, %dma_wait3A_179] : memref<250x40xi32, #tpu.memory_space<vmem>> -> memref<1x40xi32, #tpu.memory_space<vmem>>
    %dma_wait3A_181 = tpu.memref_squeeze %dma_wait3A_180 : memref<1x40xi32, #tpu.memory_space<vmem>> -> memref<40xi32, #tpu.memory_space<vmem>>
    %dma_wait3A_182 = arith.constant 0 : i32
    %dma_wait3A_183 = arith.constant 0 : i32
    %dma_wait3A_184 = tpu.memref_slice %arg15[%dma_wait3A_182, %dma_wait3A_183] : memref<10000x128xf32, #tpu.memory_space<vmem_shared>> -> memref<10000x128xf32, #tpu.memory_space<vmem_shared>>
    tpu.wait_indirect_dma semaphore(%arg20 : memref<!tpu.dma_semaphore, #tpu.memory_space<semaphore_mem>>) src(%arg14 : memref<40x128xf32, #tpu.memory_space<vmem>>) dst(%dma_wait3A_184 : memref<10000x128xf32, #tpu.memory_space<vmem_shared>>)
    %barrier3A_185 = arith.constant 0 : index
    tpu.barrier barrier_id(%barrier3A_185)
    "tpu.region"() ({
      %run_scoped3A = tpu.sem_alloc : memref<!tpu.dma_semaphore, #tpu.memory_space<semaphore_mem>>
      %dma_start3A_186 = arith.constant 0 : i32
      %dma_start3A_187 = tpu.memref_slice %arg7[%arg0, %mul3A_25, %dma_start3A_186] : memref<2x10000x128xf32, #tpu.memory_space<hbm>> -> memref<1x640x128xf32, #tpu.memory_space<hbm>>
      %dma_start3A_188 = tpu.memref_squeeze %dma_start3A_187 : memref<1x640x128xf32, #tpu.memory_space<hbm>> -> memref<640x128xf32, #tpu.memory_space<hbm>>
      %dma_start3A_189 = arith.constant 0 : i32
      %dma_start3A_190 = tpu.memref_slice %arg15[%mul3A_25, %dma_start3A_189] : memref<10000x128xf32, #tpu.memory_space<vmem_shared>> -> memref<640x128xf32, #tpu.memory_space<vmem_shared>>
      tpu.enqueue_dma source(%dma_start3A_190 : memref<640x128xf32, #tpu.memory_space<vmem_shared>>) target(%dma_start3A_188 : memref<640x128xf32, #tpu.memory_space<hbm>>) target_semaphore(%run_scoped3A : memref<!tpu.dma_semaphore, #tpu.memory_space<semaphore_mem>>)
      %dma_wait3A_191 = arith.constant 0 : i32
      %dma_wait3A_192 = tpu.memref_slice %arg7[%arg0, %mul3A_25, %dma_wait3A_191] : memref<2x10000x128xf32, #tpu.memory_space<hbm>> -> memref<1x640x128xf32, #tpu.memory_space<hbm>>
      %dma_wait3A_193 = tpu.memref_squeeze %dma_wait3A_192 : memref<1x640x128xf32, #tpu.memory_space<hbm>> -> memref<640x128xf32, #tpu.memory_space<hbm>>
      %dma_wait3A_194 = arith.constant 0 : i32
      %dma_wait3A_195 = tpu.memref_slice %arg15[%mul3A_25, %dma_wait3A_194] : memref<10000x128xf32, #tpu.memory_space<vmem_shared>> -> memref<640x128xf32, #tpu.memory_space<vmem_shared>>
      tpu.wait_dma2 semaphore(%run_scoped3A : memref<!tpu.dma_semaphore, #tpu.memory_space<semaphore_mem>>) src(%dma_wait3A_195 : memref<640x128xf32, #tpu.memory_space<vmem_shared>>) dst(%dma_wait3A_193 : memref<640x128xf32, #tpu.memory_space<hbm>>)
      tpu.yield
    }) : () -> ()
    return
  }
}

#map = affine_map<(d0, d1) -> (0, 0)>
#map1 = affine_map<(d0, d1) -> (0, 0, 0)>
module attributes {stable_mosaic.version = 14 : i64} {
  func.func @k(%arg0: i32, %arg1: i32, %arg2: memref<10000x64xf32, #tpu.memory_space<hbm>>, %arg3: memref<32x250x40xi32, #tpu.memory_space<hbm>>, %arg4: memref<32x250x40xi32, #tpu.memory_space<hbm>>, %arg5: memref<32x250x40xf32, #tpu.memory_space<hbm>>, %arg6: memref<10000x64xf32, #tpu.memory_space<hbm>>, %arg7: memref<2x10000x64xf32, #tpu.memory_space<hbm>>, %arg8: memref<250x40xi32, #tpu.memory_space<vmem>>, %arg9: memref<250x40xi32, #tpu.memory_space<vmem>>, %arg10: memref<250x40xf32, #tpu.memory_space<vmem>>, %arg11: memref<40x64xf32, #tpu.memory_space<vmem>>, %arg12: memref<40x64xf32, #tpu.memory_space<vmem>>, %arg13: memref<40x64xf32, #tpu.memory_space<vmem>>, %arg14: memref<40x64xf32, #tpu.memory_space<vmem>>, %arg15: memref<10000x64xf32, #tpu.memory_space<vmem_shared>>, %arg16: memref<!tpu.dma_semaphore, #tpu.memory_space<semaphore_mem>>, %arg17: memref<!tpu.dma_semaphore, #tpu.memory_space<semaphore_mem>>, %arg18: memref<!tpu.dma_semaphore, #tpu.memory_space<semaphore_mem>>, %arg19: memref<!tpu.dma_semaphore, #tpu.memory_space<semaphore_mem>>, %arg20: memref<!tpu.dma_semaphore, #tpu.memory_space<semaphore_mem>>) attributes {dimension_semantics = [#tpu.dimension_semantics<core_parallel>, #tpu.dimension_semantics<subcore_parallel>], iteration_bounds = array<i64: 2, 16>, scalar_prefetch = 0 : i64, scratch_operands = 13 : i64, tpu.core_type = #tpu.core_type<sc_vector_subcore>, window_params = [{transform_indices = #map}, {transform_indices = #map1}, {transform_indices = #map1}, {transform_indices = #map1}, {transform_indices = #map}, {transform_indices = #map1}]} {
    %mul3A = arith.constant 2 : i32
    %mul3A_0 = arith.muli %arg1, %mul3A : i32
    %add3A = arith.addi %mul3A_0, %arg0 : i32
    %dma_start3A = arith.constant 0 : i32
    %dma_start3A_1 = arith.constant 0 : i32
    %dma_start3A_2 = tpu.memref_slice %arg3[%add3A, %dma_start3A, %dma_start3A_1] : memref<32x250x40xi32, #tpu.memory_space<hbm>> -> memref<1x250x40xi32, #tpu.memory_space<hbm>>
    %dma_start3A_3 = tpu.memref_squeeze %dma_start3A_2 : memref<1x250x40xi32, #tpu.memory_space<hbm>> -> memref<250x40xi32, #tpu.memory_space<hbm>>
    %dma_start3A_4 = arith.constant 0 : i32
    %dma_start3A_5 = arith.constant 0 : i32
    %dma_start3A_6 = tpu.memref_slice %arg3[%add3A, %dma_start3A_4, %dma_start3A_5] : memref<32x250x40xi32, #tpu.memory_space<hbm>> -> memref<1x250x40xi32, #tpu.memory_space<hbm>>
    %dma_start3A_7 = tpu.memref_squeeze %dma_start3A_6 : memref<1x250x40xi32, #tpu.memory_space<hbm>> -> memref<250x40xi32, #tpu.memory_space<hbm>>
    tpu.enqueue_dma source(%dma_start3A_7 : memref<250x40xi32, #tpu.memory_space<hbm>>) target(%arg8 : memref<250x40xi32, #tpu.memory_space<vmem>>) target_semaphore(%arg16 : memref<!tpu.dma_semaphore, #tpu.memory_space<semaphore_mem>>)
    %dma_start3A_8 = arith.constant 0 : i32
    %dma_start3A_9 = arith.constant 0 : i32
    %dma_start3A_10 = tpu.memref_slice %arg4[%add3A, %dma_start3A_8, %dma_start3A_9] : memref<32x250x40xi32, #tpu.memory_space<hbm>> -> memref<1x250x40xi32, #tpu.memory_space<hbm>>
    %dma_start3A_11 = tpu.memref_squeeze %dma_start3A_10 : memref<1x250x40xi32, #tpu.memory_space<hbm>> -> memref<250x40xi32, #tpu.memory_space<hbm>>
    %dma_start3A_12 = arith.constant 0 : i32
    %dma_start3A_13 = arith.constant 0 : i32
    %dma_start3A_14 = tpu.memref_slice %arg4[%add3A, %dma_start3A_12, %dma_start3A_13] : memref<32x250x40xi32, #tpu.memory_space<hbm>> -> memref<1x250x40xi32, #tpu.memory_space<hbm>>
    %dma_start3A_15 = tpu.memref_squeeze %dma_start3A_14 : memref<1x250x40xi32, #tpu.memory_space<hbm>> -> memref<250x40xi32, #tpu.memory_space<hbm>>
    tpu.enqueue_dma source(%dma_start3A_15 : memref<250x40xi32, #tpu.memory_space<hbm>>) target(%arg9 : memref<250x40xi32, #tpu.memory_space<vmem>>) target_semaphore(%arg16 : memref<!tpu.dma_semaphore, #tpu.memory_space<semaphore_mem>>)
    %dma_start3A_16 = arith.constant 0 : i32
    %dma_start3A_17 = arith.constant 0 : i32
    %dma_start3A_18 = tpu.memref_slice %arg5[%add3A, %dma_start3A_16, %dma_start3A_17] : memref<32x250x40xf32, #tpu.memory_space<hbm>> -> memref<1x250x40xf32, #tpu.memory_space<hbm>>
    %dma_start3A_19 = tpu.memref_squeeze %dma_start3A_18 : memref<1x250x40xf32, #tpu.memory_space<hbm>> -> memref<250x40xf32, #tpu.memory_space<hbm>>
    %dma_start3A_20 = arith.constant 0 : i32
    %dma_start3A_21 = arith.constant 0 : i32
    %dma_start3A_22 = tpu.memref_slice %arg5[%add3A, %dma_start3A_20, %dma_start3A_21] : memref<32x250x40xf32, #tpu.memory_space<hbm>> -> memref<1x250x40xf32, #tpu.memory_space<hbm>>
    %dma_start3A_23 = tpu.memref_squeeze %dma_start3A_22 : memref<1x250x40xf32, #tpu.memory_space<hbm>> -> memref<250x40xf32, #tpu.memory_space<hbm>>
    tpu.enqueue_dma source(%dma_start3A_23 : memref<250x40xf32, #tpu.memory_space<hbm>>) target(%arg10 : memref<250x40xf32, #tpu.memory_space<vmem>>) target_semaphore(%arg16 : memref<!tpu.dma_semaphore, #tpu.memory_space<semaphore_mem>>)
    %mul3A_24 = arith.constant 624 : i32
    %mul3A_25 = arith.muli %arg1, %mul3A_24 : i32
    "tpu.region"() ({
      %run_scoped3A = tpu.sem_alloc : memref<!tpu.dma_semaphore, #tpu.memory_space<semaphore_mem>>
      %dma_start3A_186 = arith.constant 0 : i32
      %dma_start3A_187 = tpu.memref_slice %arg15[%mul3A_25, %dma_start3A_186] : memref<10000x64xf32, #tpu.memory_space<vmem_shared>> -> memref<640x64xf32, #tpu.memory_space<vmem_shared>>
      %dma_start3A_188 = arith.constant 0 : i32
      %dma_start3A_189 = tpu.memref_slice %arg6[%mul3A_25, %dma_start3A_188] : memref<10000x64xf32, #tpu.memory_space<hbm>> -> memref<640x64xf32, #tpu.memory_space<hbm>>
      tpu.enqueue_dma source(%dma_start3A_189 : memref<640x64xf32, #tpu.memory_space<hbm>>) target(%dma_start3A_187 : memref<640x64xf32, #tpu.memory_space<vmem_shared>>) target_semaphore(%run_scoped3A : memref<!tpu.dma_semaphore, #tpu.memory_space<semaphore_mem>>)
      %dma_wait3A_190 = arith.constant 0 : i32
      %dma_wait3A_191 = tpu.memref_slice %arg15[%mul3A_25, %dma_wait3A_190] : memref<10000x64xf32, #tpu.memory_space<vmem_shared>> -> memref<640x64xf32, #tpu.memory_space<vmem_shared>>
      %dma_wait3A_192 = arith.constant 0 : i32
      %dma_wait3A_193 = tpu.memref_slice %arg6[%mul3A_25, %dma_wait3A_192] : memref<10000x64xf32, #tpu.memory_space<hbm>> -> memref<640x64xf32, #tpu.memory_space<hbm>>
      tpu.wait_dma2 semaphore(%run_scoped3A : memref<!tpu.dma_semaphore, #tpu.memory_space<semaphore_mem>>) src(%dma_wait3A_193 : memref<640x64xf32, #tpu.memory_space<hbm>>) dst(%dma_wait3A_191 : memref<640x64xf32, #tpu.memory_space<vmem_shared>>)
      tpu.yield
    }) : () -> ()
    %dma_wait3A = arith.constant 0 : i32
    %dma_wait3A_26 = arith.constant 0 : i32
    %dma_wait3A_27 = tpu.memref_slice %arg3[%add3A, %dma_wait3A, %dma_wait3A_26] : memref<32x250x40xi32, #tpu.memory_space<hbm>> -> memref<1x250x40xi32, #tpu.memory_space<hbm>>
    %dma_wait3A_28 = tpu.memref_squeeze %dma_wait3A_27 : memref<1x250x40xi32, #tpu.memory_space<hbm>> -> memref<250x40xi32, #tpu.memory_space<hbm>>
    %dma_wait3A_29 = arith.constant 0 : i32
    %dma_wait3A_30 = arith.constant 0 : i32
    %dma_wait3A_31 = tpu.memref_slice %arg3[%add3A, %dma_wait3A_29, %dma_wait3A_30] : memref<32x250x40xi32, #tpu.memory_space<hbm>> -> memref<1x250x40xi32, #tpu.memory_space<hbm>>
    %dma_wait3A_32 = tpu.memref_squeeze %dma_wait3A_31 : memref<1x250x40xi32, #tpu.memory_space<hbm>> -> memref<250x40xi32, #tpu.memory_space<hbm>>
    tpu.wait_dma2 semaphore(%arg16 : memref<!tpu.dma_semaphore, #tpu.memory_space<semaphore_mem>>) src(%dma_wait3A_32 : memref<250x40xi32, #tpu.memory_space<hbm>>) dst(%arg8 : memref<250x40xi32, #tpu.memory_space<vmem>>)
    %dma_wait3A_33 = arith.constant 0 : i32
    %dma_wait3A_34 = arith.constant 0 : i32
    %dma_wait3A_35 = tpu.memref_slice %arg4[%add3A, %dma_wait3A_33, %dma_wait3A_34] : memref<32x250x40xi32, #tpu.memory_space<hbm>> -> memref<1x250x40xi32, #tpu.memory_space<hbm>>
    %dma_wait3A_36 = tpu.memref_squeeze %dma_wait3A_35 : memref<1x250x40xi32, #tpu.memory_space<hbm>> -> memref<250x40xi32, #tpu.memory_space<hbm>>
    %dma_wait3A_37 = arith.constant 0 : i32
    %dma_wait3A_38 = arith.constant 0 : i32
    %dma_wait3A_39 = tpu.memref_slice %arg4[%add3A, %dma_wait3A_37, %dma_wait3A_38] : memref<32x250x40xi32, #tpu.memory_space<hbm>> -> memref<1x250x40xi32, #tpu.memory_space<hbm>>
    %dma_wait3A_40 = tpu.memref_squeeze %dma_wait3A_39 : memref<1x250x40xi32, #tpu.memory_space<hbm>> -> memref<250x40xi32, #tpu.memory_space<hbm>>
    tpu.wait_dma2 semaphore(%arg16 : memref<!tpu.dma_semaphore, #tpu.memory_space<semaphore_mem>>) src(%dma_wait3A_40 : memref<250x40xi32, #tpu.memory_space<hbm>>) dst(%arg9 : memref<250x40xi32, #tpu.memory_space<vmem>>)
    %dma_wait3A_41 = arith.constant 0 : i32
    %dma_wait3A_42 = arith.constant 0 : i32
    %dma_wait3A_43 = tpu.memref_slice %arg5[%add3A, %dma_wait3A_41, %dma_wait3A_42] : memref<32x250x40xf32, #tpu.memory_space<hbm>> -> memref<1x250x40xf32, #tpu.memory_space<hbm>>
    %dma_wait3A_44 = tpu.memref_squeeze %dma_wait3A_43 : memref<1x250x40xf32, #tpu.memory_space<hbm>> -> memref<250x40xf32, #tpu.memory_space<hbm>>
    %dma_wait3A_45 = arith.constant 0 : i32
    %dma_wait3A_46 = arith.constant 0 : i32
    %dma_wait3A_47 = tpu.memref_slice %arg5[%add3A, %dma_wait3A_45, %dma_wait3A_46] : memref<32x250x40xf32, #tpu.memory_space<hbm>> -> memref<1x250x40xf32, #tpu.memory_space<hbm>>
    %dma_wait3A_48 = tpu.memref_squeeze %dma_wait3A_47 : memref<1x250x40xf32, #tpu.memory_space<hbm>> -> memref<250x40xf32, #tpu.memory_space<hbm>>
    tpu.wait_dma2 semaphore(%arg16 : memref<!tpu.dma_semaphore, #tpu.memory_space<semaphore_mem>>) src(%dma_wait3A_48 : memref<250x40xf32, #tpu.memory_space<hbm>>) dst(%arg10 : memref<250x40xf32, #tpu.memory_space<vmem>>)
    %barrier3A = arith.constant 0 : index
    tpu.barrier barrier_id(%barrier3A)
    %dma_start3A_49 = arith.constant 0 : i32
    %dma_start3A_50 = arith.constant 0 : i32
    %dma_start3A_51 = tpu.memref_slice %arg8[%dma_start3A_49, %dma_start3A_50] : memref<250x40xi32, #tpu.memory_space<vmem>> -> memref<1x40xi32, #tpu.memory_space<vmem>>
    %dma_start3A_52 = tpu.memref_squeeze %dma_start3A_51 : memref<1x40xi32, #tpu.memory_space<vmem>> -> memref<40xi32, #tpu.memory_space<vmem>>
    %dma_start3A_53 = arith.constant 0 : i32
    %dma_start3A_54 = arith.constant 0 : i32
    %dma_start3A_55 = tpu.memref_slice %arg2[%dma_start3A_53, %dma_start3A_54] : memref<10000x64xf32, #tpu.memory_space<hbm>> -> memref<10000x64xf32, #tpu.memory_space<hbm>>
    tpu.enqueue_indirect_dma source(%dma_start3A_55 : memref<10000x64xf32, #tpu.memory_space<hbm>>) target(%arg11 : memref<40x64xf32, #tpu.memory_space<vmem>>) offsets(%dma_start3A_52 : memref<40xi32, #tpu.memory_space<vmem>>) semaphore(%arg17 : memref<!tpu.dma_semaphore, #tpu.memory_space<semaphore_mem>>)
    %dma_start3A_56 = arith.constant 1 : i32
    %dma_start3A_57 = arith.constant 0 : i32
    %dma_start3A_58 = tpu.memref_slice %arg8[%dma_start3A_56, %dma_start3A_57] : memref<250x40xi32, #tpu.memory_space<vmem>> -> memref<1x40xi32, #tpu.memory_space<vmem>>
    %dma_start3A_59 = tpu.memref_squeeze %dma_start3A_58 : memref<1x40xi32, #tpu.memory_space<vmem>> -> memref<40xi32, #tpu.memory_space<vmem>>
    %dma_start3A_60 = arith.constant 0 : i32
    %dma_start3A_61 = arith.constant 0 : i32
    %dma_start3A_62 = tpu.memref_slice %arg2[%dma_start3A_60, %dma_start3A_61] : memref<10000x64xf32, #tpu.memory_space<hbm>> -> memref<10000x64xf32, #tpu.memory_space<hbm>>
    tpu.enqueue_indirect_dma source(%dma_start3A_62 : memref<10000x64xf32, #tpu.memory_space<hbm>>) target(%arg12 : memref<40x64xf32, #tpu.memory_space<vmem>>) offsets(%dma_start3A_59 : memref<40xi32, #tpu.memory_space<vmem>>) semaphore(%arg18 : memref<!tpu.dma_semaphore, #tpu.memory_space<semaphore_mem>>)
    %dma_wait3A_63 = arith.constant 0 : i32
    %dma_wait3A_64 = arith.constant 0 : i32
    %dma_wait3A_65 = tpu.memref_slice %arg8[%dma_wait3A_63, %dma_wait3A_64] : memref<250x40xi32, #tpu.memory_space<vmem>> -> memref<1x40xi32, #tpu.memory_space<vmem>>
    %dma_wait3A_66 = tpu.memref_squeeze %dma_wait3A_65 : memref<1x40xi32, #tpu.memory_space<vmem>> -> memref<40xi32, #tpu.memory_space<vmem>>
    %dma_wait3A_67 = arith.constant 0 : i32
    %dma_wait3A_68 = arith.constant 0 : i32
    %dma_wait3A_69 = tpu.memref_slice %arg2[%dma_wait3A_67, %dma_wait3A_68] : memref<10000x64xf32, #tpu.memory_space<hbm>> -> memref<10000x64xf32, #tpu.memory_space<hbm>>
    tpu.wait_indirect_dma semaphore(%arg17 : memref<!tpu.dma_semaphore, #tpu.memory_space<semaphore_mem>>) src(%dma_wait3A_69 : memref<10000x64xf32, #tpu.memory_space<hbm>>) dst(%arg11 : memref<40x64xf32, #tpu.memory_space<vmem>>)
    %scan3A = arith.constant 0 : i32
    %scan3A_70 = arith.constant 40 : i32
    %scan3A_71 = arith.addi %scan3A, %scan3A_70 : i32
    %scan3A_72 = arith.constant 1 : i32
    scf.for %scan3A_186 = %scan3A to %scan3A_71 step %scan3A_72  : i32 {
      %mul3A_187 = arith.constant 1 : i32
      %mul3A_188 = arith.muli %scan3A_186, %mul3A_187 : i32
      %add3A_189 = arith.constant 0 : i32
      %add3A_190 = arith.addi %add3A_189, %mul3A_188 : i32
      %jit3A = arith.constant 16 : i32
      %div3A = arith.divsi %add3A_190, %jit3A : i32
      %sign3A = arith.constant 0 : i32
      %sign3A_191 = arith.cmpi sgt, %add3A_190, %sign3A : i32
      %sign3A_192 = arith.extui %sign3A_191 : i1 to i32
      %sign3A_193 = arith.constant 0 : i32
      %sign3A_194 = arith.cmpi slt, %add3A_190, %sign3A_193 : i32
      %sign3A_195 = arith.extui %sign3A_194 : i1 to i32
      %sign3A_196 = arith.subi %sign3A_192, %sign3A_195 : i32
      %sign3A_197 = arith.constant 0 : i32
      %sign3A_198 = arith.cmpi sgt, %jit3A, %sign3A_197 : i32
      %sign3A_199 = arith.extui %sign3A_198 : i1 to i32
      %sign3A_200 = arith.constant 0 : i32
      %sign3A_201 = arith.cmpi slt, %jit3A, %sign3A_200 : i32
      %sign3A_202 = arith.extui %sign3A_201 : i1 to i32
      %sign3A_203 = arith.subi %sign3A_199, %sign3A_202 : i32
      %ne3A = arith.cmpi ne, %sign3A_196, %sign3A_203 : i32
      %rem3A = arith.remsi %add3A_190, %jit3A : i32
      %ne3A_204 = arith.constant 0 : i32
      %ne3A_205 = arith.cmpi ne, %rem3A, %ne3A_204 : i32
      %and3A = arith.andi %ne3A, %ne3A_205 : i1
      %sub3A = arith.constant 1 : i32
      %sub3A_206 = arith.subi %div3A, %sub3A : i32
      %select_n3A = arith.select %and3A, %sub3A_206, %div3A : i32
      %mul3A_207 = arith.constant 16 : i32
      %mul3A_208 = arith.muli %select_n3A, %mul3A_207 : i32
      %min3A = arith.constant 24 : i32
      %min3A_209 = arith.minsi %mul3A_208, %min3A : i32
      %get3A = arith.constant 0 : i32
      %get3A_210 = arith.index_cast %get3A : i32 to index
      %get3A_211 = arith.index_cast %min3A_209 : i32 to index
      %get3A_212 = tpu.vector_load %arg10[%get3A_210, %get3A_211] {strides = array<i32>} : memref<250x40xf32, #tpu.memory_space<vmem>>, vector<1x16xf32>,
      %get3A_213 = vector.shape_cast %get3A_212 : vector<1x16xf32> to vector<16xf32>
      %broadcast_in_dim3A = vector.broadcast %add3A_190 : i32 to vector<16xi32>
      %sub3A_214 = vector.broadcast %min3A_209 : i32 to vector<16xi32>
      %sub3A_215 = arith.subi %broadcast_in_dim3A, %sub3A_214 : vector<16xi32>
      %lt3A = arith.constant 0 : i32
      %lt3A_216 = vector.broadcast %lt3A : i32 to vector<16xi32>
      %lt3A_217 = arith.cmpi slt, %sub3A_215, %lt3A_216 : vector<16xi32>
      %add3A_218 = arith.constant 16 : i32
      %add3A_219 = vector.broadcast %add3A_218 : i32 to vector<16xi32>
      %add3A_220 = arith.addi %sub3A_215, %add3A_219 : vector<16xi32>
      %select_n3A_221 = arith.select %lt3A_217, %add3A_220, %sub3A_215 : vector<16xi1>, vector<16xi32>
      %broadcast_in_dim3A_222 = vector.shape_cast %select_n3A_221 : vector<16xi32> to vector<16x1xi32>
      %gather3A = vector.shape_cast %broadcast_in_dim3A_222 : vector<16x1xi32> to vector<16xi32>
      %gather3A_223 = tpu.dynamic_gather %get3A_213[%gather3A] in [0] : vector<16xf32>, vector<16xi32> -> vector<16xf32>
      %get3A_224 = arith.index_cast %add3A_190 : i32 to index
      %get3A_225 = arith.constant 0 : index
      %get3A_226 = tpu.vector_load %arg11[%get3A_224, %get3A_225] {strides = array<i32>} : memref<40x64xf32, #tpu.memory_space<vmem>>, vector<1x16xf32>,
      %get3A_227 = vector.shape_cast %get3A_226 : vector<1x16xf32> to vector<16xf32>
      %mul3A_228 = arith.mulf %get3A_227, %gather3A_223 : vector<16xf32>
      %swap3A = arith.index_cast %add3A_190 : i32 to index
      %swap3A_229 = arith.constant 0 : index
      %swap3A_230 = tpu.vector_load %arg13[%swap3A, %swap3A_229] {strides = array<i32>} : memref<40x64xf32, #tpu.memory_space<vmem>>, vector<1x16xf32>,
      %swap3A_231 = vector.shape_cast %swap3A_230 : vector<1x16xf32> to vector<16xf32>
      %swap3A_232 = vector.shape_cast %mul3A_228 : vector<16xf32> to vector<1x16xf32>
      tpu.vector_store %arg13[%swap3A, %swap3A_229], %swap3A_232 {strides = array<i32>} : memref<40x64xf32, #tpu.memory_space<vmem>>, vector<1x16xf32>,
      %get3A_233 = arith.index_cast %add3A_190 : i32 to index
      %get3A_234 = arith.constant 16 : index
      %get3A_235 = tpu.vector_load %arg11[%get3A_233, %get3A_234] {strides = array<i32>} : memref<40x64xf32, #tpu.memory_space<vmem>>, vector<1x16xf32>,
      %get3A_236 = vector.shape_cast %get3A_235 : vector<1x16xf32> to vector<16xf32>
      %mul3A_237 = arith.mulf %get3A_236, %gather3A_223 : vector<16xf32>
      %swap3A_238 = arith.index_cast %add3A_190 : i32 to index
      %swap3A_239 = arith.constant 16 : index
      %swap3A_240 = tpu.vector_load %arg13[%swap3A_238, %swap3A_239] {strides = array<i32>} : memref<40x64xf32, #tpu.memory_space<vmem>>, vector<1x16xf32>,
      %swap3A_241 = vector.shape_cast %swap3A_240 : vector<1x16xf32> to vector<16xf32>
      %swap3A_242 = vector.shape_cast %mul3A_237 : vector<16xf32> to vector<1x16xf32>
      tpu.vector_store %arg13[%swap3A_238, %swap3A_239], %swap3A_242 {strides = array<i32>} : memref<40x64xf32, #tpu.memory_space<vmem>>, vector<1x16xf32>,
      %get3A_243 = arith.index_cast %add3A_190 : i32 to index
      %get3A_244 = arith.constant 32 : index
      %get3A_245 = tpu.vector_load %arg11[%get3A_243, %get3A_244] {strides = array<i32>} : memref<40x64xf32, #tpu.memory_space<vmem>>, vector<1x16xf32>,
      %get3A_246 = vector.shape_cast %get3A_245 : vector<1x16xf32> to vector<16xf32>
      %mul3A_247 = arith.mulf %get3A_246, %gather3A_223 : vector<16xf32>
      %swap3A_248 = arith.index_cast %add3A_190 : i32 to index
      %swap3A_249 = arith.constant 32 : index
      %swap3A_250 = tpu.vector_load %arg13[%swap3A_248, %swap3A_249] {strides = array<i32>} : memref<40x64xf32, #tpu.memory_space<vmem>>, vector<1x16xf32>,
      %swap3A_251 = vector.shape_cast %swap3A_250 : vector<1x16xf32> to vector<16xf32>
      %swap3A_252 = vector.shape_cast %mul3A_247 : vector<16xf32> to vector<1x16xf32>
      tpu.vector_store %arg13[%swap3A_248, %swap3A_249], %swap3A_252 {strides = array<i32>} : memref<40x64xf32, #tpu.memory_space<vmem>>, vector<1x16xf32>,
      %get3A_253 = arith.index_cast %add3A_190 : i32 to index
      %get3A_254 = arith.constant 48 : index
      %get3A_255 = tpu.vector_load %arg11[%get3A_253, %get3A_254] {strides = array<i32>} : memref<40x64xf32, #tpu.memory_space<vmem>>, vector<1x16xf32>,
      %get3A_256 = vector.shape_cast %get3A_255 : vector<1x16xf32> to vector<16xf32>
      %mul3A_257 = arith.mulf %get3A_256, %gather3A_223 : vector<16xf32>
      %swap3A_258 = arith.index_cast %add3A_190 : i32 to index
      %swap3A_259 = arith.constant 48 : index
      %swap3A_260 = tpu.vector_load %arg13[%swap3A_258, %swap3A_259] {strides = array<i32>} : memref<40x64xf32, #tpu.memory_space<vmem>>, vector<1x16xf32>,
      %swap3A_261 = vector.shape_cast %swap3A_260 : vector<1x16xf32> to vector<16xf32>
      %swap3A_262 = vector.shape_cast %mul3A_257 : vector<16xf32> to vector<1x16xf32>
      tpu.vector_store %arg13[%swap3A_258, %swap3A_259], %swap3A_262 {strides = array<i32>} : memref<40x64xf32, #tpu.memory_space<vmem>>, vector<1x16xf32>,
    }
    %scan3A_73 = arith.constant 40 : i32
    %dma_start3A_74 = arith.constant 2 : i32
    %dma_start3A_75 = arith.constant 0 : i32
    %dma_start3A_76 = tpu.memref_slice %arg8[%dma_start3A_74, %dma_start3A_75] : memref<250x40xi32, #tpu.memory_space<vmem>> -> memref<1x40xi32, #tpu.memory_space<vmem>>
    %dma_start3A_77 = tpu.memref_squeeze %dma_start3A_76 : memref<1x40xi32, #tpu.memory_space<vmem>> -> memref<40xi32, #tpu.memory_space<vmem>>
    %dma_start3A_78 = arith.constant 0 : i32
    %dma_start3A_79 = arith.constant 0 : i32
    %dma_start3A_80 = tpu.memref_slice %arg2[%dma_start3A_78, %dma_start3A_79] : memref<10000x64xf32, #tpu.memory_space<hbm>> -> memref<10000x64xf32, #tpu.memory_space<hbm>>
    tpu.enqueue_indirect_dma source(%dma_start3A_80 : memref<10000x64xf32, #tpu.memory_space<hbm>>) target(%arg11 : memref<40x64xf32, #tpu.memory_space<vmem>>) offsets(%dma_start3A_77 : memref<40xi32, #tpu.memory_space<vmem>>) semaphore(%arg17 : memref<!tpu.dma_semaphore, #tpu.memory_space<semaphore_mem>>)
    %dma_start3A_81 = arith.constant 0 : i32
    %dma_start3A_82 = arith.constant 0 : i32
    %dma_start3A_83 = tpu.memref_slice %arg9[%dma_start3A_81, %dma_start3A_82] : memref<250x40xi32, #tpu.memory_space<vmem>> -> memref<1x40xi32, #tpu.memory_space<vmem>>
    %dma_start3A_84 = tpu.memref_squeeze %dma_start3A_83 : memref<1x40xi32, #tpu.memory_space<vmem>> -> memref<40xi32, #tpu.memory_space<vmem>>
    %dma_start3A_85 = arith.constant 0 : i32
    %dma_start3A_86 = arith.constant 0 : i32
    %dma_start3A_87 = tpu.memref_slice %arg15[%dma_start3A_85, %dma_start3A_86] : memref<10000x64xf32, #tpu.memory_space<vmem_shared>> -> memref<10000x64xf32, #tpu.memory_space<vmem_shared>>
    tpu.enqueue_indirect_dma source(%arg13 : memref<40x64xf32, #tpu.memory_space<vmem>>) target(%dma_start3A_87 : memref<10000x64xf32, #tpu.memory_space<vmem_shared>>) offsets(%dma_start3A_84 : memref<40xi32, #tpu.memory_space<vmem>>) semaphore(%arg19 : memref<!tpu.dma_semaphore, #tpu.memory_space<semaphore_mem>>) {add = true}
    %dma_wait3A_88 = arith.constant 0 : i32
    %dma_wait3A_89 = arith.constant 0 : i32
    %dma_wait3A_90 = tpu.memref_slice %arg8[%dma_wait3A_88, %dma_wait3A_89] : memref<250x40xi32, #tpu.memory_space<vmem>> -> memref<1x40xi32, #tpu.memory_space<vmem>>
    %dma_wait3A_91 = tpu.memref_squeeze %dma_wait3A_90 : memref<1x40xi32, #tpu.memory_space<vmem>> -> memref<40xi32, #tpu.memory_space<vmem>>
    %dma_wait3A_92 = arith.constant 0 : i32
    %dma_wait3A_93 = arith.constant 0 : i32
    %dma_wait3A_94 = tpu.memref_slice %arg2[%dma_wait3A_92, %dma_wait3A_93] : memref<10000x64xf32, #tpu.memory_space<hbm>> -> memref<10000x64xf32, #tpu.memory_space<hbm>>
    tpu.wait_indirect_dma semaphore(%arg18 : memref<!tpu.dma_semaphore, #tpu.memory_space<semaphore_mem>>) src(%dma_wait3A_94 : memref<10000x64xf32, #tpu.memory_space<hbm>>) dst(%arg12 : memref<40x64xf32, #tpu.memory_space<vmem>>)
    %scan3A_95 = arith.constant 0 : i32
    %scan3A_96 = arith.constant 40 : i32
    %scan3A_97 = arith.addi %scan3A_95, %scan3A_96 : i32
    %scan3A_98 = arith.constant 1 : i32
    scf.for %scan3A_186 = %scan3A_95 to %scan3A_97 step %scan3A_98  : i32 {
      %mul3A_187 = arith.constant 1 : i32
      %mul3A_188 = arith.muli %scan3A_186, %mul3A_187 : i32
      %add3A_189 = arith.constant 0 : i32
      %add3A_190 = arith.addi %add3A_189, %mul3A_188 : i32
      %jit3A = arith.constant 16 : i32
      %div3A = arith.divsi %add3A_190, %jit3A : i32
      %sign3A = arith.constant 0 : i32
      %sign3A_191 = arith.cmpi sgt, %add3A_190, %sign3A : i32
      %sign3A_192 = arith.extui %sign3A_191 : i1 to i32
      %sign3A_193 = arith.constant 0 : i32
      %sign3A_194 = arith.cmpi slt, %add3A_190, %sign3A_193 : i32
      %sign3A_195 = arith.extui %sign3A_194 : i1 to i32
      %sign3A_196 = arith.subi %sign3A_192, %sign3A_195 : i32
      %sign3A_197 = arith.constant 0 : i32
      %sign3A_198 = arith.cmpi sgt, %jit3A, %sign3A_197 : i32
      %sign3A_199 = arith.extui %sign3A_198 : i1 to i32
      %sign3A_200 = arith.constant 0 : i32
      %sign3A_201 = arith.cmpi slt, %jit3A, %sign3A_200 : i32
      %sign3A_202 = arith.extui %sign3A_201 : i1 to i32
      %sign3A_203 = arith.subi %sign3A_199, %sign3A_202 : i32
      %ne3A = arith.cmpi ne, %sign3A_196, %sign3A_203 : i32
      %rem3A = arith.remsi %add3A_190, %jit3A : i32
      %ne3A_204 = arith.constant 0 : i32
      %ne3A_205 = arith.cmpi ne, %rem3A, %ne3A_204 : i32
      %and3A = arith.andi %ne3A, %ne3A_205 : i1
      %sub3A = arith.constant 1 : i32
      %sub3A_206 = arith.subi %div3A, %sub3A : i32
      %select_n3A = arith.select %and3A, %sub3A_206, %div3A : i32
      %mul3A_207 = arith.constant 16 : i32
      %mul3A_208 = arith.muli %select_n3A, %mul3A_207 : i32
      %min3A = arith.constant 24 : i32
      %min3A_209 = arith.minsi %mul3A_208, %min3A : i32
      %get3A = arith.constant 1 : i32
      %get3A_210 = arith.index_cast %get3A : i32 to index
      %get3A_211 = arith.index_cast %min3A_209 : i32 to index
      %get3A_212 = tpu.vector_load %arg10[%get3A_210, %get3A_211] {strides = array<i32>} : memref<250x40xf32, #tpu.memory_space<vmem>>, vector<1x16xf32>,
      %get3A_213 = vector.shape_cast %get3A_212 : vector<1x16xf32> to vector<16xf32>
      %broadcast_in_dim3A = vector.broadcast %add3A_190 : i32 to vector<16xi32>
      %sub3A_214 = vector.broadcast %min3A_209 : i32 to vector<16xi32>
      %sub3A_215 = arith.subi %broadcast_in_dim3A, %sub3A_214 : vector<16xi32>
      %lt3A = arith.constant 0 : i32
      %lt3A_216 = vector.broadcast %lt3A : i32 to vector<16xi32>
      %lt3A_217 = arith.cmpi slt, %sub3A_215, %lt3A_216 : vector<16xi32>
      %add3A_218 = arith.constant 16 : i32
      %add3A_219 = vector.broadcast %add3A_218 : i32 to vector<16xi32>
      %add3A_220 = arith.addi %sub3A_215, %add3A_219 : vector<16xi32>
      %select_n3A_221 = arith.select %lt3A_217, %add3A_220, %sub3A_215 : vector<16xi1>, vector<16xi32>
      %broadcast_in_dim3A_222 = vector.shape_cast %select_n3A_221 : vector<16xi32> to vector<16x1xi32>
      %gather3A = vector.shape_cast %broadcast_in_dim3A_222 : vector<16x1xi32> to vector<16xi32>
      %gather3A_223 = tpu.dynamic_gather %get3A_213[%gather3A] in [0] : vector<16xf32>, vector<16xi32> -> vector<16xf32>
      %get3A_224 = arith.index_cast %add3A_190 : i32 to index
      %get3A_225 = arith.constant 0 : index
      %get3A_226 = tpu.vector_load %arg12[%get3A_224, %get3A_225] {strides = array<i32>} : memref<40x64xf32, #tpu.memory_space<vmem>>, vector<1x16xf32>,
      %get3A_227 = vector.shape_cast %get3A_226 : vector<1x16xf32> to vector<16xf32>
      %mul3A_228 = arith.mulf %get3A_227, %gather3A_223 : vector<16xf32>
      %swap3A = arith.index_cast %add3A_190 : i32 to index
      %swap3A_229 = arith.constant 0 : index
      %swap3A_230 = tpu.vector_load %arg14[%swap3A, %swap3A_229] {strides = array<i32>} : memref<40x64xf32, #tpu.memory_space<vmem>>, vector<1x16xf32>,
      %swap3A_231 = vector.shape_cast %swap3A_230 : vector<1x16xf32> to vector<16xf32>
      %swap3A_232 = vector.shape_cast %mul3A_228 : vector<16xf32> to vector<1x16xf32>
      tpu.vector_store %arg14[%swap3A, %swap3A_229], %swap3A_232 {strides = array<i32>} : memref<40x64xf32, #tpu.memory_space<vmem>>, vector<1x16xf32>,
      %get3A_233 = arith.index_cast %add3A_190 : i32 to index
      %get3A_234 = arith.constant 16 : index
      %get3A_235 = tpu.vector_load %arg12[%get3A_233, %get3A_234] {strides = array<i32>} : memref<40x64xf32, #tpu.memory_space<vmem>>, vector<1x16xf32>,
      %get3A_236 = vector.shape_cast %get3A_235 : vector<1x16xf32> to vector<16xf32>
      %mul3A_237 = arith.mulf %get3A_236, %gather3A_223 : vector<16xf32>
      %swap3A_238 = arith.index_cast %add3A_190 : i32 to index
      %swap3A_239 = arith.constant 16 : index
      %swap3A_240 = tpu.vector_load %arg14[%swap3A_238, %swap3A_239] {strides = array<i32>} : memref<40x64xf32, #tpu.memory_space<vmem>>, vector<1x16xf32>,
      %swap3A_241 = vector.shape_cast %swap3A_240 : vector<1x16xf32> to vector<16xf32>
      %swap3A_242 = vector.shape_cast %mul3A_237 : vector<16xf32> to vector<1x16xf32>
      tpu.vector_store %arg14[%swap3A_238, %swap3A_239], %swap3A_242 {strides = array<i32>} : memref<40x64xf32, #tpu.memory_space<vmem>>, vector<1x16xf32>,
      %get3A_243 = arith.index_cast %add3A_190 : i32 to index
      %get3A_244 = arith.constant 32 : index
      %get3A_245 = tpu.vector_load %arg12[%get3A_243, %get3A_244] {strides = array<i32>} : memref<40x64xf32, #tpu.memory_space<vmem>>, vector<1x16xf32>,
      %get3A_246 = vector.shape_cast %get3A_245 : vector<1x16xf32> to vector<16xf32>
      %mul3A_247 = arith.mulf %get3A_246, %gather3A_223 : vector<16xf32>
      %swap3A_248 = arith.index_cast %add3A_190 : i32 to index
      %swap3A_249 = arith.constant 32 : index
      %swap3A_250 = tpu.vector_load %arg14[%swap3A_248, %swap3A_249] {strides = array<i32>} : memref<40x64xf32, #tpu.memory_space<vmem>>, vector<1x16xf32>,
      %swap3A_251 = vector.shape_cast %swap3A_250 : vector<1x16xf32> to vector<16xf32>
      %swap3A_252 = vector.shape_cast %mul3A_247 : vector<16xf32> to vector<1x16xf32>
      tpu.vector_store %arg14[%swap3A_248, %swap3A_249], %swap3A_252 {strides = array<i32>} : memref<40x64xf32, #tpu.memory_space<vmem>>, vector<1x16xf32>,
      %get3A_253 = arith.index_cast %add3A_190 : i32 to index
      %get3A_254 = arith.constant 48 : index
      %get3A_255 = tpu.vector_load %arg12[%get3A_253, %get3A_254] {strides = array<i32>} : memref<40x64xf32, #tpu.memory_space<vmem>>, vector<1x16xf32>,
      %get3A_256 = vector.shape_cast %get3A_255 : vector<1x16xf32> to vector<16xf32>
      %mul3A_257 = arith.mulf %get3A_256, %gather3A_223 : vector<16xf32>
      %swap3A_258 = arith.index_cast %add3A_190 : i32 to index
      %swap3A_259 = arith.constant 48 : index
      %swap3A_260 = tpu.vector_load %arg14[%swap3A_258, %swap3A_259] {strides = array<i32>} : memref<40x64xf32, #tpu.memory_space<vmem>>, vector<1x16xf32>,
      %swap3A_261 = vector.shape_cast %swap3A_260 : vector<1x16xf32> to vector<16xf32>
      %swap3A_262 = vector.shape_cast %mul3A_257 : vector<16xf32> to vector<1x16xf32>
      tpu.vector_store %arg14[%swap3A_258, %swap3A_259], %swap3A_262 {strides = array<i32>} : memref<40x64xf32, #tpu.memory_space<vmem>>, vector<1x16xf32>,
    }
    %scan3A_99 = arith.constant 40 : i32
    %dma_start3A_100 = arith.constant 3 : i32
    %dma_start3A_101 = arith.constant 0 : i32
    %dma_start3A_102 = tpu.memref_slice %arg8[%dma_start3A_100, %dma_start3A_101] : memref<250x40xi32, #tpu.memory_space<vmem>> -> memref<1x40xi32, #tpu.memory_space<vmem>>
    %dma_start3A_103 = tpu.memref_squeeze %dma_start3A_102 : memref<1x40xi32, #tpu.memory_space<vmem>> -> memref<40xi32, #tpu.memory_space<vmem>>
    %dma_start3A_104 = arith.constant 0 : i32
    %dma_start3A_105 = arith.constant 0 : i32
    %dma_start3A_106 = tpu.memref_slice %arg2[%dma_start3A_104, %dma_start3A_105] : memref<10000x64xf32, #tpu.memory_space<hbm>> -> memref<10000x64xf32, #tpu.memory_space<hbm>>
    tpu.enqueue_indirect_dma source(%dma_start3A_106 : memref<10000x64xf32, #tpu.memory_space<hbm>>) target(%arg12 : memref<40x64xf32, #tpu.memory_space<vmem>>) offsets(%dma_start3A_103 : memref<40xi32, #tpu.memory_space<vmem>>) semaphore(%arg18 : memref<!tpu.dma_semaphore, #tpu.memory_space<semaphore_mem>>)
    %dma_start3A_107 = arith.constant 1 : i32
    %dma_start3A_108 = arith.constant 0 : i32
    %dma_start3A_109 = tpu.memref_slice %arg9[%dma_start3A_107, %dma_start3A_108] : memref<250x40xi32, #tpu.memory_space<vmem>> -> memref<1x40xi32, #tpu.memory_space<vmem>>
    %dma_start3A_110 = tpu.memref_squeeze %dma_start3A_109 : memref<1x40xi32, #tpu.memory_space<vmem>> -> memref<40xi32, #tpu.memory_space<vmem>>
    %dma_start3A_111 = arith.constant 0 : i32
    %dma_start3A_112 = arith.constant 0 : i32
    %dma_start3A_113 = tpu.memref_slice %arg15[%dma_start3A_111, %dma_start3A_112] : memref<10000x64xf32, #tpu.memory_space<vmem_shared>> -> memref<10000x64xf32, #tpu.memory_space<vmem_shared>>
    tpu.enqueue_indirect_dma source(%arg14 : memref<40x64xf32, #tpu.memory_space<vmem>>) target(%dma_start3A_113 : memref<10000x64xf32, #tpu.memory_space<vmem_shared>>) offsets(%dma_start3A_110 : memref<40xi32, #tpu.memory_space<vmem>>) semaphore(%arg20 : memref<!tpu.dma_semaphore, #tpu.memory_space<semaphore_mem>>) {add = true}
    %scan3A_114 = arith.constant 0 : i32
    %scan3A_115 = arith.constant 123 : i32
    %scan3A_116 = arith.addi %scan3A_114, %scan3A_115 : i32
    %scan3A_117 = arith.constant 1 : i32
    scf.for %scan3A_186 = %scan3A_114 to %scan3A_116 step %scan3A_117  : i32 {
      %mul3A_187 = arith.constant 2 : i32
      %mul3A_188 = arith.muli %scan3A_186, %mul3A_187 : i32
      %add3A_189 = arith.constant 2 : i32
      %add3A_190 = arith.addi %add3A_189, %mul3A_188 : i32
      %add3A_191 = arith.constant 0 : i32
      %add3A_192 = arith.addi %add3A_190, %add3A_191 : i32
      %dma_wait3A_193 = arith.constant 0 : i32
      %dma_wait3A_194 = arith.constant 0 : i32
      %dma_wait3A_195 = tpu.memref_slice %arg8[%dma_wait3A_193, %dma_wait3A_194] : memref<250x40xi32, #tpu.memory_space<vmem>> -> memref<1x40xi32, #tpu.memory_space<vmem>>
      %dma_wait3A_196 = tpu.memref_squeeze %dma_wait3A_195 : memref<1x40xi32, #tpu.memory_space<vmem>> -> memref<40xi32, #tpu.memory_space<vmem>>
      %dma_wait3A_197 = arith.constant 0 : i32
      %dma_wait3A_198 = arith.constant 0 : i32
      %dma_wait3A_199 = tpu.memref_slice %arg2[%dma_wait3A_197, %dma_wait3A_198] : memref<10000x64xf32, #tpu.memory_space<hbm>> -> memref<10000x64xf32, #tpu.memory_space<hbm>>
      tpu.wait_indirect_dma semaphore(%arg17 : memref<!tpu.dma_semaphore, #tpu.memory_space<semaphore_mem>>) src(%dma_wait3A_199 : memref<10000x64xf32, #tpu.memory_space<hbm>>) dst(%arg11 : memref<40x64xf32, #tpu.memory_space<vmem>>)
      %dma_wait3A_200 = arith.constant 0 : i32
      %dma_wait3A_201 = arith.constant 0 : i32
      %dma_wait3A_202 = tpu.memref_slice %arg9[%dma_wait3A_200, %dma_wait3A_201] : memref<250x40xi32, #tpu.memory_space<vmem>> -> memref<1x40xi32, #tpu.memory_space<vmem>>
      %dma_wait3A_203 = tpu.memref_squeeze %dma_wait3A_202 : memref<1x40xi32, #tpu.memory_space<vmem>> -> memref<40xi32, #tpu.memory_space<vmem>>
      %dma_wait3A_204 = arith.constant 0 : i32
      %dma_wait3A_205 = arith.constant 0 : i32
      %dma_wait3A_206 = tpu.memref_slice %arg15[%dma_wait3A_204, %dma_wait3A_205] : memref<10000x64xf32, #tpu.memory_space<vmem_shared>> -> memref<10000x64xf32, #tpu.memory_space<vmem_shared>>
      tpu.wait_indirect_dma semaphore(%arg19 : memref<!tpu.dma_semaphore, #tpu.memory_space<semaphore_mem>>) src(%arg13 : memref<40x64xf32, #tpu.memory_space<vmem>>) dst(%dma_wait3A_206 : memref<10000x64xf32, #tpu.memory_space<vmem_shared>>)
      %scan3A_207 = arith.constant 0 : i32
      %scan3A_208 = arith.constant 40 : i32
      %scan3A_209 = arith.addi %scan3A_207, %scan3A_208 : i32
      %scan3A_210 = arith.constant 1 : i32
      scf.for %scan3A_261 = %scan3A_207 to %scan3A_209 step %scan3A_210  : i32 {
        %mul3A_262 = arith.constant 1 : i32
        %mul3A_263 = arith.muli %scan3A_261, %mul3A_262 : i32
        %add3A_264 = arith.constant 0 : i32
        %add3A_265 = arith.addi %add3A_264, %mul3A_263 : i32
        %jit3A = arith.constant 16 : i32
        %div3A = arith.divsi %add3A_265, %jit3A : i32
        %sign3A = arith.constant 0 : i32
        %sign3A_266 = arith.cmpi sgt, %add3A_265, %sign3A : i32
        %sign3A_267 = arith.extui %sign3A_266 : i1 to i32
        %sign3A_268 = arith.constant 0 : i32
        %sign3A_269 = arith.cmpi slt, %add3A_265, %sign3A_268 : i32
        %sign3A_270 = arith.extui %sign3A_269 : i1 to i32
        %sign3A_271 = arith.subi %sign3A_267, %sign3A_270 : i32
        %sign3A_272 = arith.constant 0 : i32
        %sign3A_273 = arith.cmpi sgt, %jit3A, %sign3A_272 : i32
        %sign3A_274 = arith.extui %sign3A_273 : i1 to i32
        %sign3A_275 = arith.constant 0 : i32
        %sign3A_276 = arith.cmpi slt, %jit3A, %sign3A_275 : i32
        %sign3A_277 = arith.extui %sign3A_276 : i1 to i32
        %sign3A_278 = arith.subi %sign3A_274, %sign3A_277 : i32
        %ne3A = arith.cmpi ne, %sign3A_271, %sign3A_278 : i32
        %rem3A = arith.remsi %add3A_265, %jit3A : i32
        %ne3A_279 = arith.constant 0 : i32
        %ne3A_280 = arith.cmpi ne, %rem3A, %ne3A_279 : i32
        %and3A = arith.andi %ne3A, %ne3A_280 : i1
        %sub3A = arith.constant 1 : i32
        %sub3A_281 = arith.subi %div3A, %sub3A : i32
        %select_n3A = arith.select %and3A, %sub3A_281, %div3A : i32
        %mul3A_282 = arith.constant 16 : i32
        %mul3A_283 = arith.muli %select_n3A, %mul3A_282 : i32
        %min3A = arith.constant 24 : i32
        %min3A_284 = arith.minsi %mul3A_283, %min3A : i32
        %get3A = arith.index_cast %add3A_192 : i32 to index
        %get3A_285 = arith.index_cast %min3A_284 : i32 to index
        %get3A_286 = tpu.vector_load %arg10[%get3A, %get3A_285] {strides = array<i32>} : memref<250x40xf32, #tpu.memory_space<vmem>>, vector<1x16xf32>,
        %get3A_287 = vector.shape_cast %get3A_286 : vector<1x16xf32> to vector<16xf32>
        %broadcast_in_dim3A = vector.broadcast %add3A_265 : i32 to vector<16xi32>
        %sub3A_288 = vector.broadcast %min3A_284 : i32 to vector<16xi32>
        %sub3A_289 = arith.subi %broadcast_in_dim3A, %sub3A_288 : vector<16xi32>
        %lt3A = arith.constant 0 : i32
        %lt3A_290 = vector.broadcast %lt3A : i32 to vector<16xi32>
        %lt3A_291 = arith.cmpi slt, %sub3A_289, %lt3A_290 : vector<16xi32>
        %add3A_292 = arith.constant 16 : i32
        %add3A_293 = vector.broadcast %add3A_292 : i32 to vector<16xi32>
        %add3A_294 = arith.addi %sub3A_289, %add3A_293 : vector<16xi32>
        %select_n3A_295 = arith.select %lt3A_291, %add3A_294, %sub3A_289 : vector<16xi1>, vector<16xi32>
        %broadcast_in_dim3A_296 = vector.shape_cast %select_n3A_295 : vector<16xi32> to vector<16x1xi32>
        %gather3A = vector.shape_cast %broadcast_in_dim3A_296 : vector<16x1xi32> to vector<16xi32>
        %gather3A_297 = tpu.dynamic_gather %get3A_287[%gather3A] in [0] : vector<16xf32>, vector<16xi32> -> vector<16xf32>
        %get3A_298 = arith.index_cast %add3A_265 : i32 to index
        %get3A_299 = arith.constant 0 : index
        %get3A_300 = tpu.vector_load %arg11[%get3A_298, %get3A_299] {strides = array<i32>} : memref<40x64xf32, #tpu.memory_space<vmem>>, vector<1x16xf32>,
        %get3A_301 = vector.shape_cast %get3A_300 : vector<1x16xf32> to vector<16xf32>
        %mul3A_302 = arith.mulf %get3A_301, %gather3A_297 : vector<16xf32>
        %swap3A = arith.index_cast %add3A_265 : i32 to index
        %swap3A_303 = arith.constant 0 : index
        %swap3A_304 = tpu.vector_load %arg13[%swap3A, %swap3A_303] {strides = array<i32>} : memref<40x64xf32, #tpu.memory_space<vmem>>, vector<1x16xf32>,
        %swap3A_305 = vector.shape_cast %swap3A_304 : vector<1x16xf32> to vector<16xf32>
        %swap3A_306 = vector.shape_cast %mul3A_302 : vector<16xf32> to vector<1x16xf32>
        tpu.vector_store %arg13[%swap3A, %swap3A_303], %swap3A_306 {strides = array<i32>} : memref<40x64xf32, #tpu.memory_space<vmem>>, vector<1x16xf32>,
        %get3A_307 = arith.index_cast %add3A_265 : i32 to index
        %get3A_308 = arith.constant 16 : index
        %get3A_309 = tpu.vector_load %arg11[%get3A_307, %get3A_308] {strides = array<i32>} : memref<40x64xf32, #tpu.memory_space<vmem>>, vector<1x16xf32>,
        %get3A_310 = vector.shape_cast %get3A_309 : vector<1x16xf32> to vector<16xf32>
        %mul3A_311 = arith.mulf %get3A_310, %gather3A_297 : vector<16xf32>
        %swap3A_312 = arith.index_cast %add3A_265 : i32 to index
        %swap3A_313 = arith.constant 16 : index
        %swap3A_314 = tpu.vector_load %arg13[%swap3A_312, %swap3A_313] {strides = array<i32>} : memref<40x64xf32, #tpu.memory_space<vmem>>, vector<1x16xf32>,
        %swap3A_315 = vector.shape_cast %swap3A_314 : vector<1x16xf32> to vector<16xf32>
        %swap3A_316 = vector.shape_cast %mul3A_311 : vector<16xf32> to vector<1x16xf32>
        tpu.vector_store %arg13[%swap3A_312, %swap3A_313], %swap3A_316 {strides = array<i32>} : memref<40x64xf32, #tpu.memory_space<vmem>>, vector<1x16xf32>,
        %get3A_317 = arith.index_cast %add3A_265 : i32 to index
        %get3A_318 = arith.constant 32 : index
        %get3A_319 = tpu.vector_load %arg11[%get3A_317, %get3A_318] {strides = array<i32>} : memref<40x64xf32, #tpu.memory_space<vmem>>, vector<1x16xf32>,
        %get3A_320 = vector.shape_cast %get3A_319 : vector<1x16xf32> to vector<16xf32>
        %mul3A_321 = arith.mulf %get3A_320, %gather3A_297 : vector<16xf32>
        %swap3A_322 = arith.index_cast %add3A_265 : i32 to index
        %swap3A_323 = arith.constant 32 : index
        %swap3A_324 = tpu.vector_load %arg13[%swap3A_322, %swap3A_323] {strides = array<i32>} : memref<40x64xf32, #tpu.memory_space<vmem>>, vector<1x16xf32>,
        %swap3A_325 = vector.shape_cast %swap3A_324 : vector<1x16xf32> to vector<16xf32>
        %swap3A_326 = vector.shape_cast %mul3A_321 : vector<16xf32> to vector<1x16xf32>
        tpu.vector_store %arg13[%swap3A_322, %swap3A_323], %swap3A_326 {strides = array<i32>} : memref<40x64xf32, #tpu.memory_space<vmem>>, vector<1x16xf32>,
        %get3A_327 = arith.index_cast %add3A_265 : i32 to index
        %get3A_328 = arith.constant 48 : index
        %get3A_329 = tpu.vector_load %arg11[%get3A_327, %get3A_328] {strides = array<i32>} : memref<40x64xf32, #tpu.memory_space<vmem>>, vector<1x16xf32>,
        %get3A_330 = vector.shape_cast %get3A_329 : vector<1x16xf32> to vector<16xf32>
        %mul3A_331 = arith.mulf %get3A_330, %gather3A_297 : vector<16xf32>
        %swap3A_332 = arith.index_cast %add3A_265 : i32 to index
        %swap3A_333 = arith.constant 48 : index
        %swap3A_334 = tpu.vector_load %arg13[%swap3A_332, %swap3A_333] {strides = array<i32>} : memref<40x64xf32, #tpu.memory_space<vmem>>, vector<1x16xf32>,
        %swap3A_335 = vector.shape_cast %swap3A_334 : vector<1x16xf32> to vector<16xf32>
        %swap3A_336 = vector.shape_cast %mul3A_331 : vector<16xf32> to vector<1x16xf32>
        tpu.vector_store %arg13[%swap3A_332, %swap3A_333], %swap3A_336 {strides = array<i32>} : memref<40x64xf32, #tpu.memory_space<vmem>>, vector<1x16xf32>,
      }
      %scan3A_211 = arith.constant 40 : i32
      %add3A_212 = arith.constant 2 : i32
      %add3A_213 = arith.addi %add3A_192, %add3A_212 : i32
      %dma_start3A_214 = arith.constant 0 : i32
      %dma_start3A_215 = tpu.memref_slice %arg8[%add3A_213, %dma_start3A_214] : memref<250x40xi32, #tpu.memory_space<vmem>> -> memref<1x40xi32, #tpu.memory_space<vmem>>
      %dma_start3A_216 = tpu.memref_squeeze %dma_start3A_215 : memref<1x40xi32, #tpu.memory_space<vmem>> -> memref<40xi32, #tpu.memory_space<vmem>>
      %dma_start3A_217 = arith.constant 0 : i32
      %dma_start3A_218 = arith.constant 0 : i32
      %dma_start3A_219 = tpu.memref_slice %arg2[%dma_start3A_217, %dma_start3A_218] : memref<10000x64xf32, #tpu.memory_space<hbm>> -> memref<10000x64xf32, #tpu.memory_space<hbm>>
      tpu.enqueue_indirect_dma source(%dma_start3A_219 : memref<10000x64xf32, #tpu.memory_space<hbm>>) target(%arg11 : memref<40x64xf32, #tpu.memory_space<vmem>>) offsets(%dma_start3A_216 : memref<40xi32, #tpu.memory_space<vmem>>) semaphore(%arg17 : memref<!tpu.dma_semaphore, #tpu.memory_space<semaphore_mem>>)
      %dma_start3A_220 = arith.constant 0 : i32
      %dma_start3A_221 = tpu.memref_slice %arg9[%add3A_192, %dma_start3A_220] : memref<250x40xi32, #tpu.memory_space<vmem>> -> memref<1x40xi32, #tpu.memory_space<vmem>>
      %dma_start3A_222 = tpu.memref_squeeze %dma_start3A_221 : memref<1x40xi32, #tpu.memory_space<vmem>> -> memref<40xi32, #tpu.memory_space<vmem>>
      %dma_start3A_223 = arith.constant 0 : i32
      %dma_start3A_224 = arith.constant 0 : i32
      %dma_start3A_225 = tpu.memref_slice %arg15[%dma_start3A_223, %dma_start3A_224] : memref<10000x64xf32, #tpu.memory_space<vmem_shared>> -> memref<10000x64xf32, #tpu.memory_space<vmem_shared>>
      tpu.enqueue_indirect_dma source(%arg13 : memref<40x64xf32, #tpu.memory_space<vmem>>) target(%dma_start3A_225 : memref<10000x64xf32, #tpu.memory_space<vmem_shared>>) offsets(%dma_start3A_222 : memref<40xi32, #tpu.memory_space<vmem>>) semaphore(%arg19 : memref<!tpu.dma_semaphore, #tpu.memory_space<semaphore_mem>>) {add = true}
      %add3A_226 = arith.constant 1 : i32
      %add3A_227 = arith.addi %add3A_190, %add3A_226 : i32
      %dma_wait3A_228 = arith.constant 0 : i32
      %dma_wait3A_229 = arith.constant 0 : i32
      %dma_wait3A_230 = tpu.memref_slice %arg8[%dma_wait3A_228, %dma_wait3A_229] : memref<250x40xi32, #tpu.memory_space<vmem>> -> memref<1x40xi32, #tpu.memory_space<vmem>>
      %dma_wait3A_231 = tpu.memref_squeeze %dma_wait3A_230 : memref<1x40xi32, #tpu.memory_space<vmem>> -> memref<40xi32, #tpu.memory_space<vmem>>
      %dma_wait3A_232 = arith.constant 0 : i32
      %dma_wait3A_233 = arith.constant 0 : i32
      %dma_wait3A_234 = tpu.memref_slice %arg2[%dma_wait3A_232, %dma_wait3A_233] : memref<10000x64xf32, #tpu.memory_space<hbm>> -> memref<10000x64xf32, #tpu.memory_space<hbm>>
      tpu.wait_indirect_dma semaphore(%arg18 : memref<!tpu.dma_semaphore, #tpu.memory_space<semaphore_mem>>) src(%dma_wait3A_234 : memref<10000x64xf32, #tpu.memory_space<hbm>>) dst(%arg12 : memref<40x64xf32, #tpu.memory_space<vmem>>)
      %dma_wait3A_235 = arith.constant 0 : i32
      %dma_wait3A_236 = arith.constant 0 : i32
      %dma_wait3A_237 = tpu.memref_slice %arg9[%dma_wait3A_235, %dma_wait3A_236] : memref<250x40xi32, #tpu.memory_space<vmem>> -> memref<1x40xi32, #tpu.memory_space<vmem>>
      %dma_wait3A_238 = tpu.memref_squeeze %dma_wait3A_237 : memref<1x40xi32, #tpu.memory_space<vmem>> -> memref<40xi32, #tpu.memory_space<vmem>>
      %dma_wait3A_239 = arith.constant 0 : i32
      %dma_wait3A_240 = arith.constant 0 : i32
      %dma_wait3A_241 = tpu.memref_slice %arg15[%dma_wait3A_239, %dma_wait3A_240] : memref<10000x64xf32, #tpu.memory_space<vmem_shared>> -> memref<10000x64xf32, #tpu.memory_space<vmem_shared>>
      tpu.wait_indirect_dma semaphore(%arg20 : memref<!tpu.dma_semaphore, #tpu.memory_space<semaphore_mem>>) src(%arg14 : memref<40x64xf32, #tpu.memory_space<vmem>>) dst(%dma_wait3A_241 : memref<10000x64xf32, #tpu.memory_space<vmem_shared>>)
      %scan3A_242 = arith.constant 0 : i32
      %scan3A_243 = arith.constant 40 : i32
      %scan3A_244 = arith.addi %scan3A_242, %scan3A_243 : i32
      %scan3A_245 = arith.constant 1 : i32
      scf.for %scan3A_261 = %scan3A_242 to %scan3A_244 step %scan3A_245  : i32 {
        %mul3A_262 = arith.constant 1 : i32
        %mul3A_263 = arith.muli %scan3A_261, %mul3A_262 : i32
        %add3A_264 = arith.constant 0 : i32
        %add3A_265 = arith.addi %add3A_264, %mul3A_263 : i32
        %jit3A = arith.constant 16 : i32
        %div3A = arith.divsi %add3A_265, %jit3A : i32
        %sign3A = arith.constant 0 : i32
        %sign3A_266 = arith.cmpi sgt, %add3A_265, %sign3A : i32
        %sign3A_267 = arith.extui %sign3A_266 : i1 to i32
        %sign3A_268 = arith.constant 0 : i32
        %sign3A_269 = arith.cmpi slt, %add3A_265, %sign3A_268 : i32
        %sign3A_270 = arith.extui %sign3A_269 : i1 to i32
        %sign3A_271 = arith.subi %sign3A_267, %sign3A_270 : i32
        %sign3A_272 = arith.constant 0 : i32
        %sign3A_273 = arith.cmpi sgt, %jit3A, %sign3A_272 : i32
        %sign3A_274 = arith.extui %sign3A_273 : i1 to i32
        %sign3A_275 = arith.constant 0 : i32
        %sign3A_276 = arith.cmpi slt, %jit3A, %sign3A_275 : i32
        %sign3A_277 = arith.extui %sign3A_276 : i1 to i32
        %sign3A_278 = arith.subi %sign3A_274, %sign3A_277 : i32
        %ne3A = arith.cmpi ne, %sign3A_271, %sign3A_278 : i32
        %rem3A = arith.remsi %add3A_265, %jit3A : i32
        %ne3A_279 = arith.constant 0 : i32
        %ne3A_280 = arith.cmpi ne, %rem3A, %ne3A_279 : i32
        %and3A = arith.andi %ne3A, %ne3A_280 : i1
        %sub3A = arith.constant 1 : i32
        %sub3A_281 = arith.subi %div3A, %sub3A : i32
        %select_n3A = arith.select %and3A, %sub3A_281, %div3A : i32
        %mul3A_282 = arith.constant 16 : i32
        %mul3A_283 = arith.muli %select_n3A, %mul3A_282 : i32
        %min3A = arith.constant 24 : i32
        %min3A_284 = arith.minsi %mul3A_283, %min3A : i32
        %get3A = arith.index_cast %add3A_227 : i32 to index
        %get3A_285 = arith.index_cast %min3A_284 : i32 to index
        %get3A_286 = tpu.vector_load %arg10[%get3A, %get3A_285] {strides = array<i32>} : memref<250x40xf32, #tpu.memory_space<vmem>>, vector<1x16xf32>,
        %get3A_287 = vector.shape_cast %get3A_286 : vector<1x16xf32> to vector<16xf32>
        %broadcast_in_dim3A = vector.broadcast %add3A_265 : i32 to vector<16xi32>
        %sub3A_288 = vector.broadcast %min3A_284 : i32 to vector<16xi32>
        %sub3A_289 = arith.subi %broadcast_in_dim3A, %sub3A_288 : vector<16xi32>
        %lt3A = arith.constant 0 : i32
        %lt3A_290 = vector.broadcast %lt3A : i32 to vector<16xi32>
        %lt3A_291 = arith.cmpi slt, %sub3A_289, %lt3A_290 : vector<16xi32>
        %add3A_292 = arith.constant 16 : i32
        %add3A_293 = vector.broadcast %add3A_292 : i32 to vector<16xi32>
        %add3A_294 = arith.addi %sub3A_289, %add3A_293 : vector<16xi32>
        %select_n3A_295 = arith.select %lt3A_291, %add3A_294, %sub3A_289 : vector<16xi1>, vector<16xi32>
        %broadcast_in_dim3A_296 = vector.shape_cast %select_n3A_295 : vector<16xi32> to vector<16x1xi32>
        %gather3A = vector.shape_cast %broadcast_in_dim3A_296 : vector<16x1xi32> to vector<16xi32>
        %gather3A_297 = tpu.dynamic_gather %get3A_287[%gather3A] in [0] : vector<16xf32>, vector<16xi32> -> vector<16xf32>
        %get3A_298 = arith.index_cast %add3A_265 : i32 to index
        %get3A_299 = arith.constant 0 : index
        %get3A_300 = tpu.vector_load %arg12[%get3A_298, %get3A_299] {strides = array<i32>} : memref<40x64xf32, #tpu.memory_space<vmem>>, vector<1x16xf32>,
        %get3A_301 = vector.shape_cast %get3A_300 : vector<1x16xf32> to vector<16xf32>
        %mul3A_302 = arith.mulf %get3A_301, %gather3A_297 : vector<16xf32>
        %swap3A = arith.index_cast %add3A_265 : i32 to index
        %swap3A_303 = arith.constant 0 : index
        %swap3A_304 = tpu.vector_load %arg14[%swap3A, %swap3A_303] {strides = array<i32>} : memref<40x64xf32, #tpu.memory_space<vmem>>, vector<1x16xf32>,
        %swap3A_305 = vector.shape_cast %swap3A_304 : vector<1x16xf32> to vector<16xf32>
        %swap3A_306 = vector.shape_cast %mul3A_302 : vector<16xf32> to vector<1x16xf32>
        tpu.vector_store %arg14[%swap3A, %swap3A_303], %swap3A_306 {strides = array<i32>} : memref<40x64xf32, #tpu.memory_space<vmem>>, vector<1x16xf32>,
        %get3A_307 = arith.index_cast %add3A_265 : i32 to index
        %get3A_308 = arith.constant 16 : index
        %get3A_309 = tpu.vector_load %arg12[%get3A_307, %get3A_308] {strides = array<i32>} : memref<40x64xf32, #tpu.memory_space<vmem>>, vector<1x16xf32>,
        %get3A_310 = vector.shape_cast %get3A_309 : vector<1x16xf32> to vector<16xf32>
        %mul3A_311 = arith.mulf %get3A_310, %gather3A_297 : vector<16xf32>
        %swap3A_312 = arith.index_cast %add3A_265 : i32 to index
        %swap3A_313 = arith.constant 16 : index
        %swap3A_314 = tpu.vector_load %arg14[%swap3A_312, %swap3A_313] {strides = array<i32>} : memref<40x64xf32, #tpu.memory_space<vmem>>, vector<1x16xf32>,
        %swap3A_315 = vector.shape_cast %swap3A_314 : vector<1x16xf32> to vector<16xf32>
        %swap3A_316 = vector.shape_cast %mul3A_311 : vector<16xf32> to vector<1x16xf32>
        tpu.vector_store %arg14[%swap3A_312, %swap3A_313], %swap3A_316 {strides = array<i32>} : memref<40x64xf32, #tpu.memory_space<vmem>>, vector<1x16xf32>,
        %get3A_317 = arith.index_cast %add3A_265 : i32 to index
        %get3A_318 = arith.constant 32 : index
        %get3A_319 = tpu.vector_load %arg12[%get3A_317, %get3A_318] {strides = array<i32>} : memref<40x64xf32, #tpu.memory_space<vmem>>, vector<1x16xf32>,
        %get3A_320 = vector.shape_cast %get3A_319 : vector<1x16xf32> to vector<16xf32>
        %mul3A_321 = arith.mulf %get3A_320, %gather3A_297 : vector<16xf32>
        %swap3A_322 = arith.index_cast %add3A_265 : i32 to index
        %swap3A_323 = arith.constant 32 : index
        %swap3A_324 = tpu.vector_load %arg14[%swap3A_322, %swap3A_323] {strides = array<i32>} : memref<40x64xf32, #tpu.memory_space<vmem>>, vector<1x16xf32>,
        %swap3A_325 = vector.shape_cast %swap3A_324 : vector<1x16xf32> to vector<16xf32>
        %swap3A_326 = vector.shape_cast %mul3A_321 : vector<16xf32> to vector<1x16xf32>
        tpu.vector_store %arg14[%swap3A_322, %swap3A_323], %swap3A_326 {strides = array<i32>} : memref<40x64xf32, #tpu.memory_space<vmem>>, vector<1x16xf32>,
        %get3A_327 = arith.index_cast %add3A_265 : i32 to index
        %get3A_328 = arith.constant 48 : index
        %get3A_329 = tpu.vector_load %arg12[%get3A_327, %get3A_328] {strides = array<i32>} : memref<40x64xf32, #tpu.memory_space<vmem>>, vector<1x16xf32>,
        %get3A_330 = vector.shape_cast %get3A_329 : vector<1x16xf32> to vector<16xf32>
        %mul3A_331 = arith.mulf %get3A_330, %gather3A_297 : vector<16xf32>
        %swap3A_332 = arith.index_cast %add3A_265 : i32 to index
        %swap3A_333 = arith.constant 48 : index
        %swap3A_334 = tpu.vector_load %arg14[%swap3A_332, %swap3A_333] {strides = array<i32>} : memref<40x64xf32, #tpu.memory_space<vmem>>, vector<1x16xf32>,
        %swap3A_335 = vector.shape_cast %swap3A_334 : vector<1x16xf32> to vector<16xf32>
        %swap3A_336 = vector.shape_cast %mul3A_331 : vector<16xf32> to vector<1x16xf32>
        tpu.vector_store %arg14[%swap3A_332, %swap3A_333], %swap3A_336 {strides = array<i32>} : memref<40x64xf32, #tpu.memory_space<vmem>>, vector<1x16xf32>,
      }
      %scan3A_246 = arith.constant 40 : i32
      %add3A_247 = arith.constant 2 : i32
      %add3A_248 = arith.addi %add3A_227, %add3A_247 : i32
      %dma_start3A_249 = arith.constant 0 : i32
      %dma_start3A_250 = tpu.memref_slice %arg8[%add3A_248, %dma_start3A_249] : memref<250x40xi32, #tpu.memory_space<vmem>> -> memref<1x40xi32, #tpu.memory_space<vmem>>
      %dma_start3A_251 = tpu.memref_squeeze %dma_start3A_250 : memref<1x40xi32, #tpu.memory_space<vmem>> -> memref<40xi32, #tpu.memory_space<vmem>>
      %dma_start3A_252 = arith.constant 0 : i32
      %dma_start3A_253 = arith.constant 0 : i32
      %dma_start3A_254 = tpu.memref_slice %arg2[%dma_start3A_252, %dma_start3A_253] : memref<10000x64xf32, #tpu.memory_space<hbm>> -> memref<10000x64xf32, #tpu.memory_space<hbm>>
      tpu.enqueue_indirect_dma source(%dma_start3A_254 : memref<10000x64xf32, #tpu.memory_space<hbm>>) target(%arg12 : memref<40x64xf32, #tpu.memory_space<vmem>>) offsets(%dma_start3A_251 : memref<40xi32, #tpu.memory_space<vmem>>) semaphore(%arg18 : memref<!tpu.dma_semaphore, #tpu.memory_space<semaphore_mem>>)
      %dma_start3A_255 = arith.constant 0 : i32
      %dma_start3A_256 = tpu.memref_slice %arg9[%add3A_227, %dma_start3A_255] : memref<250x40xi32, #tpu.memory_space<vmem>> -> memref<1x40xi32, #tpu.memory_space<vmem>>
      %dma_start3A_257 = tpu.memref_squeeze %dma_start3A_256 : memref<1x40xi32, #tpu.memory_space<vmem>> -> memref<40xi32, #tpu.memory_space<vmem>>
      %dma_start3A_258 = arith.constant 0 : i32
      %dma_start3A_259 = arith.constant 0 : i32
      %dma_start3A_260 = tpu.memref_slice %arg15[%dma_start3A_258, %dma_start3A_259] : memref<10000x64xf32, #tpu.memory_space<vmem_shared>> -> memref<10000x64xf32, #tpu.memory_space<vmem_shared>>
      tpu.enqueue_indirect_dma source(%arg14 : memref<40x64xf32, #tpu.memory_space<vmem>>) target(%dma_start3A_260 : memref<10000x64xf32, #tpu.memory_space<vmem_shared>>) offsets(%dma_start3A_257 : memref<40xi32, #tpu.memory_space<vmem>>) semaphore(%arg20 : memref<!tpu.dma_semaphore, #tpu.memory_space<semaphore_mem>>) {add = true}
    }
    %scan3A_118 = arith.constant 123 : i32
    %dma_wait3A_119 = arith.constant 0 : i32
    %dma_wait3A_120 = arith.constant 0 : i32
    %dma_wait3A_121 = tpu.memref_slice %arg8[%dma_wait3A_119, %dma_wait3A_120] : memref<250x40xi32, #tpu.memory_space<vmem>> -> memref<1x40xi32, #tpu.memory_space<vmem>>
    %dma_wait3A_122 = tpu.memref_squeeze %dma_wait3A_121 : memref<1x40xi32, #tpu.memory_space<vmem>> -> memref<40xi32, #tpu.memory_space<vmem>>
    %dma_wait3A_123 = arith.constant 0 : i32
    %dma_wait3A_124 = arith.constant 0 : i32
    %dma_wait3A_125 = tpu.memref_slice %arg2[%dma_wait3A_123, %dma_wait3A_124] : memref<10000x64xf32, #tpu.memory_space<hbm>> -> memref<10000x64xf32, #tpu.memory_space<hbm>>
    tpu.wait_indirect_dma semaphore(%arg17 : memref<!tpu.dma_semaphore, #tpu.memory_space<semaphore_mem>>) src(%dma_wait3A_125 : memref<10000x64xf32, #tpu.memory_space<hbm>>) dst(%arg11 : memref<40x64xf32, #tpu.memory_space<vmem>>)
    %dma_wait3A_126 = arith.constant 0 : i32
    %dma_wait3A_127 = arith.constant 0 : i32
    %dma_wait3A_128 = tpu.memref_slice %arg9[%dma_wait3A_126, %dma_wait3A_127] : memref<250x40xi32, #tpu.memory_space<vmem>> -> memref<1x40xi32, #tpu.memory_space<vmem>>
    %dma_wait3A_129 = tpu.memref_squeeze %dma_wait3A_128 : memref<1x40xi32, #tpu.memory_space<vmem>> -> memref<40xi32, #tpu.memory_space<vmem>>
    %dma_wait3A_130 = arith.constant 0 : i32
    %dma_wait3A_131 = arith.constant 0 : i32
    %dma_wait3A_132 = tpu.memref_slice %arg15[%dma_wait3A_130, %dma_wait3A_131] : memref<10000x64xf32, #tpu.memory_space<vmem_shared>> -> memref<10000x64xf32, #tpu.memory_space<vmem_shared>>
    tpu.wait_indirect_dma semaphore(%arg19 : memref<!tpu.dma_semaphore, #tpu.memory_space<semaphore_mem>>) src(%arg13 : memref<40x64xf32, #tpu.memory_space<vmem>>) dst(%dma_wait3A_132 : memref<10000x64xf32, #tpu.memory_space<vmem_shared>>)
    %scan3A_133 = arith.constant 0 : i32
    %scan3A_134 = arith.constant 40 : i32
    %scan3A_135 = arith.addi %scan3A_133, %scan3A_134 : i32
    %scan3A_136 = arith.constant 1 : i32
    scf.for %scan3A_186 = %scan3A_133 to %scan3A_135 step %scan3A_136  : i32 {
      %mul3A_187 = arith.constant 1 : i32
      %mul3A_188 = arith.muli %scan3A_186, %mul3A_187 : i32
      %add3A_189 = arith.constant 0 : i32
      %add3A_190 = arith.addi %add3A_189, %mul3A_188 : i32
      %jit3A = arith.constant 16 : i32
      %div3A = arith.divsi %add3A_190, %jit3A : i32
      %sign3A = arith.constant 0 : i32
      %sign3A_191 = arith.cmpi sgt, %add3A_190, %sign3A : i32
      %sign3A_192 = arith.extui %sign3A_191 : i1 to i32
      %sign3A_193 = arith.constant 0 : i32
      %sign3A_194 = arith.cmpi slt, %add3A_190, %sign3A_193 : i32
      %sign3A_195 = arith.extui %sign3A_194 : i1 to i32
      %sign3A_196 = arith.subi %sign3A_192, %sign3A_195 : i32
      %sign3A_197 = arith.constant 0 : i32
      %sign3A_198 = arith.cmpi sgt, %jit3A, %sign3A_197 : i32
      %sign3A_199 = arith.extui %sign3A_198 : i1 to i32
      %sign3A_200 = arith.constant 0 : i32
      %sign3A_201 = arith.cmpi slt, %jit3A, %sign3A_200 : i32
      %sign3A_202 = arith.extui %sign3A_201 : i1 to i32
      %sign3A_203 = arith.subi %sign3A_199, %sign3A_202 : i32
      %ne3A = arith.cmpi ne, %sign3A_196, %sign3A_203 : i32
      %rem3A = arith.remsi %add3A_190, %jit3A : i32
      %ne3A_204 = arith.constant 0 : i32
      %ne3A_205 = arith.cmpi ne, %rem3A, %ne3A_204 : i32
      %and3A = arith.andi %ne3A, %ne3A_205 : i1
      %sub3A = arith.constant 1 : i32
      %sub3A_206 = arith.subi %div3A, %sub3A : i32
      %select_n3A = arith.select %and3A, %sub3A_206, %div3A : i32
      %mul3A_207 = arith.constant 16 : i32
      %mul3A_208 = arith.muli %select_n3A, %mul3A_207 : i32
      %min3A = arith.constant 24 : i32
      %min3A_209 = arith.minsi %mul3A_208, %min3A : i32
      %get3A = arith.constant 248 : i32
      %get3A_210 = arith.index_cast %get3A : i32 to index
      %get3A_211 = arith.index_cast %min3A_209 : i32 to index
      %get3A_212 = tpu.vector_load %arg10[%get3A_210, %get3A_211] {strides = array<i32>} : memref<250x40xf32, #tpu.memory_space<vmem>>, vector<1x16xf32>,
      %get3A_213 = vector.shape_cast %get3A_212 : vector<1x16xf32> to vector<16xf32>
      %broadcast_in_dim3A = vector.broadcast %add3A_190 : i32 to vector<16xi32>
      %sub3A_214 = vector.broadcast %min3A_209 : i32 to vector<16xi32>
      %sub3A_215 = arith.subi %broadcast_in_dim3A, %sub3A_214 : vector<16xi32>
      %lt3A = arith.constant 0 : i32
      %lt3A_216 = vector.broadcast %lt3A : i32 to vector<16xi32>
      %lt3A_217 = arith.cmpi slt, %sub3A_215, %lt3A_216 : vector<16xi32>
      %add3A_218 = arith.constant 16 : i32
      %add3A_219 = vector.broadcast %add3A_218 : i32 to vector<16xi32>
      %add3A_220 = arith.addi %sub3A_215, %add3A_219 : vector<16xi32>
      %select_n3A_221 = arith.select %lt3A_217, %add3A_220, %sub3A_215 : vector<16xi1>, vector<16xi32>
      %broadcast_in_dim3A_222 = vector.shape_cast %select_n3A_221 : vector<16xi32> to vector<16x1xi32>
      %gather3A = vector.shape_cast %broadcast_in_dim3A_222 : vector<16x1xi32> to vector<16xi32>
      %gather3A_223 = tpu.dynamic_gather %get3A_213[%gather3A] in [0] : vector<16xf32>, vector<16xi32> -> vector<16xf32>
      %get3A_224 = arith.index_cast %add3A_190 : i32 to index
      %get3A_225 = arith.constant 0 : index
      %get3A_226 = tpu.vector_load %arg11[%get3A_224, %get3A_225] {strides = array<i32>} : memref<40x64xf32, #tpu.memory_space<vmem>>, vector<1x16xf32>,
      %get3A_227 = vector.shape_cast %get3A_226 : vector<1x16xf32> to vector<16xf32>
      %mul3A_228 = arith.mulf %get3A_227, %gather3A_223 : vector<16xf32>
      %swap3A = arith.index_cast %add3A_190 : i32 to index
      %swap3A_229 = arith.constant 0 : index
      %swap3A_230 = tpu.vector_load %arg13[%swap3A, %swap3A_229] {strides = array<i32>} : memref<40x64xf32, #tpu.memory_space<vmem>>, vector<1x16xf32>,
      %swap3A_231 = vector.shape_cast %swap3A_230 : vector<1x16xf32> to vector<16xf32>
      %swap3A_232 = vector.shape_cast %mul3A_228 : vector<16xf32> to vector<1x16xf32>
      tpu.vector_store %arg13[%swap3A, %swap3A_229], %swap3A_232 {strides = array<i32>} : memref<40x64xf32, #tpu.memory_space<vmem>>, vector<1x16xf32>,
      %get3A_233 = arith.index_cast %add3A_190 : i32 to index
      %get3A_234 = arith.constant 16 : index
      %get3A_235 = tpu.vector_load %arg11[%get3A_233, %get3A_234] {strides = array<i32>} : memref<40x64xf32, #tpu.memory_space<vmem>>, vector<1x16xf32>,
      %get3A_236 = vector.shape_cast %get3A_235 : vector<1x16xf32> to vector<16xf32>
      %mul3A_237 = arith.mulf %get3A_236, %gather3A_223 : vector<16xf32>
      %swap3A_238 = arith.index_cast %add3A_190 : i32 to index
      %swap3A_239 = arith.constant 16 : index
      %swap3A_240 = tpu.vector_load %arg13[%swap3A_238, %swap3A_239] {strides = array<i32>} : memref<40x64xf32, #tpu.memory_space<vmem>>, vector<1x16xf32>,
      %swap3A_241 = vector.shape_cast %swap3A_240 : vector<1x16xf32> to vector<16xf32>
      %swap3A_242 = vector.shape_cast %mul3A_237 : vector<16xf32> to vector<1x16xf32>
      tpu.vector_store %arg13[%swap3A_238, %swap3A_239], %swap3A_242 {strides = array<i32>} : memref<40x64xf32, #tpu.memory_space<vmem>>, vector<1x16xf32>,
      %get3A_243 = arith.index_cast %add3A_190 : i32 to index
      %get3A_244 = arith.constant 32 : index
      %get3A_245 = tpu.vector_load %arg11[%get3A_243, %get3A_244] {strides = array<i32>} : memref<40x64xf32, #tpu.memory_space<vmem>>, vector<1x16xf32>,
      %get3A_246 = vector.shape_cast %get3A_245 : vector<1x16xf32> to vector<16xf32>
      %mul3A_247 = arith.mulf %get3A_246, %gather3A_223 : vector<16xf32>
      %swap3A_248 = arith.index_cast %add3A_190 : i32 to index
      %swap3A_249 = arith.constant 32 : index
      %swap3A_250 = tpu.vector_load %arg13[%swap3A_248, %swap3A_249] {strides = array<i32>} : memref<40x64xf32, #tpu.memory_space<vmem>>, vector<1x16xf32>,
      %swap3A_251 = vector.shape_cast %swap3A_250 : vector<1x16xf32> to vector<16xf32>
      %swap3A_252 = vector.shape_cast %mul3A_247 : vector<16xf32> to vector<1x16xf32>
      tpu.vector_store %arg13[%swap3A_248, %swap3A_249], %swap3A_252 {strides = array<i32>} : memref<40x64xf32, #tpu.memory_space<vmem>>, vector<1x16xf32>,
      %get3A_253 = arith.index_cast %add3A_190 : i32 to index
      %get3A_254 = arith.constant 48 : index
      %get3A_255 = tpu.vector_load %arg11[%get3A_253, %get3A_254] {strides = array<i32>} : memref<40x64xf32, #tpu.memory_space<vmem>>, vector<1x16xf32>,
      %get3A_256 = vector.shape_cast %get3A_255 : vector<1x16xf32> to vector<16xf32>
      %mul3A_257 = arith.mulf %get3A_256, %gather3A_223 : vector<16xf32>
      %swap3A_258 = arith.index_cast %add3A_190 : i32 to index
      %swap3A_259 = arith.constant 48 : index
      %swap3A_260 = tpu.vector_load %arg13[%swap3A_258, %swap3A_259] {strides = array<i32>} : memref<40x64xf32, #tpu.memory_space<vmem>>, vector<1x16xf32>,
      %swap3A_261 = vector.shape_cast %swap3A_260 : vector<1x16xf32> to vector<16xf32>
      %swap3A_262 = vector.shape_cast %mul3A_257 : vector<16xf32> to vector<1x16xf32>
      tpu.vector_store %arg13[%swap3A_258, %swap3A_259], %swap3A_262 {strides = array<i32>} : memref<40x64xf32, #tpu.memory_space<vmem>>, vector<1x16xf32>,
    }
    %scan3A_137 = arith.constant 40 : i32
    %dma_start3A_138 = arith.constant 248 : i32
    %dma_start3A_139 = arith.constant 0 : i32
    %dma_start3A_140 = tpu.memref_slice %arg9[%dma_start3A_138, %dma_start3A_139] : memref<250x40xi32, #tpu.memory_space<vmem>> -> memref<1x40xi32, #tpu.memory_space<vmem>>
    %dma_start3A_141 = tpu.memref_squeeze %dma_start3A_140 : memref<1x40xi32, #tpu.memory_space<vmem>> -> memref<40xi32, #tpu.memory_space<vmem>>
    %dma_start3A_142 = arith.constant 0 : i32
    %dma_start3A_143 = arith.constant 0 : i32
    %dma_start3A_144 = tpu.memref_slice %arg15[%dma_start3A_142, %dma_start3A_143] : memref<10000x64xf32, #tpu.memory_space<vmem_shared>> -> memref<10000x64xf32, #tpu.memory_space<vmem_shared>>
    tpu.enqueue_indirect_dma source(%arg13 : memref<40x64xf32, #tpu.memory_space<vmem>>) target(%dma_start3A_144 : memref<10000x64xf32, #tpu.memory_space<vmem_shared>>) offsets(%dma_start3A_141 : memref<40xi32, #tpu.memory_space<vmem>>) semaphore(%arg19 : memref<!tpu.dma_semaphore, #tpu.memory_space<semaphore_mem>>) {add = true}
    %dma_wait3A_145 = arith.constant 0 : i32
    %dma_wait3A_146 = arith.constant 0 : i32
    %dma_wait3A_147 = tpu.memref_slice %arg8[%dma_wait3A_145, %dma_wait3A_146] : memref<250x40xi32, #tpu.memory_space<vmem>> -> memref<1x40xi32, #tpu.memory_space<vmem>>
    %dma_wait3A_148 = tpu.memref_squeeze %dma_wait3A_147 : memref<1x40xi32, #tpu.memory_space<vmem>> -> memref<40xi32, #tpu.memory_space<vmem>>
    %dma_wait3A_149 = arith.constant 0 : i32
    %dma_wait3A_150 = arith.constant 0 : i32
    %dma_wait3A_151 = tpu.memref_slice %arg2[%dma_wait3A_149, %dma_wait3A_150] : memref<10000x64xf32, #tpu.memory_space<hbm>> -> memref<10000x64xf32, #tpu.memory_space<hbm>>
    tpu.wait_indirect_dma semaphore(%arg18 : memref<!tpu.dma_semaphore, #tpu.memory_space<semaphore_mem>>) src(%dma_wait3A_151 : memref<10000x64xf32, #tpu.memory_space<hbm>>) dst(%arg12 : memref<40x64xf32, #tpu.memory_space<vmem>>)
    %dma_wait3A_152 = arith.constant 0 : i32
    %dma_wait3A_153 = arith.constant 0 : i32
    %dma_wait3A_154 = tpu.memref_slice %arg9[%dma_wait3A_152, %dma_wait3A_153] : memref<250x40xi32, #tpu.memory_space<vmem>> -> memref<1x40xi32, #tpu.memory_space<vmem>>
    %dma_wait3A_155 = tpu.memref_squeeze %dma_wait3A_154 : memref<1x40xi32, #tpu.memory_space<vmem>> -> memref<40xi32, #tpu.memory_space<vmem>>
    %dma_wait3A_156 = arith.constant 0 : i32
    %dma_wait3A_157 = arith.constant 0 : i32
    %dma_wait3A_158 = tpu.memref_slice %arg15[%dma_wait3A_156, %dma_wait3A_157] : memref<10000x64xf32, #tpu.memory_space<vmem_shared>> -> memref<10000x64xf32, #tpu.memory_space<vmem_shared>>
    tpu.wait_indirect_dma semaphore(%arg20 : memref<!tpu.dma_semaphore, #tpu.memory_space<semaphore_mem>>) src(%arg14 : memref<40x64xf32, #tpu.memory_space<vmem>>) dst(%dma_wait3A_158 : memref<10000x64xf32, #tpu.memory_space<vmem_shared>>)
    %scan3A_159 = arith.constant 0 : i32
    %scan3A_160 = arith.constant 40 : i32
    %scan3A_161 = arith.addi %scan3A_159, %scan3A_160 : i32
    %scan3A_162 = arith.constant 1 : i32
    scf.for %scan3A_186 = %scan3A_159 to %scan3A_161 step %scan3A_162  : i32 {
      %mul3A_187 = arith.constant 1 : i32
      %mul3A_188 = arith.muli %scan3A_186, %mul3A_187 : i32
      %add3A_189 = arith.constant 0 : i32
      %add3A_190 = arith.addi %add3A_189, %mul3A_188 : i32
      %jit3A = arith.constant 16 : i32
      %div3A = arith.divsi %add3A_190, %jit3A : i32
      %sign3A = arith.constant 0 : i32
      %sign3A_191 = arith.cmpi sgt, %add3A_190, %sign3A : i32
      %sign3A_192 = arith.extui %sign3A_191 : i1 to i32
      %sign3A_193 = arith.constant 0 : i32
      %sign3A_194 = arith.cmpi slt, %add3A_190, %sign3A_193 : i32
      %sign3A_195 = arith.extui %sign3A_194 : i1 to i32
      %sign3A_196 = arith.subi %sign3A_192, %sign3A_195 : i32
      %sign3A_197 = arith.constant 0 : i32
      %sign3A_198 = arith.cmpi sgt, %jit3A, %sign3A_197 : i32
      %sign3A_199 = arith.extui %sign3A_198 : i1 to i32
      %sign3A_200 = arith.constant 0 : i32
      %sign3A_201 = arith.cmpi slt, %jit3A, %sign3A_200 : i32
      %sign3A_202 = arith.extui %sign3A_201 : i1 to i32
      %sign3A_203 = arith.subi %sign3A_199, %sign3A_202 : i32
      %ne3A = arith.cmpi ne, %sign3A_196, %sign3A_203 : i32
      %rem3A = arith.remsi %add3A_190, %jit3A : i32
      %ne3A_204 = arith.constant 0 : i32
      %ne3A_205 = arith.cmpi ne, %rem3A, %ne3A_204 : i32
      %and3A = arith.andi %ne3A, %ne3A_205 : i1
      %sub3A = arith.constant 1 : i32
      %sub3A_206 = arith.subi %div3A, %sub3A : i32
      %select_n3A = arith.select %and3A, %sub3A_206, %div3A : i32
      %mul3A_207 = arith.constant 16 : i32
      %mul3A_208 = arith.muli %select_n3A, %mul3A_207 : i32
      %min3A = arith.constant 24 : i32
      %min3A_209 = arith.minsi %mul3A_208, %min3A : i32
      %get3A = arith.constant 249 : i32
      %get3A_210 = arith.index_cast %get3A : i32 to index
      %get3A_211 = arith.index_cast %min3A_209 : i32 to index
      %get3A_212 = tpu.vector_load %arg10[%get3A_210, %get3A_211] {strides = array<i32>} : memref<250x40xf32, #tpu.memory_space<vmem>>, vector<1x16xf32>,
      %get3A_213 = vector.shape_cast %get3A_212 : vector<1x16xf32> to vector<16xf32>
      %broadcast_in_dim3A = vector.broadcast %add3A_190 : i32 to vector<16xi32>
      %sub3A_214 = vector.broadcast %min3A_209 : i32 to vector<16xi32>
      %sub3A_215 = arith.subi %broadcast_in_dim3A, %sub3A_214 : vector<16xi32>
      %lt3A = arith.constant 0 : i32
      %lt3A_216 = vector.broadcast %lt3A : i32 to vector<16xi32>
      %lt3A_217 = arith.cmpi slt, %sub3A_215, %lt3A_216 : vector<16xi32>
      %add3A_218 = arith.constant 16 : i32
      %add3A_219 = vector.broadcast %add3A_218 : i32 to vector<16xi32>
      %add3A_220 = arith.addi %sub3A_215, %add3A_219 : vector<16xi32>
      %select_n3A_221 = arith.select %lt3A_217, %add3A_220, %sub3A_215 : vector<16xi1>, vector<16xi32>
      %broadcast_in_dim3A_222 = vector.shape_cast %select_n3A_221 : vector<16xi32> to vector<16x1xi32>
      %gather3A = vector.shape_cast %broadcast_in_dim3A_222 : vector<16x1xi32> to vector<16xi32>
      %gather3A_223 = tpu.dynamic_gather %get3A_213[%gather3A] in [0] : vector<16xf32>, vector<16xi32> -> vector<16xf32>
      %get3A_224 = arith.index_cast %add3A_190 : i32 to index
      %get3A_225 = arith.constant 0 : index
      %get3A_226 = tpu.vector_load %arg12[%get3A_224, %get3A_225] {strides = array<i32>} : memref<40x64xf32, #tpu.memory_space<vmem>>, vector<1x16xf32>,
      %get3A_227 = vector.shape_cast %get3A_226 : vector<1x16xf32> to vector<16xf32>
      %mul3A_228 = arith.mulf %get3A_227, %gather3A_223 : vector<16xf32>
      %swap3A = arith.index_cast %add3A_190 : i32 to index
      %swap3A_229 = arith.constant 0 : index
      %swap3A_230 = tpu.vector_load %arg14[%swap3A, %swap3A_229] {strides = array<i32>} : memref<40x64xf32, #tpu.memory_space<vmem>>, vector<1x16xf32>,
      %swap3A_231 = vector.shape_cast %swap3A_230 : vector<1x16xf32> to vector<16xf32>
      %swap3A_232 = vector.shape_cast %mul3A_228 : vector<16xf32> to vector<1x16xf32>
      tpu.vector_store %arg14[%swap3A, %swap3A_229], %swap3A_232 {strides = array<i32>} : memref<40x64xf32, #tpu.memory_space<vmem>>, vector<1x16xf32>,
      %get3A_233 = arith.index_cast %add3A_190 : i32 to index
      %get3A_234 = arith.constant 16 : index
      %get3A_235 = tpu.vector_load %arg12[%get3A_233, %get3A_234] {strides = array<i32>} : memref<40x64xf32, #tpu.memory_space<vmem>>, vector<1x16xf32>,
      %get3A_236 = vector.shape_cast %get3A_235 : vector<1x16xf32> to vector<16xf32>
      %mul3A_237 = arith.mulf %get3A_236, %gather3A_223 : vector<16xf32>
      %swap3A_238 = arith.index_cast %add3A_190 : i32 to index
      %swap3A_239 = arith.constant 16 : index
      %swap3A_240 = tpu.vector_load %arg14[%swap3A_238, %swap3A_239] {strides = array<i32>} : memref<40x64xf32, #tpu.memory_space<vmem>>, vector<1x16xf32>,
      %swap3A_241 = vector.shape_cast %swap3A_240 : vector<1x16xf32> to vector<16xf32>
      %swap3A_242 = vector.shape_cast %mul3A_237 : vector<16xf32> to vector<1x16xf32>
      tpu.vector_store %arg14[%swap3A_238, %swap3A_239], %swap3A_242 {strides = array<i32>} : memref<40x64xf32, #tpu.memory_space<vmem>>, vector<1x16xf32>,
      %get3A_243 = arith.index_cast %add3A_190 : i32 to index
      %get3A_244 = arith.constant 32 : index
      %get3A_245 = tpu.vector_load %arg12[%get3A_243, %get3A_244] {strides = array<i32>} : memref<40x64xf32, #tpu.memory_space<vmem>>, vector<1x16xf32>,
      %get3A_246 = vector.shape_cast %get3A_245 : vector<1x16xf32> to vector<16xf32>
      %mul3A_247 = arith.mulf %get3A_246, %gather3A_223 : vector<16xf32>
      %swap3A_248 = arith.index_cast %add3A_190 : i32 to index
      %swap3A_249 = arith.constant 32 : index
      %swap3A_250 = tpu.vector_load %arg14[%swap3A_248, %swap3A_249] {strides = array<i32>} : memref<40x64xf32, #tpu.memory_space<vmem>>, vector<1x16xf32>,
      %swap3A_251 = vector.shape_cast %swap3A_250 : vector<1x16xf32> to vector<16xf32>
      %swap3A_252 = vector.shape_cast %mul3A_247 : vector<16xf32> to vector<1x16xf32>
      tpu.vector_store %arg14[%swap3A_248, %swap3A_249], %swap3A_252 {strides = array<i32>} : memref<40x64xf32, #tpu.memory_space<vmem>>, vector<1x16xf32>,
      %get3A_253 = arith.index_cast %add3A_190 : i32 to index
      %get3A_254 = arith.constant 48 : index
      %get3A_255 = tpu.vector_load %arg12[%get3A_253, %get3A_254] {strides = array<i32>} : memref<40x64xf32, #tpu.memory_space<vmem>>, vector<1x16xf32>,
      %get3A_256 = vector.shape_cast %get3A_255 : vector<1x16xf32> to vector<16xf32>
      %mul3A_257 = arith.mulf %get3A_256, %gather3A_223 : vector<16xf32>
      %swap3A_258 = arith.index_cast %add3A_190 : i32 to index
      %swap3A_259 = arith.constant 48 : index
      %swap3A_260 = tpu.vector_load %arg14[%swap3A_258, %swap3A_259] {strides = array<i32>} : memref<40x64xf32, #tpu.memory_space<vmem>>, vector<1x16xf32>,
      %swap3A_261 = vector.shape_cast %swap3A_260 : vector<1x16xf32> to vector<16xf32>
      %swap3A_262 = vector.shape_cast %mul3A_257 : vector<16xf32> to vector<1x16xf32>
      tpu.vector_store %arg14[%swap3A_258, %swap3A_259], %swap3A_262 {strides = array<i32>} : memref<40x64xf32, #tpu.memory_space<vmem>>, vector<1x16xf32>,
    }
    %scan3A_163 = arith.constant 40 : i32
    %dma_start3A_164 = arith.constant 249 : i32
    %dma_start3A_165 = arith.constant 0 : i32
    %dma_start3A_166 = tpu.memref_slice %arg9[%dma_start3A_164, %dma_start3A_165] : memref<250x40xi32, #tpu.memory_space<vmem>> -> memref<1x40xi32, #tpu.memory_space<vmem>>
    %dma_start3A_167 = tpu.memref_squeeze %dma_start3A_166 : memref<1x40xi32, #tpu.memory_space<vmem>> -> memref<40xi32, #tpu.memory_space<vmem>>
    %dma_start3A_168 = arith.constant 0 : i32
    %dma_start3A_169 = arith.constant 0 : i32
    %dma_start3A_170 = tpu.memref_slice %arg15[%dma_start3A_168, %dma_start3A_169] : memref<10000x64xf32, #tpu.memory_space<vmem_shared>> -> memref<10000x64xf32, #tpu.memory_space<vmem_shared>>
    tpu.enqueue_indirect_dma source(%arg14 : memref<40x64xf32, #tpu.memory_space<vmem>>) target(%dma_start3A_170 : memref<10000x64xf32, #tpu.memory_space<vmem_shared>>) offsets(%dma_start3A_167 : memref<40xi32, #tpu.memory_space<vmem>>) semaphore(%arg20 : memref<!tpu.dma_semaphore, #tpu.memory_space<semaphore_mem>>) {add = true}
    %dma_wait3A_171 = arith.constant 0 : i32
    %dma_wait3A_172 = arith.constant 0 : i32
    %dma_wait3A_173 = tpu.memref_slice %arg9[%dma_wait3A_171, %dma_wait3A_172] : memref<250x40xi32, #tpu.memory_space<vmem>> -> memref<1x40xi32, #tpu.memory_space<vmem>>
    %dma_wait3A_174 = tpu.memref_squeeze %dma_wait3A_173 : memref<1x40xi32, #tpu.memory_space<vmem>> -> memref<40xi32, #tpu.memory_space<vmem>>
    %dma_wait3A_175 = arith.constant 0 : i32
    %dma_wait3A_176 = arith.constant 0 : i32
    %dma_wait3A_177 = tpu.memref_slice %arg15[%dma_wait3A_175, %dma_wait3A_176] : memref<10000x64xf32, #tpu.memory_space<vmem_shared>> -> memref<10000x64xf32, #tpu.memory_space<vmem_shared>>
    tpu.wait_indirect_dma semaphore(%arg19 : memref<!tpu.dma_semaphore, #tpu.memory_space<semaphore_mem>>) src(%arg13 : memref<40x64xf32, #tpu.memory_space<vmem>>) dst(%dma_wait3A_177 : memref<10000x64xf32, #tpu.memory_space<vmem_shared>>)
    %dma_wait3A_178 = arith.constant 0 : i32
    %dma_wait3A_179 = arith.constant 0 : i32
    %dma_wait3A_180 = tpu.memref_slice %arg9[%dma_wait3A_178, %dma_wait3A_179] : memref<250x40xi32, #tpu.memory_space<vmem>> -> memref<1x40xi32, #tpu.memory_space<vmem>>
    %dma_wait3A_181 = tpu.memref_squeeze %dma_wait3A_180 : memref<1x40xi32, #tpu.memory_space<vmem>> -> memref<40xi32, #tpu.memory_space<vmem>>
    %dma_wait3A_182 = arith.constant 0 : i32
    %dma_wait3A_183 = arith.constant 0 : i32
    %dma_wait3A_184 = tpu.memref_slice %arg15[%dma_wait3A_182, %dma_wait3A_183] : memref<10000x64xf32, #tpu.memory_space<vmem_shared>> -> memref<10000x64xf32, #tpu.memory_space<vmem_shared>>
    tpu.wait_indirect_dma semaphore(%arg20 : memref<!tpu.dma_semaphore, #tpu.memory_space<semaphore_mem>>) src(%arg14 : memref<40x64xf32, #tpu.memory_space<vmem>>) dst(%dma_wait3A_184 : memref<10000x64xf32, #tpu.memory_space<vmem_shared>>)
    %barrier3A_185 = arith.constant 0 : index
    tpu.barrier barrier_id(%barrier3A_185)
    "tpu.region"() ({
      %run_scoped3A = tpu.sem_alloc : memref<!tpu.dma_semaphore, #tpu.memory_space<semaphore_mem>>
      %dma_start3A_186 = arith.constant 0 : i32
      %dma_start3A_187 = tpu.memref_slice %arg7[%arg0, %mul3A_25, %dma_start3A_186] : memref<2x10000x64xf32, #tpu.memory_space<hbm>> -> memref<1x640x64xf32, #tpu.memory_space<hbm>>
      %dma_start3A_188 = tpu.memref_squeeze %dma_start3A_187 : memref<1x640x64xf32, #tpu.memory_space<hbm>> -> memref<640x64xf32, #tpu.memory_space<hbm>>
      %dma_start3A_189 = arith.constant 0 : i32
      %dma_start3A_190 = tpu.memref_slice %arg15[%mul3A_25, %dma_start3A_189] : memref<10000x64xf32, #tpu.memory_space<vmem_shared>> -> memref<640x64xf32, #tpu.memory_space<vmem_shared>>
      tpu.enqueue_dma source(%dma_start3A_190 : memref<640x64xf32, #tpu.memory_space<vmem_shared>>) target(%dma_start3A_188 : memref<640x64xf32, #tpu.memory_space<hbm>>) target_semaphore(%run_scoped3A : memref<!tpu.dma_semaphore, #tpu.memory_space<semaphore_mem>>)
      %dma_wait3A_191 = arith.constant 0 : i32
      %dma_wait3A_192 = tpu.memref_slice %arg7[%arg0, %mul3A_25, %dma_wait3A_191] : memref<2x10000x64xf32, #tpu.memory_space<hbm>> -> memref<1x640x64xf32, #tpu.memory_space<hbm>>
      %dma_wait3A_193 = tpu.memref_squeeze %dma_wait3A_192 : memref<1x640x64xf32, #tpu.memory_space<hbm>> -> memref<640x64xf32, #tpu.memory_space<hbm>>
      %dma_wait3A_194 = arith.constant 0 : i32
      %dma_wait3A_195 = tpu.memref_slice %arg15[%mul3A_25, %dma_wait3A_194] : memref<10000x64xf32, #tpu.memory_space<vmem_shared>> -> memref<640x64xf32, #tpu.memory_space<vmem_shared>>
      tpu.wait_dma2 semaphore(%run_scoped3A : memref<!tpu.dma_semaphore, #tpu.memory_space<semaphore_mem>>) src(%dma_wait3A_195 : memref<640x64xf32, #tpu.memory_space<vmem_shared>>) dst(%dma_wait3A_193 : memref<640x64xf32, #tpu.memory_space<hbm>>)
      tpu.yield
    }) : () -> ()
    return
  }
}

module attributes {stable_mosaic.version = 14 : i64} {
  func.func @body(%arg0: i32, %arg1: memref<2x1000x128xf32, #tpu.memory_space<vmem>>, %arg2: memref<1x128xf32, #tpu.memory_space<vmem>>, %arg3: memref<128x64xf32, #tpu.memory_space<vmem>>, %arg4: memref<1000x64xf32, #tpu.memory_space<vmem>>) attributes {dimension_semantics = [#tpu.dimension_semantics<arbitrary>], iteration_bounds = array<i64: 10>, scalar_prefetch = 0 : i64, scratch_operands = 0 : i64, tpu.core_type = #tpu.core_type<tc>, window_params = [{transform_indices = @transform_0, window_bounds = array<i64: 2, 1000, 128>}, {pipeline_mode = #tpu.pipeline_mode<synchronous>, transform_indices = @transform_1, window_bounds = array<i64: 1, 128>}, {pipeline_mode = #tpu.pipeline_mode<synchronous>, transform_indices = @transform_2, window_bounds = array<i64: 128, 64>}, {transform_indices = @transform_3, window_bounds = array<i64: 1000, 64>}]} {
    %get3A = arith.constant 0 : index
    %get3A_0 = arith.constant 0 : index
    %get3A_1 = arith.constant 0 : index
    %get3A_2 = vector.load %arg1[%get3A, %get3A_0, %get3A_1] : memref<2x1000x128xf32, #tpu.memory_space<vmem>>, vector<1x1000x128xf32>
    %get3A_3 = vector.shape_cast %get3A_2 : vector<1x1000x128xf32> to vector<1000x128xf32>
    %get3A_4 = arith.constant 1 : index
    %get3A_5 = arith.constant 0 : index
    %get3A_6 = arith.constant 0 : index
    %get3A_7 = vector.load %arg1[%get3A_4, %get3A_5, %get3A_6] : memref<2x1000x128xf32, #tpu.memory_space<vmem>>, vector<1x1000x128xf32>
    %get3A_8 = vector.shape_cast %get3A_7 : vector<1x1000x128xf32> to vector<1000x128xf32>
    %add3A = arith.addf %get3A_3, %get3A_8 : vector<1000x128xf32>
    %get3A_9 = arith.constant 0 : index
    %get3A_10 = arith.constant 0 : index
    %get3A_11 = vector.load %arg2[%get3A_9, %get3A_10] : memref<1x128xf32, #tpu.memory_space<vmem>>, vector<1x128xf32>
    %add3A_12 = vector.broadcast %get3A_11 : vector<1x128xf32> to vector<1000x128xf32>
    %add3A_13 = arith.addf %add3A, %add3A_12 : vector<1000x128xf32>
    %max3A = arith.constant 0.000000e+00 : f32
    %max3A_14 = vector.broadcast %max3A : f32 to vector<1000x128xf32>
    %max3A_15 = arith.maximumf %add3A_13, %max3A_14 : vector<1000x128xf32>
    %get3A_16 = arith.constant 0 : index
    %get3A_17 = arith.constant 0 : index
    %get3A_18 = vector.load %arg3[%get3A_16, %get3A_17] : memref<128x64xf32, #tpu.memory_space<vmem>>, vector<128x64xf32>
    %dot_general3A = arith.constant dense<0.000000e+00> : vector<1000x64xf32>
    %dot_general3A_19 = tpu.matmul %max3A_15, %get3A_18, %dot_general3A {dimension_numbers = #tpu.dot_dimension_numbers<[1], [0], [0], [1], [0, 0, 1, 1], [], []>, transpose_lhs_hint = false} : vector<1000x128xf32>, vector<128x64xf32>, vector<1000x64xf32> -> vector<1000x64xf32>
    %swap3A = arith.constant 0 : index
    %swap3A_20 = arith.constant 0 : index
    %swap3A_21 = vector.load %arg4[%swap3A, %swap3A_20] : memref<1000x64xf32, #tpu.memory_space<vmem>>, vector<1000x64xf32>
    tpu.vector_store %arg4[%swap3A, %swap3A_20], %dot_general3A_19 {strides = array<i32>} : memref<1000x64xf32, #tpu.memory_space<vmem>>, vector<1000x64xf32>,
    return
  }
  func.func @transform_0(%arg0: i32) -> (i32, i32, i32) {
    %c0_i32 = arith.constant 0 : i32
    %c0_i32_0 = arith.constant 0 : i32
    %c0_i32_1 = arith.constant 0 : i32
    return %c0_i32, %arg0, %c0_i32_0 : i32, i32, i32
  }
  func.func @transform_1(%arg0: i32) -> (i32, i32) {
    %c0_i32 = arith.constant 0 : i32
    %c0_i32_0 = arith.constant 0 : i32
    %c0_i32_1 = arith.constant 0 : i32
    return %c0_i32, %c0_i32_0 : i32, i32
  }
  func.func @transform_2(%arg0: i32) -> (i32, i32) {
    %c0_i32 = arith.constant 0 : i32
    %c0_i32_0 = arith.constant 0 : i32
    %c0_i32_1 = arith.constant 0 : i32
    return %c0_i32, %c0_i32_0 : i32, i32
  }
  func.func @transform_3(%arg0: i32) -> (i32, i32) {
    %c0_i32 = arith.constant 0 : i32
    %c0_i32_0 = arith.constant 0 : i32
    return %arg0, %c0_i32 : i32, i32
  }
}

module attributes {stable_mosaic.version = 14 : i64} {
  func.func @body(%arg0: i32, %arg1: memref<1000x128xf32, #tpu.memory_space<vmem>>, %arg2: memref<128x128xf32, #tpu.memory_space<vmem>>, %arg3: memref<1000x128xf32, #tpu.memory_space<vmem>>) attributes {dimension_semantics = [#tpu.dimension_semantics<arbitrary>], iteration_bounds = array<i64: 10>, scalar_prefetch = 0 : i64, scratch_operands = 0 : i64, tpu.core_type = #tpu.core_type<tc>, window_params = [{transform_indices = @transform_0, window_bounds = array<i64: 1000, 128>}, {pipeline_mode = #tpu.pipeline_mode<synchronous>, transform_indices = @transform_1, window_bounds = array<i64: 128, 128>}, {transform_indices = @transform_2, window_bounds = array<i64: 1000, 128>}]} {
    %get3A = arith.constant 0 : index
    %get3A_0 = arith.constant 0 : index
    %get3A_1 = vector.load %arg1[%get3A, %get3A_0] : memref<1000x128xf32, #tpu.memory_space<vmem>>, vector<1000x128xf32>
    %get3A_2 = arith.constant 0 : index
    %get3A_3 = arith.constant 0 : index
    %get3A_4 = vector.load %arg2[%get3A_2, %get3A_3] : memref<128x128xf32, #tpu.memory_space<vmem>>, vector<128x128xf32>
    %dot_general3A = arith.constant dense<0.000000e+00> : vector<1000x128xf32>
    %dot_general3A_5 = tpu.matmul %get3A_1, %get3A_4, %dot_general3A {dimension_numbers = #tpu.dot_dimension_numbers<[1], [0], [0], [1], [0, 0, 1, 1], [], []>, transpose_lhs_hint = false} : vector<1000x128xf32>, vector<128x128xf32>, vector<1000x128xf32> -> vector<1000x128xf32>
    %swap3A = arith.constant 0 : index
    %swap3A_6 = arith.constant 0 : index
    %swap3A_7 = vector.load %arg3[%swap3A, %swap3A_6] : memref<1000x128xf32, #tpu.memory_space<vmem>>, vector<1000x128xf32>
    tpu.vector_store %arg3[%swap3A, %swap3A_6], %dot_general3A_5 {strides = array<i32>} : memref<1000x128xf32, #tpu.memory_space<vmem>>, vector<1000x128xf32>,
    return
  }
  func.func @transform_0(%arg0: i32) -> (i32, i32) {
    %c0_i32 = arith.constant 0 : i32
    %c0_i32_0 = arith.constant 0 : i32
    return %arg0, %c0_i32 : i32, i32
  }
  func.func @transform_1(%arg0: i32) -> (i32, i32) {
    %c0_i32 = arith.constant 0 : i32
    %c0_i32_0 = arith.constant 0 : i32
    %c0_i32_1 = arith.constant 0 : i32
    return %c0_i32, %c0_i32_0 : i32, i32
  }
  func.func @transform_2(%arg0: i32) -> (i32, i32) {
    %c0_i32 = arith.constant 0 : i32
    %c0_i32_0 = arith.constant 0 : i32
    return %arg0, %c0_i32 : i32, i32
  }
}

module attributes {stable_mosaic.version = 14 : i64} {
  func.func @body(%arg0: i32, %arg1: memref<2x1000x64xf32, #tpu.memory_space<vmem>>, %arg2: memref<1x64xf32, #tpu.memory_space<vmem>>, %arg3: memref<1000x64xf32, #tpu.memory_space<vmem>>) attributes {dimension_semantics = [#tpu.dimension_semantics<arbitrary>], iteration_bounds = array<i64: 10>, scalar_prefetch = 0 : i64, scratch_operands = 0 : i64, tpu.core_type = #tpu.core_type<tc>, window_params = [{transform_indices = @transform_0, window_bounds = array<i64: 2, 1000, 64>}, {pipeline_mode = #tpu.pipeline_mode<synchronous>, transform_indices = @transform_1, window_bounds = array<i64: 1, 64>}, {transform_indices = @transform_2, window_bounds = array<i64: 1000, 64>}]} {
    %get3A = arith.constant 0 : index
    %get3A_0 = arith.constant 0 : index
    %get3A_1 = arith.constant 0 : index
    %get3A_2 = vector.load %arg1[%get3A, %get3A_0, %get3A_1] : memref<2x1000x64xf32, #tpu.memory_space<vmem>>, vector<1x1000x64xf32>
    %get3A_3 = vector.shape_cast %get3A_2 : vector<1x1000x64xf32> to vector<1000x64xf32>
    %get3A_4 = arith.constant 1 : index
    %get3A_5 = arith.constant 0 : index
    %get3A_6 = arith.constant 0 : index
    %get3A_7 = vector.load %arg1[%get3A_4, %get3A_5, %get3A_6] : memref<2x1000x64xf32, #tpu.memory_space<vmem>>, vector<1x1000x64xf32>
    %get3A_8 = vector.shape_cast %get3A_7 : vector<1x1000x64xf32> to vector<1000x64xf32>
    %add3A = arith.addf %get3A_3, %get3A_8 : vector<1000x64xf32>
    %get3A_9 = arith.constant 0 : index
    %get3A_10 = arith.constant 0 : index
    %get3A_11 = vector.load %arg2[%get3A_9, %get3A_10] : memref<1x64xf32, #tpu.memory_space<vmem>>, vector<1x64xf32>
    %add3A_12 = vector.broadcast %get3A_11 : vector<1x64xf32> to vector<1000x64xf32>
    %add3A_13 = arith.addf %add3A, %add3A_12 : vector<1000x64xf32>
    %reduce_max3A = arith.constant dense<0xFF800000> : vector<1000xf32>
    %reduce_max3A_14 = vector.multi_reduction <maximumf>, %add3A_13, %reduce_max3A [1] : vector<1000x64xf32> to vector<1000xf32>
    %broadcast_in_dim3A = vector.shape_cast %reduce_max3A_14 : vector<1000xf32> to vector<1000x1xf32>
    %sub3A = vector.broadcast %broadcast_in_dim3A : vector<1000x1xf32> to vector<1000x64xf32>
    %sub3A_15 = arith.subf %add3A_13, %sub3A : vector<1000x64xf32>
    %exp3A = math.exp %sub3A_15 : vector<1000x64xf32>
    %reduce_sum3A = arith.constant dense<0.000000e+00> : vector<1000xf32>
    %reduce_sum3A_16 = vector.multi_reduction <add>, %exp3A, %reduce_sum3A [1] : vector<1000x64xf32> to vector<1000xf32>
    %broadcast_in_dim3A_17 = vector.shape_cast %reduce_sum3A_16 : vector<1000xf32> to vector<1000x1xf32>
    %log3A = math.log %broadcast_in_dim3A_17 : vector<1000x1xf32>
    %sub3A_18 = vector.broadcast %log3A : vector<1000x1xf32> to vector<1000x64xf32>
    %sub3A_19 = arith.subf %sub3A_15, %sub3A_18 : vector<1000x64xf32>
    %swap3A = arith.constant 0 : index
    %swap3A_20 = arith.constant 0 : index
    %swap3A_21 = vector.load %arg3[%swap3A, %swap3A_20] : memref<1000x64xf32, #tpu.memory_space<vmem>>, vector<1000x64xf32>
    tpu.vector_store %arg3[%swap3A, %swap3A_20], %sub3A_19 {strides = array<i32>} : memref<1000x64xf32, #tpu.memory_space<vmem>>, vector<1000x64xf32>,
    return
  }
  func.func @transform_0(%arg0: i32) -> (i32, i32, i32) {
    %c0_i32 = arith.constant 0 : i32
    %c0_i32_0 = arith.constant 0 : i32
    %c0_i32_1 = arith.constant 0 : i32
    return %c0_i32, %arg0, %c0_i32_0 : i32, i32, i32
  }
  func.func @transform_1(%arg0: i32) -> (i32, i32) {
    %c0_i32 = arith.constant 0 : i32
    %c0_i32_0 = arith.constant 0 : i32
    %c0_i32_1 = arith.constant 0 : i32
    return %c0_i32, %c0_i32_0 : i32, i32
  }
  func.func @transform_2(%arg0: i32) -> (i32, i32) {
    %c0_i32 = arith.constant 0 : i32
    %c0_i32_0 = arith.constant 0 : i32
    return %arg0, %c0_i32 : i32, i32
  }
}

</mosaic_0001>

<sc_bundles>
// kernel: kernel.10.cloned.1.call-start
scs
__scs_entry_jumppad:
0x0: {  	(pc) =	sbr.rel $0x88, $3  }
0x1: {  	(tag) =	ssettag $0x0;
	lr =	simm.s32 $0x1  }
0x2: {  	[smem:$0x3F9A] =	sst lr;
	_ =	strace $0xD0000000  }
0x3: {  	_ = 	snop  }
0x4: {  	_ = 	snop  }
0x5: {  	_ = 	snop  }
0x6: {  	_ = 	snop  }
0x7: {  	_ = 	snop  }
__scs_overlays_trampoline_lowered:
0x8: {  	[smem:$0x3FA9] =	sst s0  }
0x9: {  	[smem:$0x3FAA] =	sst s1  }
0xa: {  	[smem:$0x3FAB] =	sst s2  }
0xb: {  	[smem:$0x3FAC] =	sst s3  }
0xc: {  	[smem:$0x3FAD] =	sst s4  }
0xd: {  	[smem:$0x3FAE] =	sst s5  }
0xe: {  	[smem:$0x3FAF] =	sst s6  }
0xf: {  	[smem:$0x3FB0] =	sst s7  }
0x10: {  	[smem:$0x3FB1] =	sst s8  }
0x11: {  	[smem:$0x3FB2] =	sst s9;
	s0 =	simm.s32 @!p0 $0x0  }
0x12: {  	s1 =	sld [smem:$0x3F98];
	s0 =	simm.s32 @p0 $0x1  }
0x13: {  	[smem:$0x3FB3] =	sst s0;
	s0 =	simm.s32 @!p1 $0x0  }
0x14: {  	s2 =	sld [smem:$0x3F97];
	s0 =	simm.s32 @p1 $0x1  }
0x15: {  	[smem:$0x3FB4] =	sst s0;
	s0 =	simm.s32 @!p2 $0x0  }
0x16: {  	s3 =	sld [smem:$0x3FDB];
	s0 =	simm.s32 @p2 $0x1  }
0x17: {  	s4 =	simm.s32 $0x1BF5;
	[smem:$0x3FB6] =	sst s0  }
0x18: {  	s0 =	sld [smem:$0x3F99];
	_ =	swait.ge [sflag:s4], $0x0  }
0x19: {  	s7 =	sld [smem:$0x3F9A]  }
0x1a: {  	s8 =	sadd.s32 $0xFFFFE003, lr  }
0x1b: {  	s9 =	sadd.s32 $0xFFFFFEF7, lr;
	s5 =	simm.s32 $0xFFFFFFFF;
	p2 =	slt.u32 s8, $0xFFFFF086  }
0x1c: {  	p1 =	slt.u32 s9, $0xF7A;
	s5 =	simm.s32 @!p2 $0x0  }
0x1d: {  	s5 =	simm.s32 @p1 $0x1;
	p0 =	seq.s32 s7, s2  }
0x1e: {  	s7 =	smul.u32 @!p0 $0xF7A, s2;
	p2 =	seq.s32 @!p0 s5, $0x0  }
0x1f: {  	s9 =	smul.u32 $0xF7A, s1;
	s8 =	simm.s32 @!p0 $0x1BF5;
	p2 =	por !p2, p0  }
0x20: {  	[sflag:s8] =	ssyncset.s32 @!p0 $0xFFFFF086;
	s6 =	sadd.s32 @!p0 s3, s7;
	s7 =	simm.s32 @!p0 $0x108  }
0x21: {  	s3 =	sadd.s32 s3, s9;
	s6 =	sadd.s32 @!p0 $0x88, s6;
	s7 =	simm.s32 @p2 $0x1082  }
0x22: {  	[simem:s7], [sflag:s8] =	dma.local @!p0 [hbm:s6], $0xF7A  }
0x23: {  	s9 =	sor.u32 $0xD0000000, s2;
	s6 =	simm.s32 $0x108;
	_ =	swait.ge @!p0 [sflag:s8], $0x0  }
0x24: {  	s3 =	sadd.s32 $0x88, s3;
	s6 =	simm.s32 @!p1 $0x1082;
	[sflag:s4] =	ssyncset.s32 $0xFFFFF086  }
0x25: {  	[simem:s6], [sflag:s4] =	dma.local [hbm:s3], $0xF7A  }
0x26: {  	[smem:$0x3F9A] =	sst s1;
	(tag) =	ssettag s2;
	_ =	strace s9  }
0x27: {  	s1 =	sld [smem:$0x3FAA]  }
0x28: {  	s2 =	sld [smem:$0x3FAB]  }
0x29: {  	s4 =	sld [smem:$0x3FAD]  }
0x2a: {  	p0 =	seq.s32 s5, $0x0;
	s5 =	sld [smem:$0x3FAE]  }
0x2b: {  	s6 =	sld [smem:$0x3FAF]  }
0x2c: {  	s7 =	sld [smem:$0x3FB0]  }
0x2d: {  	s3 =	simm.s32 $0x108;
	s8 =	sld [smem:$0x3FB1]  }
0x2e: {  	s3 =	simm.s32 @!p0 $0x1082;
	s9 =	sld [smem:$0x3FB2]  }
0x2f: {  	lr =	sadd.s32 s0, s3;
	s0 =	sld [smem:$0x3FA9]  }
0x30: {  	s3 =	sld [smem:$0x3FAC]  }
0x31: {  	[smem:$0x3FB5] =	sst s10  }
0x32: {  	s10 =	sld [smem:$0x3FB3];
	_ =	sdelay $0x3  }
0x33: {  	p0 =	seq.s32 s10, $0x1;
	s10 =	sld [smem:$0x3FB5];
	_ =	sdelay $0x3  }
0x34: {  	[smem:$0x3FB5] =	sst s10  }
0x35: {  	s10 =	sld [smem:$0x3FB4];
	_ =	sdelay $0x3  }
0x36: {  	p1 =	seq.s32 s10, $0x1;
	s10 =	sld [smem:$0x3FB5];
	_ =	sdelay $0x3  }
0x37: {  	[smem:$0x3FB5] =	sst s10  }
0x38: {  	s10 =	sld [smem:$0x3FB6]  }
0x39: {  	_ = 	snop;
	(pc) =	sbr.ind lr, $3  }
0x3a: {  	_ = 	snop  }
0x3b: {  	_ = 	snop  }
0x3c: {  	p2 =	seq.s32 s10, $0x1;
	s10 =	sld [smem:$0x3FB5]  }
0x3d: {  	_ =	shalt  }
0x3e: {  	_ =	shalt  }
0x3f: {  	_ =	shalt  }
0x40: {  	_ =	shalt  }
0x41: {  	_ =	shalt  }
0x42: {  	_ =	shalt  }
0x43: {  	_ =	shalt  }
0x44: {  	_ =	shalt  }
0x45: {  	_ =	shalt  }
0x46: {  	_ =	shalt  }
0x47: {  	_ =	shalt  }
0x48: {  	_ =	shalt  }
0x49: {  	_ =	shalt  }
0x4a: {  	_ =	shalt  }
0x4b: {  	_ =	shalt  }
0x4c: {  	_ =	shalt  }
0x4d: {  	_ =	shalt  }
0x4e: {  	_ =	shalt  }
0x4f: {  	_ =	shalt  }
0x50: {  	_ =	shalt  }
0x51: {  	_ =	shalt  }
0x52: {  	_ =	shalt  }
0x53: {  	_ =	shalt  }
0x54: {  	_ =	shalt  }
0x55: {  	_ =	shalt  }
0x56: {  	_ =	shalt  }
0x57: {  	_ =	shalt  }
0x58: {  	_ =	shalt  }
0x59: {  	_ =	shalt  }
0x5a: {  	_ =	shalt  }
0x5b: {  	_ =	shalt  }
0x5c: {  	_ =	shalt  }
0x5d: {  	_ =	shalt  }
0x5e: {  	_ =	shalt  }
0x5f: {  	_ =	shalt  }
0x60: {  	_ =	shalt  }
0x61: {  	_ =	shalt  }
0x62: {  	_ =	shalt  }
0x63: {  	_ =	shalt  }
0x64: {  	_ =	shalt  }
0x65: {  	_ =	shalt  }
0x66: {  	_ =	shalt  }
0x67: {  	_ =	shalt  }
0x68: {  	_ =	shalt  }
0x69: {  	_ =	shalt  }
0x6a: {  	_ =	shalt  }
0x6b: {  	_ =	shalt  }
0x6c: {  	_ =	shalt  }
0x6d: {  	_ =	shalt  }
0x6e: {  	_ =	shalt  }
0x6f: {  	_ =	shalt  }
0x70: {  	_ =	shalt  }
0x71: {  	_ =	shalt  }
0x72: {  	_ =	shalt  }
0x73: {  	_ =	shalt  }
0x74: {  	_ =	shalt  }
0x75: {  	_ =	shalt  }
0x76: {  	_ =	shalt  }
0x77: {  	_ =	shalt  }
0x78: {  	_ =	shalt  }
0x79: {  	_ =	shalt  }
0x7a: {  	_ =	shalt  }
0x7b: {  	_ =	shalt  }
0x7c: {  	_ =	shalt  }
0x7d: {  	_ =	shalt  }
0x7e: {  	_ =	shalt  }
0x7f: {  	_ =	shalt  }
0x80: {  	_ =	shalt  }
0x81: {  	_ =	shalt  }
0x82: {  	_ =	shalt  }
0x83: {  	_ =	shalt  }
0x84: {  	_ =	shalt  }
0x85: {  	_ =	shalt  }
0x86: {  	_ =	shalt  }
0x87: {  	_ =	shalt  }
.Lfunc_end0:
.L_simem_size_0:
called_computation.1_lowered:
.L_overlay_start_0:
0x88: {  	s2 =	sld [smem:$0x3FD9]  }
0x89: {  	s3 =	sld [smem:$0x3FFE];
	_ =	sdelay $0x1  }
0x8a: {  	s1 =	srdreg.scid  }
0x8b: {  	s0 =	sand.u32 $0x1, s1  }
0x8c: {  	s17 =	sshll.u32 s0, $0xA;
	s2 =	sadd.s32 s3, s2  }
0x8d: {  	s2 =	sadd.s32 s2, s17  }
0x8e: {  	[smem:$0x3FC1] =	sst s2  }
0x8f: {  	_ = 	snop  }
0x90: {  	s2 =	sld [smem:$0x3FC7]  }
0x91: {  	s18 =	sld [smem:$0x3FD0];
	(tm) =	ssettm $0x1  }
0x92: {  	s4 =	sld [smem:$0x3FFB];
	_ =	sdelay $0x3  }
0x93: {  	_ =	strace s4  }
0x94: {  	s4 =	sld [smem:$0x3FFC];
	_ =	sdelay $0x3  }
0x95: {  	_ =	strace s4  }
0x96: {  	s4 =	sld [smem:$0x3FFD];
	_ =	sdelay $0x3  }
0x97: {  	_ =	strace s4  }
0x98: {  	_ =	strace $0x8FFFFFFF  }
0x99: {  	s19 =	sld [smem:$0x3FDB];
	_ =	sdelay $0x1  }
0x9a: {  	s5 =	simm.s32 $_scs_section_size  }
0x9b: {  	s6 =	simm.s32 $_size__tile_overlayer_lowered;
	s7 =	simm.s32 $_tile_overlayer_lowered  }
0x9c: {  	s22 =	simm.s32 $0x1BFF;
	s21 =	sshll.u32 s7, $0x1;
	s4 =	sadd.s32 s5, s19  }
0x9d: {  	s8 =	simm.s32 $0x0;
	s20 =	sshll.u32 s6, $0x1;
	s6 =	sadd.s32 s21, s4  }
0x9e: {  	[timem:s8], [sflag:s22] =	dma.local [hbm:s6], s20  }
0x9f: {  	_ =	swait.ge [sflag:s22], s20  }
0xa0: {  	s5 =	ssub.s32 $0x0, s20;
	[sflag:s22] =	ssyncset.done $0x0  }
0xa1: {  	[sflag:s22] =	ssyncadd.s32 s5;
	_ =	sdelay $0x1  }
0xa2: {  	s23 =	simm.s32 $0x1B8B  }
0xa3: {  	_ =	swait.ge [sflag:s23], $0x1  }
0xa4: {  	[sflag:s23] =	ssyncset.done $0x0  }
0xa5: {  	s25 =	simm.s32 $0x1B8E;
	s24 =	sld [smem:$0x3FFE];
	[sflag:s23] =	ssyncadd.s32 $0xFFFFFFFF  }
0xa6: {  	s26 =	simm.s32 $execute0_lowered;
	[smem:$0x3FD2] =	sst s25  }
0xa7: {  	s6 =	sshll.u32 s26, $0x1;
	_ =	strace $0x80000049;
	[dreg:$0x1] =	wrdreg $0xFFFFFFFF  }
0xa8: {  	s28 =	simm.s32 $_size_execute0_lowered;
	s4 =	sadd.s32 s4, s6;
	[dreg:$0x0] =	wrdreg $0x0  }
0xa9: {  	s6 =	sshll.u32 s28, $0x1;
	[dreg:$0x2] =	wrdreg s4  }
0xaa: {  	[dreg:$0x3] =	wrdreg s6  }
0xab: {  	[dreg:$0x4] =	wrdreg $0xC0  }
0xac: {  	_ =	task [dreg:s8], $0x5FFFF  }
0xad: {  	[dreg:$0x1] =	wrdreg $0xFFFFFFFF  }
0xae: {  	[dreg:$0x0] =	wrdreg $0x60  }
0xaf: {  	[dreg:$0x2] =	wrdreg s18  }
0xb0: {  	[dreg:$0x3] =	wrdreg s24  }
0xb1: {  	[dreg:$0x4] =	wrdreg s2  }
0xb2: {  	[dreg:$0x5] =	wrdreg $0x9D300  }
0xb3: {  	[dreg:$0x6] =	wrdreg $0x9  }
0xb4: {  	_ =	task.clear_ibuf [dreg:s8], $0x7FFFF;
	_ =	strace $0x90000049  }
0xb5: {  	s29 =	simm.s32 $0x9;
	_ =	strace $0x8000004B  }
0xb6: {  	_ =	swait.ge [sflag:s29], $0x1  }
0xb7: {  	[sflag:s29] =	ssyncadd.s32 $0xFFFFFFFF  }
0xb8: {  	_ =	strace $0x9000004B  }
0xb9: {  	_ =	sfence  }
0xba: {  	s30 =	sld [smem:$0x0];
	_ =	sdelay $0x2  }
0xbb: {  	s31 =	sshll.u32 s1, $0xD;
	s1 =	sshrl.u32 s1, $0x2  }
0xbc: {  	s3 =	sand.u32 $0x4000, s31;
	s1 =	sadd.s32 s1, s30  }
0xbd: {  	s0 =	sor.u32 s3, s0;
	s1 =	sshll.u32 s1, $0x11  }
0xbe: {  	s0 =	sor.u32 s1, s0  }
0xbf: {  	s0 =	sadd.s32 $0x8F2B, s0  }
0xc0: {  	[sflag:s0] =	ssyncadd.remote.s32 $0x1  }
0xc1: {  	_ =	sfence.sel $0xFFFF  }
0xc2: {  	[dreg:$0x0] =	wrdreg $0xFFFFFFFF;
	(pc) =	sbr.abs _section_cstart, $3  }
0xc3: {  	[dreg:$0x1] =	wrdreg $0xFFFFFFFF  }
0xc4: {  	_ =	task.clear_ibuf [dreg:s8], $0x2FFFF;
	_ =	strace $0x9FFFFFFF  }
0xc5: {  	(tm) =	ssettm $0x7FFFFFFF  }
tec
execute0_lowered:
.L_overlay_start_1:
0x0: {  	(tag) =	ssettag $0x1  }
0x1: {  	s1 =	rddreg [dreg:$0x0]  }
0x2: {  	s5 =	rddreg [dreg:$0x1]  }
0x3: {  	s0 =	srdreg.scid;
	s7 =	rddreg [dreg:$0x2]  }
0x4: {  	s11 =	stileid.u32;
	s3 =	rddreg [dreg:$0x3]  }
0x5: {  	s4 =	simm.s32 $0x0;
	s15 =	simm.s32 $0x6;
	s16 =	simm.s32 $0x1  }
0x6: {  	s17 =	simm.s32 $0x28;
	s18 =	simm.s32 $0x7530;
	s19 =	simm.s32 $0x7F30  }
0x7: {  	s20 =	simm.s32 $0x2;
	s22 =	simm.s32 $0x8930;
	s23 =	simm.s32 $0x3  }
0x8: {  	s28 =	simm.s32 $0x4;
	s29 =	simm.s32 $0x5;
	s0 =	sand.u32 $0x1, s0  }
0x9: {  	s2 =	sshll.u32 s11, $0x1;
	s8 =	smul.u32 $0x9C00, s11;
	[smem:$0x7FF] =	sst s4  }
0xa: {  	s31 =	sshll.u32 s11, $0x6;
	s2 =	sor.u32 s0, s2;
	s6 =	smul.u32 $0x9C400, s0  }
0xb: {  	_ =	strace $0x8000004A;
	s0 =	ssub.s32 $0x2, s0;
	s2 =	smul.u32 $0x4E2, s2  }
0xc: {  	s10 =	sshrl.u32 s8, $0x3;
	s25 =	sshrl.u32 s0, $0x1;
	s30 =	sadd.s32 s8, s3  }
0xd: {  	s6 =	sadd.s32 s8, s6;
	s10 =	sadd.s32 s10, s5;
	s0 =	ssub.s32 s0, s25  }
0xe: {  	s25 =	simm.s32 $0x2710;
	s14 =	sshrl.u32 s30, $0x3;
	s9 =	sadd.s32 s2, s5  }
0xf: {  	s6 =	sshrl.u32 s6, $0x3;
	s7 =	sadd.s32 s7, s2;
	s8 =	sadd.s32 $0x14A00, s10  }
0x10: {  	s11 =	smax.u32 s0, $0x1;
	s2 =	simm.s32 $0x0;
	s5 =	sadd.s32 s6, s5  }
0x11: {  	s26 =	sadd.s32 $0xAC00, s9;
	s6 =	sadd.s32 $0xE00, s9;
	s9 =	sor.u32 $0x1C06, s31  }
0x12: {  	[dreg:$0x5] =	wrdreg s26;
	s10 =	sadd.s32 $0x28400, s5;
	s26 =	simm.s32 $0x9330  }
.LBB2_1:
0x13: {  	s0 =	rddreg [dreg:$0x5]  }
0x14: {  	[tilespmem:s4], [sflag:$0x1] =	stream.linear.gather [hbm4b:s0+s4], $0x2710, $0x38;
	[tilespmem:$0x13970] =	vst v63  }
0x15: {  	_ = 	snop  }
0x16: {  	[tilespmem:s25], [sflag:$0x1] =	stream.linear.gather [hbm4b:s6+s4], $0x2710, $0x38;
	[tilespmem:$0x13970] =	vst v63  }
0x17: {  	s30 =	simm.s32 $0x4E20  }
0x18: {  	[tilespmem:s30], [sflag:$0x1] =	stream.linear.gather [hbm4b:s7+s4], $0x2710, $0x38;
	[tilespmem:$0x13970] =	vst v63  }
0x19: {  	[spmem:s14], [sflag:s9] =	dma.local [hbm:s8], $0x1400  }
0x1a: {  	_ =	swait.ge [sflag:s15], $0x1400  }
0x1b: {  	[sflag:s15] =	ssyncset.done $0x0  }
0x1c: {  	[sflag:s15] =	ssyncadd.s32 $0xFFFFEC00  }
0x1d: {  	_ =	swait.ge [sflag:s16], $0x2710  }
0x1e: {  	[sflag:s16] =	ssyncset.done $0x0  }
0x1f: {  	[sflag:s16] =	ssyncadd.s32 $0xFFFFD8F0  }
0x20: {  	_ =	swait.ge [sflag:s16], $0x2710  }
0x21: {  	[sflag:s16] =	ssyncset.done $0x0  }
0x22: {  	[sflag:s16] =	ssyncadd.s32 $0xFFFFD8F0  }
0x23: {  	_ =	swait.ge [sflag:s16], $0x2710  }
0x24: {  	[sflag:s16] =	ssyncset.done $0x0  }
0x25: {  	[sflag:s16] =	ssyncadd.s32 $0xFFFFD8F0  }
0x26: {  	[bflag:$0x0] =	sbarrier.arrive $0xFFFF  }
0x27: {  	[tilespmem:s18], [sflag:$0x2] =	stream.indirect.gather [hbm4b:s1+s17], $0x40, s4, s17, $0xb8;
	[tilespmem:$0x13970] =	vst v63  }
0x28: {  	_ = 	snop  }
0x29: {  	[tilespmem:s19], [sflag:$0x3] =	stream.indirect.gather [hbm4b:s1+s17], $0x40, s17, s17, $0xb8;
	[tilespmem:$0x13970] =	vst v63  }
0x2a: {  	_ =	swait.ge [sflag:s20], $0xA00  }
0x2b: {  	s31 =	sand.u32 $0x30, s4;
	[sflag:s20] =	ssyncset.done $0x0  }
0x2c: {  	s0 =	smin.u32 s31, $0x18;
	[sflag:s20] =	ssyncadd.s32 $0xFFFFF600  }
0x2d: {  	v0 =	vld [tilespmem:s0+$0x4E20]  }
0x2e: {  	s13 =	simm.s32 $0x7550  }
0x2f: {  	v1 =	vld [tilespmem:s13+$0xFFFFFFE0]  }
0x30: {  	s0 =	ssub.s32 $0x0, s0  }
0x31: {  	v2 =	vmov s0  }
0x32: {  	v0 =	vperm.xlane v0, v2;
	_ =	sdelay $0x1  }
0x33: {  	v1 =	vmul.f32 v1, v0  }
0x34: {  	s0 =	simm.s32 $0x8950  }
0x35: {  	[tilespmem:s0+$0xFFFFFFE0] =	vst v1  }
0x36: {  	v1 =	vld [tilespmem:s13+$0xFFFFFFF0];
	_ =	sdelay $0x4  }
0x37: {  	v1 =	vmul.f32 v1, v0;
	_ =	sdelay $0x1  }
0x38: {  	[tilespmem:s0+$0xFFFFFFF0] =	vst v1  }
0x39: {  	v1 =	vld [tilespmem:s13+$0x0];
	_ =	sdelay $0x4  }
0x3a: {  	v1 =	vmul.f32 v1, v0;
	_ =	sdelay $0x1  }
0x3b: {  	[tilespmem:s0+$0x0] =	vst v1  }
0x3c: {  	v1 =	vld [tilespmem:s13+$0x10];
	_ =	sdelay $0x4  }
0x3d: {  	s21 =	simm.s32 $0x1;
	v0 =	vmul.f32 v1, v0  }
0x3e: {  	s12 =	simm.s32 $0x2;
	s24 =	sand.u32 $0x30, s21  }
.LBB2_2:
0x3f: {  	p0 =	sne.s32 s12, $0x27;
	s5 =	smin.u32 s24, $0x18;
	[tilespmem:s0+$0x10] =	vst v0  }
0x40: {  	s13 =	sadd.s32 $0x40, s13;
	v0 =	vld [tilespmem:s5+$0x4E20]  }
0x41: {  	v1 =	vld [tilespmem:s13+$0xFFFFFFE0];
	_ =	sdelay $0x1  }
0x42: {  	s5 =	ssub.s32 s21, s5;
	s21 =	smov.u32 s12  }
0x43: {  	v2 =	vmov s5  }
0x44: {  	v0 =	vperm.xlane v0, v2;
	_ =	sdelay $0x1  }
0x45: {  	v1 =	vmul.f32 v1, v0  }
0x46: {  	s0 =	sadd.s32 $0x40, s0  }
0x47: {  	[tilespmem:s0+$0xFFFFFFE0] =	vst v1  }
0x48: {  	v1 =	vld [tilespmem:s13+$0xFFFFFFF0];
	_ =	sdelay $0x4  }
0x49: {  	v1 =	vmul.f32 v1, v0;
	_ =	sdelay $0x1  }
0x4a: {  	[tilespmem:s0+$0xFFFFFFF0] =	vst v1  }
0x4b: {  	v1 =	vld [tilespmem:s13+$0x0];
	_ =	sdelay $0x4  }
0x4c: {  	v1 =	vmul.f32 v1, v0;
	_ =	sdelay $0x1  }
0x4d: {  	[tilespmem:s0+$0x0] =	vst v1  }
0x4e: {  	v1 =	vld [tilespmem:s13+$0x10];
	_ =	sdelay $0x1  }
.Ltmp0:
0x4f: {  	(pc) =	sbr.rel @p0 .LBB2_2-.Ltmp0, $3  }
0x50: {  	_ =	sdelay $0x1  }
0x51: {  	v0 =	vmul.f32 v1, v0  }
0x52: {  	s12 =	sadd.s32 $0x1, s12;
	s24 =	sand.u32 $0x30, s21  }
0x53: {  	s5 =	smin.u32 s24, $0x18;
	[tilespmem:s0+$0x10] =	vst v0  }
0x54: {  	v0 =	vld [tilespmem:s5+$0x4E20]  }
0x55: {  	s12 =	sadd.s32 $0x40, s13  }
0x56: {  	v1 =	vld [tilespmem:s12+$0xFFFFFFE0]  }
0x57: {  	s5 =	ssub.s32 s21, s5  }
0x58: {  	v2 =	vmov s5  }
0x59: {  	v0 =	vperm.xlane v0, v2;
	_ =	sdelay $0x1  }
0x5a: {  	v1 =	vmul.f32 v1, v0  }
0x5b: {  	s24 =	sadd.s32 $0x40, s0  }
0x5c: {  	[tilespmem:s24+$0xFFFFFFE0] =	vst v1  }
0x5d: {  	v1 =	vld [tilespmem:s12+$0xFFFFFFF0];
	_ =	sdelay $0x4  }
0x5e: {  	v1 =	vmul.f32 v1, v0;
	_ =	sdelay $0x1  }
0x5f: {  	[tilespmem:s24+$0xFFFFFFF0] =	vst v1  }
0x60: {  	v1 =	vld [tilespmem:s12+$0x0];
	_ =	sdelay $0x4  }
0x61: {  	v1 =	vmul.f32 v1, v0;
	_ =	sdelay $0x1  }
0x62: {  	[tilespmem:s24+$0x0] =	vst v1  }
0x63: {  	v1 =	vld [tilespmem:s12+$0x10];
	_ =	sdelay $0x4  }
0x64: {  	v0 =	vmul.f32 v1, v0;
	_ =	sdelay $0x1  }
0x65: {  	s30 =	simm.s32 $0x50;
	[tilespmem:s24+$0x10] =	vst v0  }
0x66: {  	[tilespmem:s18], [sflag:$0x2] =	stream.indirect.gather [hbm4b:s1+s17], $0x40, s30, s17, $0xb8;
	[tilespmem:$0x13970] =	vst v63  }
0x67: {  	_ = 	snop  }
0x68: {  	[spmem:s3] =	stream.indirect.scatter.add.f32 [tilespmem:s22], [sflag:$0x4], $0x40, s25, s17, $0xb8;
	[tilespmem:$0x13970] =	vst v63  }
0x69: {  	s31 =	simm.s32 $0x0;
	_ =	swait.ge [sflag:s23], $0xA00  }
0x6a: {  	s0 =	sand.u32 $0x30, s31;
	[sflag:s23] =	ssyncset.done $0x0  }
0x6b: {  	s0 =	smin.u32 s0, $0x18;
	[sflag:s23] =	ssyncadd.s32 $0xFFFFF600  }
0x6c: {  	v0 =	vld [tilespmem:s0+$0x4E48]  }
0x6d: {  	s13 =	simm.s32 $0x7F50  }
0x6e: {  	v1 =	vld [tilespmem:s13+$0xFFFFFFE0]  }
0x6f: {  	s0 =	ssub.s32 $0x0, s0  }
0x70: {  	v2 =	vmov s0  }
0x71: {  	v0 =	vperm.xlane v0, v2;
	_ =	sdelay $0x1  }
0x72: {  	v1 =	vmul.f32 v1, v0  }
0x73: {  	s0 =	simm.s32 $0x9350  }
0x74: {  	[tilespmem:s0+$0xFFFFFFE0] =	vst v1  }
0x75: {  	v1 =	vld [tilespmem:s13+$0xFFFFFFF0];
	_ =	sdelay $0x4  }
0x76: {  	v1 =	vmul.f32 v1, v0;
	_ =	sdelay $0x1  }
0x77: {  	[tilespmem:s0+$0xFFFFFFF0] =	vst v1  }
0x78: {  	v1 =	vld [tilespmem:s13+$0x0];
	_ =	sdelay $0x4  }
0x79: {  	v1 =	vmul.f32 v1, v0;
	_ =	sdelay $0x1  }
0x7a: {  	[tilespmem:s0+$0x0] =	vst v1  }
0x7b: {  	v1 =	vld [tilespmem:s13+$0x10];
	_ =	sdelay $0x4  }
0x7c: {  	s21 =	simm.s32 $0x1;
	v0 =	vmul.f32 v1, v0  }
0x7d: {  	s12 =	simm.s32 $0x2;
	s24 =	sand.u32 $0x30, s21  }
.LBB2_4:
0x7e: {  	p0 =	sne.s32 s12, $0x27;
	s5 =	smin.u32 s24, $0x18;
	[tilespmem:s0+$0x10] =	vst v0  }
0x7f: {  	s13 =	sadd.s32 $0x40, s13;
	v0 =	vld [tilespmem:s5+$0x4E48]  }
0x80: {  	v1 =	vld [tilespmem:s13+$0xFFFFFFE0];
	_ =	sdelay $0x1  }
0x81: {  	s5 =	ssub.s32 s21, s5;
	s21 =	smov.u32 s12  }
0x82: {  	v2 =	vmov s5  }
0x83: {  	v0 =	vperm.xlane v0, v2;
	_ =	sdelay $0x1  }
0x84: {  	v1 =	vmul.f32 v1, v0  }
0x85: {  	s0 =	sadd.s32 $0x40, s0  }
0x86: {  	[tilespmem:s0+$0xFFFFFFE0] =	vst v1  }
0x87: {  	v1 =	vld [tilespmem:s13+$0xFFFFFFF0];
	_ =	sdelay $0x4  }
0x88: {  	v1 =	vmul.f32 v1, v0;
	_ =	sdelay $0x1  }
0x89: {  	[tilespmem:s0+$0xFFFFFFF0] =	vst v1  }
0x8a: {  	v1 =	vld [tilespmem:s13+$0x0];
	_ =	sdelay $0x4  }
0x8b: {  	v1 =	vmul.f32 v1, v0;
	_ =	sdelay $0x1  }
0x8c: {  	[tilespmem:s0+$0x0] =	vst v1  }
0x8d: {  	v1 =	vld [tilespmem:s13+$0x10];
	_ =	sdelay $0x1  }
.Ltmp1:
0x8e: {  	(pc) =	sbr.rel @p0 .LBB2_4-.Ltmp1, $3  }
0x8f: {  	_ =	sdelay $0x1  }
0x90: {  	v0 =	vmul.f32 v1, v0  }
0x91: {  	s12 =	sadd.s32 $0x1, s12;
	s24 =	sand.u32 $0x30, s21  }
0x92: {  	s5 =	smin.u32 s24, $0x18;
	[tilespmem:s0+$0x10] =	vst v0  }
0x93: {  	v0 =	vld [tilespmem:s5+$0x4E48]  }
0x94: {  	s12 =	sadd.s32 $0x40, s13  }
0x95: {  	v1 =	vld [tilespmem:s12+$0xFFFFFFE0]  }
0x96: {  	s5 =	ssub.s32 s21, s5  }
0x97: {  	v2 =	vmov s5  }
0x98: {  	v0 =	vperm.xlane v0, v2;
	_ =	sdelay $0x1  }
0x99: {  	v1 =	vmul.f32 v1, v0  }
0x9a: {  	s25 =	sadd.s32 $0x40, s0  }
0x9b: {  	[tilespmem:s25+$0xFFFFFFE0] =	vst v1  }
0x9c: {  	v1 =	vld [tilespmem:s12+$0xFFFFFFF0];
	_ =	sdelay $0x4  }
0x9d: {  	v1 =	vmul.f32 v1, v0;
	_ =	sdelay $0x1  }
0x9e: {  	[tilespmem:s25+$0xFFFFFFF0] =	vst v1  }
0x9f: {  	v1 =	vld [tilespmem:s12+$0x0];
	_ =	sdelay $0x4  }
0xa0: {  	v1 =	vmul.f32 v1, v0;
	_ =	sdelay $0x1  }
0xa1: {  	[tilespmem:s25+$0x0] =	vst v1  }
0xa2: {  	v1 =	vld [tilespmem:s12+$0x10];
	_ =	sdelay $0x4  }
0xa3: {  	v0 =	vmul.f32 v1, v0;
	_ =	sdelay $0x1  }
0xa4: {  	s30 =	simm.s32 $0x78;
	[tilespmem:s25+$0x10] =	vst v0  }
0xa5: {  	[tilespmem:s19], [sflag:$0x3] =	stream.indirect.gather [hbm4b:s1+s17], $0x40, s30, s17, $0xb8;
	[tilespmem:$0x13970] =	vst v63  }
0xa6: {  	s31 =	simm.s32 $0x2738;
	s0 =	simm.s32 $0x0;
	s13 =	simm.s32 $0x0  }
0xa7: {  	[spmem:s3] =	stream.indirect.scatter.add.f32 [tilespmem:s26], [sflag:$0x5], $0x40, s31, s17, $0xb8;
	[tilespmem:$0x13970] =	vst v63  }
.LBB2_6:
0xa8: {  	s24 =	smul.u32 $0x140, s13;
	_ =	sdelay $0x1  }
0xa9: {  	s5 =	sadd.s32 $0x140, s24  }
0xaa: {  	s25 =	sshra.s32 s5, $0x2  }
0xab: {  	_ =	swait.ge [sflag:s20], $0xA00;
	s5 =	sadd.s32 $0x4E20, s25  }
0xac: {  	[sflag:s20] =	ssyncset.done $0x0;
	v0 =	vmov s5  }
0xad: {  	[sflag:s20] =	ssyncadd.s32 $0xFFFFF600  }
0xae: {  	_ =	swait.ge [sflag:s28], $0xA00  }
0xaf: {  	s21 =	sand.u32 $0x30, s0;
	[sflag:s28] =	ssyncset.done $0x0  }
0xb0: {  	[sflag:s28] =	ssyncadd.s32 $0xFFFFF600;
	s5 =	smin.u32 s21, $0x18  }
0xb1: {  	v1 =	vld.idx.msk [tilespmem:v0+s5+$0x0 ss:$0x1], $0xffff  }
0xb2: {  	s30 =	simm.s32 $0x7550  }
0xb3: {  	v2 =	vld [tilespmem:s30+$0xFFFFFFE0]  }
0xb4: {  	s5 =	ssub.s32 $0x0, s5  }
0xb5: {  	v3 =	vmov s5  }
0xb6: {  	v1 =	vperm.xlane v1, v3;
	_ =	sdelay $0x1  }
0xb7: {  	v2 =	vmul.f32 v2, v1  }
0xb8: {  	s21 =	simm.s32 $0x8950  }
0xb9: {  	[tilespmem:s21+$0xFFFFFFE0] =	vst v2  }
0xba: {  	v2 =	vld [tilespmem:s30+$0xFFFFFFF0];
	_ =	sdelay $0x4  }
0xbb: {  	v2 =	vmul.f32 v2, v1;
	_ =	sdelay $0x1  }
0xbc: {  	[tilespmem:s21+$0xFFFFFFF0] =	vst v2  }
0xbd: {  	v2 =	vld [tilespmem:s30+$0x0];
	_ =	sdelay $0x4  }
0xbe: {  	v2 =	vmul.f32 v2, v1;
	_ =	sdelay $0x1  }
0xbf: {  	[tilespmem:s21+$0x0] =	vst v2  }
0xc0: {  	v2 =	vld [tilespmem:s30+$0x10];
	_ =	sdelay $0x4  }
0xc1: {  	s31 =	simm.s32 $0x1;
	v1 =	vmul.f32 v2, v1  }
0xc2: {  	s12 =	simm.s32 $0x2;
	s5 =	sand.u32 $0x30, s31  }
.LBB2_7:
0xc3: {  	p0 =	sne.s32 s12, $0x27;
	s5 =	smin.u32 s5, $0x18;
	[tilespmem:s21+$0x10] =	vst v1  }
0xc4: {  	s30 =	sadd.s32 $0x40, s30;
	v1 =	vld.idx.msk [tilespmem:v0+s5+$0x0 ss:$0x1], $0xffff  }
0xc5: {  	v2 =	vld [tilespmem:s30+$0xFFFFFFE0];
	_ =	sdelay $0x2  }
0xc6: {  	s5 =	ssub.s32 s31, s5;
	s31 =	smov.u32 s12  }
0xc7: {  	v3 =	vmov s5  }
0xc8: {  	v1 =	vperm.xlane v1, v3;
	_ =	sdelay $0x1  }
0xc9: {  	v2 =	vmul.f32 v2, v1  }
0xca: {  	s21 =	sadd.s32 $0x40, s21  }
0xcb: {  	[tilespmem:s21+$0xFFFFFFE0] =	vst v2  }
0xcc: {  	v2 =	vld [tilespmem:s30+$0xFFFFFFF0];
	_ =	sdelay $0x4  }
0xcd: {  	v2 =	vmul.f32 v2, v1;
	_ =	sdelay $0x1  }
0xce: {  	[tilespmem:s21+$0xFFFFFFF0] =	vst v2  }
0xcf: {  	v2 =	vld [tilespmem:s30+$0x0];
	_ =	sdelay $0x4  }
0xd0: {  	v2 =	vmul.f32 v2, v1;
	_ =	sdelay $0x1  }
0xd1: {  	[tilespmem:s21+$0x0] =	vst v2  }
0xd2: {  	v2 =	vld [tilespmem:s30+$0x10];
	_ =	sdelay $0x1  }
.Ltmp2:
0xd3: {  	(pc) =	sbr.rel @p0 .LBB2_7-.Ltmp2, $3  }
0xd4: {  	_ =	sdelay $0x1  }
0xd5: {  	v1 =	vmul.f32 v2, v1  }
0xd6: {  	s12 =	sadd.s32 $0x1, s12;
	s5 =	sand.u32 $0x30, s31  }
0xd7: {  	_ =	sdelay $0x2  }
0xd8: {  	s5 =	smin.u32 s5, $0x18;
	[tilespmem:s21+$0x10] =	vst v1  }
0xd9: {  	v0 =	vld.idx.msk [tilespmem:v0+s5+$0x0 ss:$0x1], $0xffff  }
0xda: {  	s12 =	sadd.s32 $0x40, s30  }
0xdb: {  	v1 =	vld [tilespmem:s12+$0xFFFFFFE0]  }
0xdc: {  	s5 =	ssub.s32 s31, s5  }
0xdd: {  	v2 =	vmov s5  }
0xde: {  	v0 =	vperm.xlane v0, v2;
	_ =	sdelay $0x1  }
0xdf: {  	v1 =	vmul.f32 v1, v0  }
0xe0: {  	s5 =	sadd.s32 $0x40, s21  }
0xe1: {  	[tilespmem:s5+$0xFFFFFFE0] =	vst v1  }
0xe2: {  	v1 =	vld [tilespmem:s12+$0xFFFFFFF0];
	_ =	sdelay $0x4  }
0xe3: {  	v1 =	vmul.f32 v1, v0;
	_ =	sdelay $0x1  }
0xe4: {  	[tilespmem:s5+$0xFFFFFFF0] =	vst v1  }
0xe5: {  	v1 =	vld [tilespmem:s12+$0x0];
	_ =	sdelay $0x4  }
0xe6: {  	v1 =	vmul.f32 v1, v0;
	_ =	sdelay $0x1  }
0xe7: {  	[tilespmem:s5+$0x0] =	vst v1  }
0xe8: {  	v1 =	vld [tilespmem:s12+$0x10];
	_ =	sdelay $0x4  }
0xe9: {  	v0 =	vmul.f32 v1, v0  }
0xea: {  	s21 =	sshra.s32 s24, $0x2  }
0xeb: {  	s24 =	sadd.s32 $0x1E0, s24;
	s12 =	sadd.s32 $0xA0, s21;
	[tilespmem:s5+$0x10] =	vst v0  }
0xec: {  	[tilespmem:s18], [sflag:$0x2] =	stream.indirect.gather [hbm4b:s1+s17], $0x40, s12, s17, $0xb8;
	[tilespmem:$0x13970] =	vst v63  }
0xed: {  	s24 =	sshra.s32 s24, $0x2;
	s12 =	sadd.s32 $0x2710, s25  }
0xee: {  	[spmem:s3] =	stream.indirect.scatter.add.f32 [tilespmem:s22], [sflag:$0x4], $0x40, s12, s17, $0xb8;
	[tilespmem:$0x13970] =	vst v63  }
0xef: {  	s5 =	sadd.s32 $0x4E20, s24;
	_ =	swait.ge [sflag:s23], $0xA00  }
0xf0: {  	v0 =	vmov s5;
	[sflag:s23] =	ssyncset.done $0x0  }
0xf1: {  	[sflag:s23] =	ssyncadd.s32 $0xFFFFF600  }
0xf2: {  	s25 =	simm.s32 $0x0;
	_ =	swait.ge [sflag:s29], $0xA00  }
0xf3: {  	s5 =	sand.u32 $0x30, s25;
	[sflag:s29] =	ssyncset.done $0x0  }
0xf4: {  	s5 =	smin.u32 s5, $0x18;
	[sflag:s29] =	ssyncadd.s32 $0xFFFFF600  }
0xf5: {  	v1 =	vld.idx.msk [tilespmem:v0+s5+$0x0 ss:$0x1], $0xffff  }
0xf6: {  	s30 =	simm.s32 $0x7F50  }
0xf7: {  	v2 =	vld [tilespmem:s30+$0xFFFFFFE0]  }
0xf8: {  	s5 =	ssub.s32 $0x0, s5  }
0xf9: {  	v3 =	vmov s5  }
0xfa: {  	v1 =	vperm.xlane v1, v3;
	_ =	sdelay $0x1  }
0xfb: {  	v2 =	vmul.f32 v2, v1  }
0xfc: {  	s25 =	simm.s32 $0x9350  }
0xfd: {  	[tilespmem:s25+$0xFFFFFFE0] =	vst v2  }
0xfe: {  	v2 =	vld [tilespmem:s30+$0xFFFFFFF0];
	_ =	sdelay $0x4  }
0xff: {  	v2 =	vmul.f32 v2, v1;
	_ =	sdelay $0x1  }
0x100: {  	[tilespmem:s25+$0xFFFFFFF0] =	vst v2  }
0x101: {  	v2 =	vld [tilespmem:s30+$0x0];
	_ =	sdelay $0x4  }
0x102: {  	v2 =	vmul.f32 v2, v1;
	_ =	sdelay $0x1  }
0x103: {  	[tilespmem:s25+$0x0] =	vst v2  }
0x104: {  	v2 =	vld [tilespmem:s30+$0x10];
	_ =	sdelay $0x4  }
0x105: {  	s31 =	simm.s32 $0x1;
	v1 =	vmul.f32 v2, v1  }
0x106: {  	s12 =	simm.s32 $0x2;
	s5 =	sand.u32 $0x30, s31  }
.LBB2_9:
0x107: {  	p0 =	sne.s32 s12, $0x27;
	s5 =	smin.u32 s5, $0x18;
	[tilespmem:s25+$0x10] =	vst v1  }
0x108: {  	s30 =	sadd.s32 $0x40, s30;
	v1 =	vld.idx.msk [tilespmem:v0+s5+$0x0 ss:$0x1], $0xffff  }
0x109: {  	v2 =	vld [tilespmem:s30+$0xFFFFFFE0];
	_ =	sdelay $0x2  }
0x10a: {  	s5 =	ssub.s32 s31, s5;
	s31 =	smov.u32 s12  }
0x10b: {  	v3 =	vmov s5  }
0x10c: {  	v1 =	vperm.xlane v1, v3;
	_ =	sdelay $0x1  }
0x10d: {  	v2 =	vmul.f32 v2, v1  }
0x10e: {  	s25 =	sadd.s32 $0x40, s25  }
0x10f: {  	[tilespmem:s25+$0xFFFFFFE0] =	vst v2  }
0x110: {  	v2 =	vld [tilespmem:s30+$0xFFFFFFF0];
	_ =	sdelay $0x4  }
0x111: {  	v2 =	vmul.f32 v2, v1;
	_ =	sdelay $0x1  }
0x112: {  	[tilespmem:s25+$0xFFFFFFF0] =	vst v2  }
0x113: {  	v2 =	vld [tilespmem:s30+$0x0];
	_ =	sdelay $0x4  }
0x114: {  	v2 =	vmul.f32 v2, v1;
	_ =	sdelay $0x1  }
0x115: {  	[tilespmem:s25+$0x0] =	vst v2  }
0x116: {  	v2 =	vld [tilespmem:s30+$0x10];
	_ =	sdelay $0x1  }
.Ltmp3:
0x117: {  	(pc) =	sbr.rel @p0 .LBB2_9-.Ltmp3, $3  }
0x118: {  	_ =	sdelay $0x1  }
0x119: {  	v1 =	vmul.f32 v2, v1  }
0x11a: {  	s12 =	sadd.s32 $0x1, s12;
	s5 =	sand.u32 $0x30, s31  }
0x11b: {  	_ =	sdelay $0x2  }
0x11c: {  	s5 =	smin.u32 s5, $0x18;
	[tilespmem:s25+$0x10] =	vst v1  }
0x11d: {  	v0 =	vld.idx.msk [tilespmem:v0+s5+$0x0 ss:$0x1], $0xffff  }
0x11e: {  	s12 =	sadd.s32 $0x40, s30  }
0x11f: {  	v1 =	vld [tilespmem:s12+$0xFFFFFFE0]  }
0x120: {  	s5 =	ssub.s32 s31, s5  }
0x121: {  	v2 =	vmov s5  }
0x122: {  	v0 =	vperm.xlane v0, v2;
	_ =	sdelay $0x1  }
0x123: {  	v1 =	vmul.f32 v1, v0  }
0x124: {  	s25 =	sadd.s32 $0x40, s25  }
0x125: {  	[tilespmem:s25+$0xFFFFFFE0] =	vst v1  }
0x126: {  	v1 =	vld [tilespmem:s12+$0xFFFFFFF0];
	_ =	sdelay $0x4  }
0x127: {  	v1 =	vmul.f32 v1, v0;
	_ =	sdelay $0x1  }
0x128: {  	[tilespmem:s25+$0xFFFFFFF0] =	vst v1  }
0x129: {  	v1 =	vld [tilespmem:s12+$0x0];
	_ =	sdelay $0x4  }
0x12a: {  	v1 =	vmul.f32 v1, v0;
	_ =	sdelay $0x1  }
0x12b: {  	[tilespmem:s25+$0x0] =	vst v1  }
0x12c: {  	v1 =	vld [tilespmem:s12+$0x10];
	_ =	sdelay $0x3  }
0x12d: {  	s13 =	sadd.s32 $0x1, s13  }
0x12e: {  	p0 =	sne.s32 s13, $0x7B;
	v0 =	vmul.f32 v1, v0  }
.Ltmp4:
0x12f: {  	_ = 	snop;
	(pc) =	sbr.rel @p0 .LBB2_6-.Ltmp4, $4  }
0x130: {  	s30 =	sadd.s32 $0xC8, s21;
	[tilespmem:s25+$0x10] =	vst v0  }
0x131: {  	[tilespmem:s19], [sflag:$0x3] =	stream.indirect.gather [hbm4b:s1+s17], $0x40, s30, s17, $0xb8;
	[tilespmem:$0x13970] =	vst v63  }
0x132: {  	s31 =	sadd.s32 $0x2710, s24  }
0x133: {  	[spmem:s3] =	stream.indirect.scatter.add.f32 [tilespmem:s26], [sflag:$0x5], $0x40, s31, s17, $0xb8;
	[tilespmem:$0x13970] =	vst v63  }
0x134: {  	_ =	swait.ge [sflag:s20], $0xA00  }
0x135: {  	[sflag:s20] =	ssyncset.done $0x0  }
0x136: {  	[sflag:s20] =	ssyncadd.s32 $0xFFFFF600  }
0x137: {  	s0 =	simm.s32 $0x0;
	_ =	swait.ge [sflag:s28], $0xA00  }
0x138: {  	s0 =	sand.u32 $0x30, s0;
	[sflag:s28] =	ssyncset.done $0x0  }
0x139: {  	s0 =	smin.u32 s0, $0x18;
	[sflag:s28] =	ssyncadd.s32 $0xFFFFF600  }
0x13a: {  	v0 =	vld [tilespmem:s0+$0x74E0]  }
0x13b: {  	s13 =	simm.s32 $0x7550  }
0x13c: {  	v1 =	vld [tilespmem:s13+$0xFFFFFFE0]  }
0x13d: {  	s0 =	ssub.s32 $0x0, s0  }
0x13e: {  	v2 =	vmov s0  }
0x13f: {  	v0 =	vperm.xlane v0, v2;
	_ =	sdelay $0x1  }
0x140: {  	v1 =	vmul.f32 v1, v0  }
0x141: {  	s0 =	simm.s32 $0x8950  }
0x142: {  	[tilespmem:s0+$0xFFFFFFE0] =	vst v1  }
0x143: {  	v1 =	vld [tilespmem:s13+$0xFFFFFFF0];
	_ =	sdelay $0x4  }
0x144: {  	v1 =	vmul.f32 v1, v0;
	_ =	sdelay $0x1  }
0x145: {  	[tilespmem:s0+$0xFFFFFFF0] =	vst v1  }
0x146: {  	v1 =	vld [tilespmem:s13+$0x0];
	_ =	sdelay $0x4  }
0x147: {  	v1 =	vmul.f32 v1, v0;
	_ =	sdelay $0x1  }
0x148: {  	[tilespmem:s0+$0x0] =	vst v1  }
0x149: {  	v1 =	vld [tilespmem:s13+$0x10];
	_ =	sdelay $0x4  }
0x14a: {  	s21 =	simm.s32 $0x1;
	v0 =	vmul.f32 v1, v0  }
0x14b: {  	s12 =	simm.s32 $0x2;
	s5 =	sand.u32 $0x30, s21  }
.LBB2_12:
0x14c: {  	p0 =	sne.s32 s12, $0x27;
	s5 =	smin.u32 s5, $0x18;
	[tilespmem:s0+$0x10] =	vst v0  }
0x14d: {  	s13 =	sadd.s32 $0x40, s13;
	v0 =	vld [tilespmem:s5+$0x74E0]  }
0x14e: {  	v1 =	vld [tilespmem:s13+$0xFFFFFFE0];
	_ =	sdelay $0x1  }
0x14f: {  	s5 =	ssub.s32 s21, s5;
	s21 =	smov.u32 s12  }
0x150: {  	v2 =	vmov s5  }
0x151: {  	v0 =	vperm.xlane v0, v2;
	_ =	sdelay $0x1  }
0x152: {  	v1 =	vmul.f32 v1, v0  }
0x153: {  	s0 =	sadd.s32 $0x40, s0  }
0x154: {  	[tilespmem:s0+$0xFFFFFFE0] =	vst v1  }
0x155: {  	v1 =	vld [tilespmem:s13+$0xFFFFFFF0];
	_ =	sdelay $0x4  }
0x156: {  	v1 =	vmul.f32 v1, v0;
	_ =	sdelay $0x1  }
0x157: {  	[tilespmem:s0+$0xFFFFFFF0] =	vst v1  }
0x158: {  	v1 =	vld [tilespmem:s13+$0x0];
	_ =	sdelay $0x4  }
0x159: {  	v1 =	vmul.f32 v1, v0;
	_ =	sdelay $0x1  }
0x15a: {  	[tilespmem:s0+$0x0] =	vst v1  }
0x15b: {  	v1 =	vld [tilespmem:s13+$0x10];
	_ =	sdelay $0x1  }
.Ltmp5:
0x15c: {  	(pc) =	sbr.rel @p0 .LBB2_12-.Ltmp5, $3  }
0x15d: {  	_ =	sdelay $0x1  }
0x15e: {  	v0 =	vmul.f32 v1, v0  }
0x15f: {  	s12 =	sadd.s32 $0x1, s12;
	s5 =	sand.u32 $0x30, s21  }
0x160: {  	s5 =	smin.u32 s5, $0x18;
	[tilespmem:s0+$0x10] =	vst v0  }
0x161: {  	v0 =	vld [tilespmem:s5+$0x74E0]  }
0x162: {  	s12 =	sadd.s32 $0x40, s13  }
0x163: {  	v1 =	vld [tilespmem:s12+$0xFFFFFFE0]  }
0x164: {  	s5 =	ssub.s32 s21, s5  }
0x165: {  	v2 =	vmov s5  }
0x166: {  	v0 =	vperm.xlane v0, v2;
	_ =	sdelay $0x1  }
0x167: {  	v1 =	vmul.f32 v1, v0  }
0x168: {  	s25 =	sadd.s32 $0x40, s0  }
0x169: {  	[tilespmem:s25+$0xFFFFFFE0] =	vst v1  }
0x16a: {  	v1 =	vld [tilespmem:s12+$0xFFFFFFF0];
	_ =	sdelay $0x4  }
0x16b: {  	v1 =	vmul.f32 v1, v0;
	_ =	sdelay $0x1  }
0x16c: {  	[tilespmem:s25+$0xFFFFFFF0] =	vst v1  }
0x16d: {  	v1 =	vld [tilespmem:s12+$0x0];
	_ =	sdelay $0x4  }
0x16e: {  	v1 =	vmul.f32 v1, v0;
	_ =	sdelay $0x1  }
0x16f: {  	[tilespmem:s25+$0x0] =	vst v1  }
0x170: {  	v1 =	vld [tilespmem:s12+$0x10];
	_ =	sdelay $0x4  }
0x171: {  	v0 =	vmul.f32 v1, v0;
	_ =	sdelay $0x1  }
0x172: {  	s30 =	simm.s32 $0x4DD0;
	[tilespmem:s25+$0x10] =	vst v0  }
0x173: {  	[spmem:s3] =	stream.indirect.scatter.add.f32 [tilespmem:s22], [sflag:$0x4], $0x40, s30, s17, $0xb8;
	[tilespmem:$0x13970] =	vst v63  }
0x174: {  	_ =	swait.ge [sflag:s23], $0xA00  }
0x175: {  	[sflag:s23] =	ssyncset.done $0x0  }
0x176: {  	[sflag:s23] =	ssyncadd.s32 $0xFFFFF600  }
0x177: {  	s31 =	simm.s32 $0x0;
	_ =	swait.ge [sflag:s29], $0xA00  }
0x178: {  	s0 =	sand.u32 $0x30, s31;
	[sflag:s29] =	ssyncset.done $0x0  }
0x179: {  	s0 =	smin.u32 s0, $0x18;
	[sflag:s29] =	ssyncadd.s32 $0xFFFFF600  }
0x17a: {  	v0 =	vld [tilespmem:s0+$0x7508]  }
0x17b: {  	s13 =	simm.s32 $0x7F50  }
0x17c: {  	v1 =	vld [tilespmem:s13+$0xFFFFFFE0]  }
0x17d: {  	s0 =	ssub.s32 $0x0, s0  }
0x17e: {  	v2 =	vmov s0  }
0x17f: {  	v0 =	vperm.xlane v0, v2;
	_ =	sdelay $0x1  }
0x180: {  	v1 =	vmul.f32 v1, v0  }
0x181: {  	s0 =	simm.s32 $0x9350  }
0x182: {  	[tilespmem:s0+$0xFFFFFFE0] =	vst v1  }
0x183: {  	v1 =	vld [tilespmem:s13+$0xFFFFFFF0];
	_ =	sdelay $0x4  }
0x184: {  	v1 =	vmul.f32 v1, v0;
	_ =	sdelay $0x1  }
0x185: {  	[tilespmem:s0+$0xFFFFFFF0] =	vst v1  }
0x186: {  	v1 =	vld [tilespmem:s13+$0x0];
	_ =	sdelay $0x4  }
0x187: {  	v1 =	vmul.f32 v1, v0;
	_ =	sdelay $0x1  }
0x188: {  	[tilespmem:s0+$0x0] =	vst v1  }
0x189: {  	v1 =	vld [tilespmem:s13+$0x10];
	_ =	sdelay $0x4  }
0x18a: {  	s21 =	simm.s32 $0x1;
	v0 =	vmul.f32 v1, v0  }
0x18b: {  	s5 =	sand.u32 $0x30, s21;
	s12 =	simm.s32 $0x2;
	s25 =	simm.s32 $0x2710  }
.LBB2_14:
0x18c: {  	p0 =	sne.s32 s12, $0x27;
	s5 =	smin.u32 s5, $0x18;
	[tilespmem:s0+$0x10] =	vst v0  }
0x18d: {  	s13 =	sadd.s32 $0x40, s13;
	v0 =	vld [tilespmem:s5+$0x7508]  }
0x18e: {  	v1 =	vld [tilespmem:s13+$0xFFFFFFE0];
	_ =	sdelay $0x1  }
0x18f: {  	s5 =	ssub.s32 s21, s5;
	s21 =	smov.u32 s12  }
0x190: {  	v2 =	vmov s5  }
0x191: {  	v0 =	vperm.xlane v0, v2;
	_ =	sdelay $0x1  }
0x192: {  	v1 =	vmul.f32 v1, v0  }
0x193: {  	s0 =	sadd.s32 $0x40, s0  }
0x194: {  	[tilespmem:s0+$0xFFFFFFE0] =	vst v1  }
0x195: {  	v1 =	vld [tilespmem:s13+$0xFFFFFFF0];
	_ =	sdelay $0x4  }
0x196: {  	v1 =	vmul.f32 v1, v0;
	_ =	sdelay $0x1  }
0x197: {  	[tilespmem:s0+$0xFFFFFFF0] =	vst v1  }
0x198: {  	v1 =	vld [tilespmem:s13+$0x0];
	_ =	sdelay $0x4  }
0x199: {  	v1 =	vmul.f32 v1, v0;
	_ =	sdelay $0x1  }
0x19a: {  	[tilespmem:s0+$0x0] =	vst v1  }
0x19b: {  	v1 =	vld [tilespmem:s13+$0x10];
	_ =	sdelay $0x1  }
.Ltmp6:
0x19c: {  	(pc) =	sbr.rel @p0 .LBB2_14-.Ltmp6, $3  }
0x19d: {  	_ =	sdelay $0x1  }
0x19e: {  	v0 =	vmul.f32 v1, v0  }
0x19f: {  	s12 =	sadd.s32 $0x1, s12;
	s5 =	sand.u32 $0x30, s21  }
0x1a0: {  	s5 =	smin.u32 s5, $0x18;
	[tilespmem:s0+$0x10] =	vst v0  }
0x1a1: {  	v0 =	vld [tilespmem:s5+$0x7508]  }
0x1a2: {  	s12 =	sadd.s32 $0x40, s13  }
0x1a3: {  	v1 =	vld [tilespmem:s12+$0xFFFFFFE0]  }
0x1a4: {  	s5 =	ssub.s32 s21, s5  }
0x1a5: {  	v2 =	vmov s5  }
0x1a6: {  	v0 =	vperm.xlane v0, v2;
	_ =	sdelay $0x1  }
0x1a7: {  	v1 =	vmul.f32 v1, v0  }
0x1a8: {  	s30 =	sadd.s32 $0x40, s0  }
0x1a9: {  	[tilespmem:s30+$0xFFFFFFE0] =	vst v1  }
0x1aa: {  	v1 =	vld [tilespmem:s12+$0xFFFFFFF0];
	_ =	sdelay $0x4  }
0x1ab: {  	v1 =	vmul.f32 v1, v0;
	_ =	sdelay $0x1  }
0x1ac: {  	[tilespmem:s30+$0xFFFFFFF0] =	vst v1  }
0x1ad: {  	v1 =	vld [tilespmem:s12+$0x0];
	_ =	sdelay $0x4  }
0x1ae: {  	v1 =	vmul.f32 v1, v0;
	_ =	sdelay $0x1  }
0x1af: {  	[tilespmem:s30+$0x0] =	vst v1  }
0x1b0: {  	v1 =	vld [tilespmem:s12+$0x10];
	_ =	sdelay $0x4  }
0x1b1: {  	v0 =	vmul.f32 v1, v0;
	_ =	sdelay $0x1  }
0x1b2: {  	s31 =	simm.s32 $0x4DF8;
	[tilespmem:s30+$0x10] =	vst v0  }
0x1b3: {  	[spmem:s3] =	stream.indirect.scatter.add.f32 [tilespmem:s26], [sflag:$0x5], $0x40, s31, s17, $0xb8;
	[tilespmem:$0x13970] =	vst v63  }
0x1b4: {  	_ =	swait.ge [sflag:s28], $0xA00  }
0x1b5: {  	[sflag:s28] =	ssyncset.done $0x0  }
0x1b6: {  	[sflag:s28] =	ssyncadd.s32 $0xFFFFF600  }
0x1b7: {  	_ =	swait.ge [sflag:s29], $0xA00  }
0x1b8: {  	s2 =	sadd.s32 $0x1, s2;
	[sflag:s29] =	ssyncset.done $0x0  }
0x1b9: {  	p0 =	sne.s32 s2, s11;
	[sflag:s29] =	ssyncadd.s32 $0xFFFFF600  }
.Ltmp7:
0x1ba: {  	[bflag:$0x0] =	sbarrier.arrive $0xFFFF;
	(pc) =	sbr.rel @p0 .LBB2_1-.Ltmp7, $4  }
0x1bb: {  	[hbm:s10], [sflag:s9] =	dma.local [spmem:s14], $0x1400  }
0x1bc: {  	_ =	swait.ge [sflag:s15], $0x1400  }
0x1bd: {  	[sflag:s15] =	ssyncset.done $0x0  }
0x1be: {  	[sflag:s15] =	ssyncadd.s32 $0xFFFFEC00  }
0x1bf: {  	_ =	sfence.sel $0x180000  }
0x1c0: {  	[bflag:$0x0] =	sbarrier.arrive $0xFFFF  }
0x1c1: {  	_ =	strace $0x9000004A  }
0x1c2: {  	s0 =	stileid.u32;
	[bflag:$0x2] =	sbarrier.arrive $0xFFFF  }
0x1c3: {  	p0 =	sne.s32 s0, $0x0;
	s0 =	rddreg [dreg:$0x4]  }
0x1c4: {  	s0 =	sadd.s32 @!p0 $0x100000, s0  }
0x1c5: {  	[sflag:s0] =	ssyncadd.tile.s32 @!p0 $0x1;
	_ =	shalt  }
.Lfunc_end2:
_tile_overlayer_lowered:
.L_overlay_start_2:
0x1c6: {  	(tag) =	ssettag $0x2  }
0x1c7: {  	s0 =	rddreg [dreg:$0x0];
	s2 =	stileid.u32  }
0x1c8: {  	s1 =	rddreg [dreg:$0x1];
	p0 =	sne.s32 s2, $0x0  }
0x1c9: {  	s3 =	rddreg [dreg:$0x2];
	[bflag:$0x3] =	sbarrier.arrive $0xFFFF;
	s2 =	simm.s32 @!p0 $0x1C06  }
0x1ca: {  	[timem:s3], [sflag:s2] =	dma.local @!p0 [hbm:s0], s1  }
0x1cb: {  	s0 =	simm.s32 @!p0 $0x6  }
0x1cc: {  	_ =	swait.ge @!p0 [sflag:s0], s1  }
0x1cd: {  	s1 =	ssub.s32 @!p0 $0x0, s1;
	[sflag:s0] =	ssyncset.done @!p0 $0x0  }
0x1ce: {  	[sflag:s0] =	ssyncadd.s32 @!p0 s1  }
0x1cf: {  	[bflag:$0x3] =	sbarrier.arrive $0xFFFF  }
0x1d0: {  	_ =	shalt  }

// kernel: kernel.7.cloned.1.call-start
scs
__scs_entry_jumppad:
0x0: {  	(pc) =	sbr.rel $0x88, $3  }
0x1: {  	(tag) =	ssettag $0x0;
	lr =	simm.s32 $0x1  }
0x2: {  	[smem:$0x3F9A] =	sst lr;
	_ =	strace $0xD0000000  }
0x3: {  	_ = 	snop  }
0x4: {  	_ = 	snop  }
0x5: {  	_ = 	snop  }
0x6: {  	_ = 	snop  }
0x7: {  	_ = 	snop  }
__scs_overlays_trampoline_lowered:
0x8: {  	[smem:$0x3FA9] =	sst s0  }
0x9: {  	[smem:$0x3FAA] =	sst s1  }
0xa: {  	[smem:$0x3FAB] =	sst s2  }
0xb: {  	[smem:$0x3FAC] =	sst s3  }
0xc: {  	[smem:$0x3FAD] =	sst s4  }
0xd: {  	[smem:$0x3FAE] =	sst s5  }
0xe: {  	[smem:$0x3FAF] =	sst s6  }
0xf: {  	[smem:$0x3FB0] =	sst s7  }
0x10: {  	[smem:$0x3FB1] =	sst s8  }
0x11: {  	[smem:$0x3FB2] =	sst s9;
	s0 =	simm.s32 @!p0 $0x0  }
0x12: {  	s1 =	sld [smem:$0x3F98];
	s0 =	simm.s32 @p0 $0x1  }
0x13: {  	[smem:$0x3FB3] =	sst s0;
	s0 =	simm.s32 @!p1 $0x0  }
0x14: {  	s2 =	sld [smem:$0x3F97];
	s0 =	simm.s32 @p1 $0x1  }
0x15: {  	[smem:$0x3FB4] =	sst s0;
	s0 =	simm.s32 @!p2 $0x0  }
0x16: {  	s3 =	sld [smem:$0x3FDB];
	s0 =	simm.s32 @p2 $0x1  }
0x17: {  	s4 =	simm.s32 $0x1BF5;
	[smem:$0x3FB6] =	sst s0  }
0x18: {  	s0 =	sld [smem:$0x3F99];
	_ =	swait.ge [sflag:s4], $0x0  }
0x19: {  	s7 =	sld [smem:$0x3F9A]  }
0x1a: {  	s8 =	sadd.s32 $0xFFFFE003, lr  }
0x1b: {  	s9 =	sadd.s32 $0xFFFFFEF7, lr;
	s5 =	simm.s32 $0xFFFFFFFF;
	p2 =	slt.u32 s8, $0xFFFFF086  }
0x1c: {  	p1 =	slt.u32 s9, $0xF7A;
	s5 =	simm.s32 @!p2 $0x0  }
0x1d: {  	s5 =	simm.s32 @p1 $0x1;
	p0 =	seq.s32 s7, s2  }
0x1e: {  	s7 =	smul.u32 @!p0 $0xF7A, s2;
	p2 =	seq.s32 @!p0 s5, $0x0  }
0x1f: {  	s9 =	smul.u32 $0xF7A, s1;
	s8 =	simm.s32 @!p0 $0x1BF5;
	p2 =	por !p2, p0  }
0x20: {  	[sflag:s8] =	ssyncset.s32 @!p0 $0xFFFFF086;
	s6 =	sadd.s32 @!p0 s3, s7;
	s7 =	simm.s32 @!p0 $0x108  }
0x21: {  	s3 =	sadd.s32 s3, s9;
	s6 =	sadd.s32 @!p0 $0x88, s6;
	s7 =	simm.s32 @p2 $0x1082  }
0x22: {  	[simem:s7], [sflag:s8] =	dma.local @!p0 [hbm:s6], $0xF7A  }
0x23: {  	s9 =	sor.u32 $0xD0000000, s2;
	s6 =	simm.s32 $0x108;
	_ =	swait.ge @!p0 [sflag:s8], $0x0  }
0x24: {  	s3 =	sadd.s32 $0x88, s3;
	s6 =	simm.s32 @!p1 $0x1082;
	[sflag:s4] =	ssyncset.s32 $0xFFFFF086  }
0x25: {  	[simem:s6], [sflag:s4] =	dma.local [hbm:s3], $0xF7A  }
0x26: {  	[smem:$0x3F9A] =	sst s1;
	(tag) =	ssettag s2;
	_ =	strace s9  }
0x27: {  	s1 =	sld [smem:$0x3FAA]  }
0x28: {  	s2 =	sld [smem:$0x3FAB]  }
0x29: {  	s4 =	sld [smem:$0x3FAD]  }
0x2a: {  	p0 =	seq.s32 s5, $0x0;
	s5 =	sld [smem:$0x3FAE]  }
0x2b: {  	s6 =	sld [smem:$0x3FAF]  }
0x2c: {  	s7 =	sld [smem:$0x3FB0]  }
0x2d: {  	s3 =	simm.s32 $0x108;
	s8 =	sld [smem:$0x3FB1]  }
0x2e: {  	s3 =	simm.s32 @!p0 $0x1082;
	s9 =	sld [smem:$0x3FB2]  }
0x2f: {  	lr =	sadd.s32 s0, s3;
	s0 =	sld [smem:$0x3FA9]  }
0x30: {  	s3 =	sld [smem:$0x3FAC]  }
0x31: {  	[smem:$0x3FB5] =	sst s10  }
0x32: {  	s10 =	sld [smem:$0x3FB3];
	_ =	sdelay $0x3  }
0x33: {  	p0 =	seq.s32 s10, $0x1;
	s10 =	sld [smem:$0x3FB5];
	_ =	sdelay $0x3  }
0x34: {  	[smem:$0x3FB5] =	sst s10  }
0x35: {  	s10 =	sld [smem:$0x3FB4];
	_ =	sdelay $0x3  }
0x36: {  	p1 =	seq.s32 s10, $0x1;
	s10 =	sld [smem:$0x3FB5];
	_ =	sdelay $0x3  }
0x37: {  	[smem:$0x3FB5] =	sst s10  }
0x38: {  	s10 =	sld [smem:$0x3FB6]  }
0x39: {  	_ = 	snop;
	(pc) =	sbr.ind lr, $3  }
0x3a: {  	_ = 	snop  }
0x3b: {  	_ = 	snop  }
0x3c: {  	p2 =	seq.s32 s10, $0x1;
	s10 =	sld [smem:$0x3FB5]  }
0x3d: {  	_ =	shalt  }
0x3e: {  	_ =	shalt  }
0x3f: {  	_ =	shalt  }
0x40: {  	_ =	shalt  }
0x41: {  	_ =	shalt  }
0x42: {  	_ =	shalt  }
0x43: {  	_ =	shalt  }
0x44: {  	_ =	shalt  }
0x45: {  	_ =	shalt  }
0x46: {  	_ =	shalt  }
0x47: {  	_ =	shalt  }
0x48: {  	_ =	shalt  }
0x49: {  	_ =	shalt  }
0x4a: {  	_ =	shalt  }
0x4b: {  	_ =	shalt  }
0x4c: {  	_ =	shalt  }
0x4d: {  	_ =	shalt  }
0x4e: {  	_ =	shalt  }
0x4f: {  	_ =	shalt  }
0x50: {  	_ =	shalt  }
0x51: {  	_ =	shalt  }
0x52: {  	_ =	shalt  }
0x53: {  	_ =	shalt  }
0x54: {  	_ =	shalt  }
0x55: {  	_ =	shalt  }
0x56: {  	_ =	shalt  }
0x57: {  	_ =	shalt  }
0x58: {  	_ =	shalt  }
0x59: {  	_ =	shalt  }
0x5a: {  	_ =	shalt  }
0x5b: {  	_ =	shalt  }
0x5c: {  	_ =	shalt  }
0x5d: {  	_ =	shalt  }
0x5e: {  	_ =	shalt  }
0x5f: {  	_ =	shalt  }
0x60: {  	_ =	shalt  }
0x61: {  	_ =	shalt  }
0x62: {  	_ =	shalt  }
0x63: {  	_ =	shalt  }
0x64: {  	_ =	shalt  }
0x65: {  	_ =	shalt  }
0x66: {  	_ =	shalt  }
0x67: {  	_ =	shalt  }
0x68: {  	_ =	shalt  }
0x69: {  	_ =	shalt  }
0x6a: {  	_ =	shalt  }
0x6b: {  	_ =	shalt  }
0x6c: {  	_ =	shalt  }
0x6d: {  	_ =	shalt  }
0x6e: {  	_ =	shalt  }
0x6f: {  	_ =	shalt  }
0x70: {  	_ =	shalt  }
0x71: {  	_ =	shalt  }
0x72: {  	_ =	shalt  }
0x73: {  	_ =	shalt  }
0x74: {  	_ =	shalt  }
0x75: {  	_ =	shalt  }
0x76: {  	_ =	shalt  }
0x77: {  	_ =	shalt  }
0x78: {  	_ =	shalt  }
0x79: {  	_ =	shalt  }
0x7a: {  	_ =	shalt  }
0x7b: {  	_ =	shalt  }
0x7c: {  	_ =	shalt  }
0x7d: {  	_ =	shalt  }
0x7e: {  	_ =	shalt  }
0x7f: {  	_ =	shalt  }
0x80: {  	_ =	shalt  }
0x81: {  	_ =	shalt  }
0x82: {  	_ =	shalt  }
0x83: {  	_ =	shalt  }
0x84: {  	_ =	shalt  }
0x85: {  	_ =	shalt  }
0x86: {  	_ =	shalt  }
0x87: {  	_ =	shalt  }
.Lfunc_end0:
.L_simem_size_0:
called_computation_lowered:
.L_overlay_start_0:
0x88: {  	s2 =	sld [smem:$0x3FD9]  }
0x89: {  	s3 =	sld [smem:$0x3FFE];
	_ =	sdelay $0x1  }
0x8a: {  	s1 =	srdreg.scid  }
0x8b: {  	s0 =	sand.u32 $0x1, s1  }
0x8c: {  	s17 =	sshll.u32 s0, $0xA;
	s2 =	sadd.s32 s3, s2  }
0x8d: {  	s2 =	sadd.s32 s2, s17  }
0x8e: {  	[smem:$0x3FC1] =	sst s2  }
0x8f: {  	_ = 	snop  }
0x90: {  	s2 =	sld [smem:$0x3FC7];
	(tm) =	ssettm $0x1  }
0x91: {  	s18 =	sld [smem:$0x3FFB];
	_ =	sdelay $0x3  }
0x92: {  	_ =	strace s18  }
0x93: {  	s3 =	sld [smem:$0x3FFC];
	_ =	sdelay $0x3  }
0x94: {  	_ =	strace s3  }
0x95: {  	s3 =	sld [smem:$0x3FFD];
	_ =	sdelay $0x3  }
0x96: {  	_ =	strace s3  }
0x97: {  	_ =	strace $0x8FFFFFFF  }
0x98: {  	s19 =	sld [smem:$0x3FDB];
	_ =	sdelay $0x1  }
0x99: {  	s4 =	simm.s32 $_scs_section_size  }
0x9a: {  	s5 =	simm.s32 $_size__tile_overlayer_lowered;
	s6 =	simm.s32 $_tile_overlayer_lowered  }
0x9b: {  	s22 =	simm.s32 $0x1BFF;
	s21 =	sshll.u32 s6, $0x1;
	s3 =	sadd.s32 s4, s19  }
0x9c: {  	s7 =	simm.s32 $0x0;
	s20 =	sshll.u32 s5, $0x1;
	s5 =	sadd.s32 s21, s3  }
0x9d: {  	[timem:s7], [sflag:s22] =	dma.local [hbm:s5], s20  }
0x9e: {  	_ =	swait.ge [sflag:s22], s20  }
0x9f: {  	s4 =	ssub.s32 $0x0, s20;
	[sflag:s22] =	ssyncset.done $0x0  }
0xa0: {  	[sflag:s22] =	ssyncadd.s32 s4;
	_ =	sdelay $0x1  }
0xa1: {  	s23 =	simm.s32 $0x1B8B  }
0xa2: {  	_ =	swait.ge [sflag:s23], $0x1  }
0xa3: {  	[sflag:s23] =	ssyncset.done $0x0  }
0xa4: {  	s25 =	simm.s32 $0x1B8E;
	s24 =	sld [smem:$0x3FFE];
	[sflag:s23] =	ssyncadd.s32 $0xFFFFFFFF  }
0xa5: {  	s26 =	simm.s32 $execute0_lowered;
	[smem:$0x3FD2] =	sst s25  }
0xa6: {  	s5 =	sshll.u32 s26, $0x1;
	_ =	strace $0x80000046;
	[dreg:$0x1] =	wrdreg $0xFFFFFFFF  }
0xa7: {  	s28 =	simm.s32 $_size_execute0_lowered;
	s3 =	sadd.s32 s3, s5;
	[dreg:$0x0] =	wrdreg $0x0  }
0xa8: {  	s5 =	sshll.u32 s28, $0x1;
	[dreg:$0x2] =	wrdreg s3  }
0xa9: {  	[dreg:$0x3] =	wrdreg s5  }
0xaa: {  	[dreg:$0x4] =	wrdreg $0xC0  }
0xab: {  	_ =	task [dreg:s7], $0x5FFFF  }
0xac: {  	[dreg:$0x1] =	wrdreg $0xFFFFFFFF  }
0xad: {  	[dreg:$0x0] =	wrdreg $0x60  }
0xae: {  	[dreg:$0x2] =	wrdreg s24  }
0xaf: {  	[dreg:$0x3] =	wrdreg s2  }
0xb0: {  	[dreg:$0x4] =	wrdreg $0xC5300  }
0xb1: {  	[dreg:$0x5] =	wrdreg $0x9  }
0xb2: {  	_ =	task.clear_ibuf [dreg:s7], $0x6FFFF;
	_ =	strace $0x90000046  }
0xb3: {  	s29 =	simm.s32 $0x9;
	_ =	strace $0x80000048  }
0xb4: {  	_ =	swait.ge [sflag:s29], $0x1  }
0xb5: {  	[sflag:s29] =	ssyncadd.s32 $0xFFFFFFFF  }
0xb6: {  	_ =	strace $0x90000048  }
0xb7: {  	_ =	sfence  }
0xb8: {  	s30 =	sld [smem:$0x0];
	_ =	sdelay $0x2  }
0xb9: {  	s31 =	sshll.u32 s1, $0xD;
	s1 =	sshrl.u32 s1, $0x2  }
0xba: {  	s3 =	sand.u32 $0x4000, s31;
	s1 =	sadd.s32 s1, s30  }
0xbb: {  	s0 =	sor.u32 s3, s0;
	s1 =	sshll.u32 s1, $0x11  }
0xbc: {  	s0 =	sor.u32 s1, s0  }
0xbd: {  	s0 =	sadd.s32 $0x8F2B, s0  }
0xbe: {  	[sflag:s0] =	ssyncadd.remote.s32 $0x1  }
0xbf: {  	_ =	sfence.sel $0xFFFF  }
0xc0: {  	[dreg:$0x0] =	wrdreg $0xFFFFFFFF;
	(pc) =	sbr.abs _section_cstart, $3  }
0xc1: {  	[dreg:$0x1] =	wrdreg $0xFFFFFFFF  }
0xc2: {  	_ =	task.clear_ibuf [dreg:s7], $0x2FFFF;
	_ =	strace $0x9FFFFFFF  }
0xc3: {  	(tm) =	ssettm $0x7FFFFFFF  }
tec
execute0_lowered:
.L_overlay_start_1:
0x0: {  	(tag) =	ssettag $0x1  }
0x1: {  	s0 =	srdreg.scid  }
0x2: {  	s11 =	stileid.u32;
	s1 =	rddreg [dreg:$0x0]  }
0x3: {  	s5 =	rddreg [dreg:$0x1];
	s15 =	simm.s32 $0x6;
	s16 =	simm.s32 $0x1  }
0x4: {  	s17 =	simm.s32 $0x28;
	s18 =	simm.s32 $0x7530;
	s19 =	simm.s32 $0x8930  }
0x5: {  	s20 =	simm.s32 $0x2;
	s22 =	simm.s32 $0x9D30;
	s23 =	simm.s32 $0x3  }
0x6: {  	s28 =	simm.s32 $0x4;
	s29 =	simm.s32 $0x5;
	s0 =	sand.u32 $0x1, s0  }
0x7: {  	s2 =	sshll.u32 s11, $0x1;
	s8 =	smul.u32 $0x13800, s11;
	s4 =	sadd.s32 $0x14A00, s1  }
0x8: {  	s31 =	sshll.u32 s11, $0x6;
	s3 =	sor.u32 s0, s2;
	s6 =	smul.u32 $0x138800, s0  }
0x9: {  	s2 =	rddreg [dreg:$0x2];
	s0 =	ssub.s32 $0x2, s0;
	s7 =	smul.u32 $0x4E2, s3  }
0xa: {  	s3 =	simm.s32 $0x0;
	s10 =	sshrl.u32 s8, $0x3;
	s25 =	sshrl.u32 s0, $0x1  }
0xb: {  	s30 =	sadd.s32 s8, s2;
	[smem:$0x7FF] =	sst s3;
	s6 =	sadd.s32 s8, s6  }
0xc: {  	s10 =	sadd.s32 s10, s1;
	s0 =	ssub.s32 s0, s25;
	s25 =	simm.s32 $0x2710  }
0xd: {  	s14 =	sshrl.u32 s30, $0x3;
	_ =	strace $0x80000047;
	s9 =	sadd.s32 s7, s1  }
0xe: {  	s6 =	sshrl.u32 s6, $0x3;
	s7 =	sadd.s32 s5, s7;
	s8 =	sadd.s32 $0x3BC00, s10  }
0xf: {  	s11 =	smax.u32 s0, $0x1;
	s1 =	sadd.s32 s6, s1;
	s26 =	sadd.s32 $0xAC00, s9  }
0x10: {  	s6 =	sadd.s32 $0xE00, s9;
	s9 =	sor.u32 $0x1C06, s31;
	[dreg:$0x4] =	wrdreg s26  }
0x11: {  	s10 =	sadd.s32 $0x62E00, s1;
	s26 =	simm.s32 $0xB130;
	s1 =	simm.s32 $0x0  }
.LBB2_1:
0x12: {  	s0 =	rddreg [dreg:$0x4]  }
0x13: {  	[tilespmem:s3], [sflag:$0x1] =	stream.linear.gather [hbm4b:s0+s3], $0x2710, $0x38;
	[tilespmem:$0x1FDB0] =	vst v63  }
0x14: {  	_ = 	snop  }
0x15: {  	[tilespmem:s25], [sflag:$0x1] =	stream.linear.gather [hbm4b:s6+s3], $0x2710, $0x38;
	[tilespmem:$0x1FDB0] =	vst v63  }
0x16: {  	s30 =	simm.s32 $0x4E20  }
0x17: {  	[tilespmem:s30], [sflag:$0x1] =	stream.linear.gather [hbm4b:s7+s3], $0x2710, $0x38;
	[tilespmem:$0x1FDB0] =	vst v63  }
0x18: {  	[spmem:s14], [sflag:s9] =	dma.local [hbm:s8], $0x2800  }
0x19: {  	_ =	swait.ge [sflag:s15], $0x2800  }
0x1a: {  	[sflag:s15] =	ssyncset.done $0x0  }
0x1b: {  	[sflag:s15] =	ssyncadd.s32 $0xFFFFD800  }
0x1c: {  	_ =	swait.ge [sflag:s16], $0x2710  }
0x1d: {  	[sflag:s16] =	ssyncset.done $0x0  }
0x1e: {  	[sflag:s16] =	ssyncadd.s32 $0xFFFFD8F0  }
0x1f: {  	_ =	swait.ge [sflag:s16], $0x2710  }
0x20: {  	[sflag:s16] =	ssyncset.done $0x0  }
0x21: {  	[sflag:s16] =	ssyncadd.s32 $0xFFFFD8F0  }
0x22: {  	_ =	swait.ge [sflag:s16], $0x2710  }
0x23: {  	[sflag:s16] =	ssyncset.done $0x0  }
0x24: {  	[sflag:s16] =	ssyncadd.s32 $0xFFFFD8F0  }
0x25: {  	[bflag:$0x0] =	sbarrier.arrive $0xFFFF  }
0x26: {  	[tilespmem:s18], [sflag:$0x2] =	stream.indirect.gather [hbm4b:s4+s17], $0x80, s3, s17, $0xb8;
	[tilespmem:$0x1FDB0] =	vst v63  }
0x27: {  	_ = 	snop  }
0x28: {  	[tilespmem:s19], [sflag:$0x3] =	stream.indirect.gather [hbm4b:s4+s17], $0x80, s17, s17, $0xb8;
	[tilespmem:$0x1FDB0] =	vst v63  }
0x29: {  	_ =	swait.ge [sflag:s20], $0x1400  }
0x2a: {  	s31 =	sand.u32 $0x30, s3;
	[sflag:s20] =	ssyncset.done $0x0  }
0x2b: {  	s0 =	smin.u32 s31, $0x18;
	[sflag:s20] =	ssyncadd.s32 $0xFFFFEC00  }
0x2c: {  	v0 =	vld [tilespmem:s0+$0x4E20]  }
0x2d: {  	s13 =	simm.s32 $0x7570  }
0x2e: {  	v1 =	vld [tilespmem:s13+$0xFFFFFFC0]  }
0x2f: {  	s0 =	ssub.s32 $0x0, s0  }
0x30: {  	v2 =	vmov s0  }
0x31: {  	v0 =	vperm.xlane v0, v2;
	_ =	sdelay $0x1  }
0x32: {  	v1 =	vmul.f32 v1, v0  }
0x33: {  	s0 =	simm.s32 $0x9D70  }
0x34: {  	[tilespmem:s0+$0xFFFFFFC0] =	vst v1  }
0x35: {  	v1 =	vld [tilespmem:s13+$0xFFFFFFD0];
	_ =	sdelay $0x4  }
0x36: {  	v1 =	vmul.f32 v1, v0;
	_ =	sdelay $0x1  }
0x37: {  	[tilespmem:s0+$0xFFFFFFD0] =	vst v1  }
0x38: {  	v1 =	vld [tilespmem:s13+$0xFFFFFFE0];
	_ =	sdelay $0x4  }
0x39: {  	v1 =	vmul.f32 v1, v0;
	_ =	sdelay $0x1  }
0x3a: {  	[tilespmem:s0+$0xFFFFFFE0] =	vst v1  }
0x3b: {  	v1 =	vld [tilespmem:s13+$0xFFFFFFF0];
	_ =	sdelay $0x4  }
0x3c: {  	v1 =	vmul.f32 v1, v0;
	_ =	sdelay $0x1  }
0x3d: {  	[tilespmem:s0+$0xFFFFFFF0] =	vst v1  }
0x3e: {  	v1 =	vld [tilespmem:s13+$0x0];
	_ =	sdelay $0x4  }
0x3f: {  	v1 =	vmul.f32 v1, v0;
	_ =	sdelay $0x1  }
0x40: {  	[tilespmem:s0+$0x0] =	vst v1  }
0x41: {  	v1 =	vld [tilespmem:s13+$0x10];
	_ =	sdelay $0x4  }
0x42: {  	v1 =	vmul.f32 v1, v0;
	_ =	sdelay $0x1  }
0x43: {  	[tilespmem:s0+$0x10] =	vst v1  }
0x44: {  	v1 =	vld [tilespmem:s13+$0x20];
	_ =	sdelay $0x4  }
0x45: {  	v1 =	vmul.f32 v1, v0;
	_ =	sdelay $0x1  }
0x46: {  	[tilespmem:s0+$0x20] =	vst v1  }
0x47: {  	v1 =	vld [tilespmem:s13+$0x30];
	_ =	sdelay $0x4  }
0x48: {  	s21 =	simm.s32 $0x1;
	v0 =	vmul.f32 v1, v0  }
0x49: {  	s12 =	simm.s32 $0x2;
	s24 =	sand.u32 $0x30, s21  }
.LBB2_2:
0x4a: {  	p0 =	sne.s32 s12, $0x27;
	s5 =	smin.u32 s24, $0x18;
	[tilespmem:s0+$0x30] =	vst v0  }
0x4b: {  	s13 =	sadd.s32 $0x80, s13;
	v0 =	vld [tilespmem:s5+$0x4E20]  }
0x4c: {  	v1 =	vld [tilespmem:s13+$0xFFFFFFC0];
	_ =	sdelay $0x1  }
0x4d: {  	s5 =	ssub.s32 s21, s5;
	s21 =	smov.u32 s12  }
0x4e: {  	v2 =	vmov s5  }
0x4f: {  	v0 =	vperm.xlane v0, v2;
	_ =	sdelay $0x1  }
0x50: {  	v1 =	vmul.f32 v1, v0  }
0x51: {  	s0 =	sadd.s32 $0x80, s0  }
0x52: {  	[tilespmem:s0+$0xFFFFFFC0] =	vst v1  }
0x53: {  	v1 =	vld [tilespmem:s13+$0xFFFFFFD0];
	_ =	sdelay $0x4  }
0x54: {  	v1 =	vmul.f32 v1, v0;
	_ =	sdelay $0x1  }
0x55: {  	[tilespmem:s0+$0xFFFFFFD0] =	vst v1  }
0x56: {  	v1 =	vld [tilespmem:s13+$0xFFFFFFE0];
	_ =	sdelay $0x4  }
0x57: {  	v1 =	vmul.f32 v1, v0;
	_ =	sdelay $0x1  }
0x58: {  	[tilespmem:s0+$0xFFFFFFE0] =	vst v1  }
0x59: {  	v1 =	vld [tilespmem:s13+$0xFFFFFFF0];
	_ =	sdelay $0x4  }
0x5a: {  	v1 =	vmul.f32 v1, v0;
	_ =	sdelay $0x1  }
0x5b: {  	[tilespmem:s0+$0xFFFFFFF0] =	vst v1  }
0x5c: {  	v1 =	vld [tilespmem:s13+$0x0];
	_ =	sdelay $0x4  }
0x5d: {  	v1 =	vmul.f32 v1, v0;
	_ =	sdelay $0x1  }
0x5e: {  	[tilespmem:s0+$0x0] =	vst v1  }
0x5f: {  	v1 =	vld [tilespmem:s13+$0x10];
	_ =	sdelay $0x4  }
0x60: {  	v1 =	vmul.f32 v1, v0;
	_ =	sdelay $0x1  }
0x61: {  	[tilespmem:s0+$0x10] =	vst v1  }
0x62: {  	v1 =	vld [tilespmem:s13+$0x20];
	_ =	sdelay $0x4  }
0x63: {  	v1 =	vmul.f32 v1, v0;
	_ =	sdelay $0x1  }
0x64: {  	[tilespmem:s0+$0x20] =	vst v1  }
0x65: {  	v1 =	vld [tilespmem:s13+$0x30];
	_ =	sdelay $0x1  }
.Ltmp0:
0x66: {  	(pc) =	sbr.rel @p0 .LBB2_2-.Ltmp0, $3  }
0x67: {  	_ =	sdelay $0x1  }
0x68: {  	v0 =	vmul.f32 v1, v0  }
0x69: {  	s12 =	sadd.s32 $0x1, s12;
	s24 =	sand.u32 $0x30, s21  }
0x6a: {  	s5 =	smin.u32 s24, $0x18;
	[tilespmem:s0+$0x30] =	vst v0  }
0x6b: {  	v0 =	vld [tilespmem:s5+$0x4E20]  }
0x6c: {  	s12 =	sadd.s32 $0x80, s13  }
0x6d: {  	v1 =	vld [tilespmem:s12+$0xFFFFFFC0]  }
0x6e: {  	s5 =	ssub.s32 s21, s5  }
0x6f: {  	v2 =	vmov s5  }
0x70: {  	v0 =	vperm.xlane v0, v2;
	_ =	sdelay $0x1  }
0x71: {  	v1 =	vmul.f32 v1, v0  }
0x72: {  	s24 =	sadd.s32 $0x80, s0  }
0x73: {  	[tilespmem:s24+$0xFFFFFFC0] =	vst v1  }
0x74: {  	v1 =	vld [tilespmem:s12+$0xFFFFFFD0];
	_ =	sdelay $0x4  }
0x75: {  	v1 =	vmul.f32 v1, v0;
	_ =	sdelay $0x1  }
0x76: {  	[tilespmem:s24+$0xFFFFFFD0] =	vst v1  }
0x77: {  	v1 =	vld [tilespmem:s12+$0xFFFFFFE0];
	_ =	sdelay $0x4  }
0x78: {  	v1 =	vmul.f32 v1, v0;
	_ =	sdelay $0x1  }
0x79: {  	[tilespmem:s24+$0xFFFFFFE0] =	vst v1  }
0x7a: {  	v1 =	vld [tilespmem:s12+$0xFFFFFFF0];
	_ =	sdelay $0x4  }
0x7b: {  	v1 =	vmul.f32 v1, v0;
	_ =	sdelay $0x1  }
0x7c: {  	[tilespmem:s24+$0xFFFFFFF0] =	vst v1  }
0x7d: {  	v1 =	vld [tilespmem:s12+$0x0];
	_ =	sdelay $0x4  }
0x7e: {  	v1 =	vmul.f32 v1, v0;
	_ =	sdelay $0x1  }
0x7f: {  	[tilespmem:s24+$0x0] =	vst v1  }
0x80: {  	v1 =	vld [tilespmem:s12+$0x10];
	_ =	sdelay $0x4  }
0x81: {  	v1 =	vmul.f32 v1, v0;
	_ =	sdelay $0x1  }
0x82: {  	[tilespmem:s24+$0x10] =	vst v1  }
0x83: {  	v1 =	vld [tilespmem:s12+$0x20];
	_ =	sdelay $0x4  }
0x84: {  	v1 =	vmul.f32 v1, v0;
	_ =	sdelay $0x1  }
0x85: {  	[tilespmem:s24+$0x20] =	vst v1  }
0x86: {  	v1 =	vld [tilespmem:s12+$0x30];
	_ =	sdelay $0x4  }
0x87: {  	v0 =	vmul.f32 v1, v0;
	_ =	sdelay $0x1  }
0x88: {  	s30 =	simm.s32 $0x50;
	[tilespmem:s24+$0x30] =	vst v0  }
0x89: {  	[tilespmem:s18], [sflag:$0x2] =	stream.indirect.gather [hbm4b:s4+s17], $0x80, s30, s17, $0xb8;
	[tilespmem:$0x1FDB0] =	vst v63  }
0x8a: {  	_ = 	snop  }
0x8b: {  	[spmem:s2] =	stream.indirect.scatter.add.f32 [tilespmem:s22], [sflag:$0x4], $0x80, s25, s17, $0xb8;
	[tilespmem:$0x1FDB0] =	vst v63  }
0x8c: {  	s31 =	simm.s32 $0x0;
	_ =	swait.ge [sflag:s23], $0x1400  }
0x8d: {  	s0 =	sand.u32 $0x30, s31;
	[sflag:s23] =	ssyncset.done $0x0  }
0x8e: {  	s0 =	smin.u32 s0, $0x18;
	[sflag:s23] =	ssyncadd.s32 $0xFFFFEC00  }
0x8f: {  	v0 =	vld [tilespmem:s0+$0x4E48]  }
0x90: {  	s13 =	simm.s32 $0x8970  }
0x91: {  	v1 =	vld [tilespmem:s13+$0xFFFFFFC0]  }
0x92: {  	s0 =	ssub.s32 $0x0, s0  }
0x93: {  	v2 =	vmov s0  }
0x94: {  	v0 =	vperm.xlane v0, v2;
	_ =	sdelay $0x1  }
0x95: {  	v1 =	vmul.f32 v1, v0  }
0x96: {  	s0 =	simm.s32 $0xB170  }
0x97: {  	[tilespmem:s0+$0xFFFFFFC0] =	vst v1  }
0x98: {  	v1 =	vld [tilespmem:s13+$0xFFFFFFD0];
	_ =	sdelay $0x4  }
0x99: {  	v1 =	vmul.f32 v1, v0;
	_ =	sdelay $0x1  }
0x9a: {  	[tilespmem:s0+$0xFFFFFFD0] =	vst v1  }
0x9b: {  	v1 =	vld [tilespmem:s13+$0xFFFFFFE0];
	_ =	sdelay $0x4  }
0x9c: {  	v1 =	vmul.f32 v1, v0;
	_ =	sdelay $0x1  }
0x9d: {  	[tilespmem:s0+$0xFFFFFFE0] =	vst v1  }
0x9e: {  	v1 =	vld [tilespmem:s13+$0xFFFFFFF0];
	_ =	sdelay $0x4  }
0x9f: {  	v1 =	vmul.f32 v1, v0;
	_ =	sdelay $0x1  }
0xa0: {  	[tilespmem:s0+$0xFFFFFFF0] =	vst v1  }
0xa1: {  	v1 =	vld [tilespmem:s13+$0x0];
	_ =	sdelay $0x4  }
0xa2: {  	v1 =	vmul.f32 v1, v0;
	_ =	sdelay $0x1  }
0xa3: {  	[tilespmem:s0+$0x0] =	vst v1  }
0xa4: {  	v1 =	vld [tilespmem:s13+$0x10];
	_ =	sdelay $0x4  }
0xa5: {  	v1 =	vmul.f32 v1, v0;
	_ =	sdelay $0x1  }
0xa6: {  	[tilespmem:s0+$0x10] =	vst v1  }
0xa7: {  	v1 =	vld [tilespmem:s13+$0x20];
	_ =	sdelay $0x4  }
0xa8: {  	v1 =	vmul.f32 v1, v0;
	_ =	sdelay $0x1  }
0xa9: {  	[tilespmem:s0+$0x20] =	vst v1  }
0xaa: {  	v1 =	vld [tilespmem:s13+$0x30];
	_ =	sdelay $0x4  }
0xab: {  	s21 =	simm.s32 $0x1;
	v0 =	vmul.f32 v1, v0  }
0xac: {  	s12 =	simm.s32 $0x2;
	s24 =	sand.u32 $0x30, s21  }
.LBB2_4:
0xad: {  	p0 =	sne.s32 s12, $0x27;
	s5 =	smin.u32 s24, $0x18;
	[tilespmem:s0+$0x30] =	vst v0  }
0xae: {  	s13 =	sadd.s32 $0x80, s13;
	v0 =	vld [tilespmem:s5+$0x4E48]  }
0xaf: {  	v1 =	vld [tilespmem:s13+$0xFFFFFFC0];
	_ =	sdelay $0x1  }
0xb0: {  	s5 =	ssub.s32 s21, s5;
	s21 =	smov.u32 s12  }
0xb1: {  	v2 =	vmov s5  }
0xb2: {  	v0 =	vperm.xlane v0, v2;
	_ =	sdelay $0x1  }
0xb3: {  	v1 =	vmul.f32 v1, v0  }
0xb4: {  	s0 =	sadd.s32 $0x80, s0  }
0xb5: {  	[tilespmem:s0+$0xFFFFFFC0] =	vst v1  }
0xb6: {  	v1 =	vld [tilespmem:s13+$0xFFFFFFD0];
	_ =	sdelay $0x4  }
0xb7: {  	v1 =	vmul.f32 v1, v0;
	_ =	sdelay $0x1  }
0xb8: {  	[tilespmem:s0+$0xFFFFFFD0] =	vst v1  }
0xb9: {  	v1 =	vld [tilespmem:s13+$0xFFFFFFE0];
	_ =	sdelay $0x4  }
0xba: {  	v1 =	vmul.f32 v1, v0;
	_ =	sdelay $0x1  }
0xbb: {  	[tilespmem:s0+$0xFFFFFFE0] =	vst v1  }
0xbc: {  	v1 =	vld [tilespmem:s13+$0xFFFFFFF0];
	_ =	sdelay $0x4  }
0xbd: {  	v1 =	vmul.f32 v1, v0;
	_ =	sdelay $0x1  }
0xbe: {  	[tilespmem:s0+$0xFFFFFFF0] =	vst v1  }
0xbf: {  	v1 =	vld [tilespmem:s13+$0x0];
	_ =	sdelay $0x4  }
0xc0: {  	v1 =	vmul.f32 v1, v0;
	_ =	sdelay $0x1  }
0xc1: {  	[tilespmem:s0+$0x0] =	vst v1  }
0xc2: {  	v1 =	vld [tilespmem:s13+$0x10];
	_ =	sdelay $0x4  }
0xc3: {  	v1 =	vmul.f32 v1, v0;
	_ =	sdelay $0x1  }
0xc4: {  	[tilespmem:s0+$0x10] =	vst v1  }
0xc5: {  	v1 =	vld [tilespmem:s13+$0x20];
	_ =	sdelay $0x4  }
0xc6: {  	v1 =	vmul.f32 v1, v0;
	_ =	sdelay $0x1  }
0xc7: {  	[tilespmem:s0+$0x20] =	vst v1  }
0xc8: {  	v1 =	vld [tilespmem:s13+$0x30];
	_ =	sdelay $0x1  }
.Ltmp1:
0xc9: {  	(pc) =	sbr.rel @p0 .LBB2_4-.Ltmp1, $3  }
0xca: {  	_ =	sdelay $0x1  }
0xcb: {  	v0 =	vmul.f32 v1, v0  }
0xcc: {  	s12 =	sadd.s32 $0x1, s12;
	s24 =	sand.u32 $0x30, s21  }
0xcd: {  	s5 =	smin.u32 s24, $0x18;
	[tilespmem:s0+$0x30] =	vst v0  }
0xce: {  	v0 =	vld [tilespmem:s5+$0x4E48]  }
0xcf: {  	s12 =	sadd.s32 $0x80, s13  }
0xd0: {  	v1 =	vld [tilespmem:s12+$0xFFFFFFC0]  }
0xd1: {  	s5 =	ssub.s32 s21, s5  }
0xd2: {  	v2 =	vmov s5  }
0xd3: {  	v0 =	vperm.xlane v0, v2;
	_ =	sdelay $0x1  }
0xd4: {  	v1 =	vmul.f32 v1, v0  }
0xd5: {  	s25 =	sadd.s32 $0x80, s0  }
0xd6: {  	[tilespmem:s25+$0xFFFFFFC0] =	vst v1  }
0xd7: {  	v1 =	vld [tilespmem:s12+$0xFFFFFFD0];
	_ =	sdelay $0x4  }
0xd8: {  	v1 =	vmul.f32 v1, v0;
	_ =	sdelay $0x1  }
0xd9: {  	[tilespmem:s25+$0xFFFFFFD0] =	vst v1  }
0xda: {  	v1 =	vld [tilespmem:s12+$0xFFFFFFE0];
	_ =	sdelay $0x4  }
0xdb: {  	v1 =	vmul.f32 v1, v0;
	_ =	sdelay $0x1  }
0xdc: {  	[tilespmem:s25+$0xFFFFFFE0] =	vst v1  }
0xdd: {  	v1 =	vld [tilespmem:s12+$0xFFFFFFF0];
	_ =	sdelay $0x4  }
0xde: {  	v1 =	vmul.f32 v1, v0;
	_ =	sdelay $0x1  }
0xdf: {  	[tilespmem:s25+$0xFFFFFFF0] =	vst v1  }
0xe0: {  	v1 =	vld [tilespmem:s12+$0x0];
	_ =	sdelay $0x4  }
0xe1: {  	v1 =	vmul.f32 v1, v0;
	_ =	sdelay $0x1  }
0xe2: {  	[tilespmem:s25+$0x0] =	vst v1  }
0xe3: {  	v1 =	vld [tilespmem:s12+$0x10];
	_ =	sdelay $0x4  }
0xe4: {  	v1 =	vmul.f32 v1, v0;
	_ =	sdelay $0x1  }
0xe5: {  	[tilespmem:s25+$0x10] =	vst v1  }
0xe6: {  	v1 =	vld [tilespmem:s12+$0x20];
	_ =	sdelay $0x4  }
0xe7: {  	v1 =	vmul.f32 v1, v0;
	_ =	sdelay $0x1  }
0xe8: {  	[tilespmem:s25+$0x20] =	vst v1  }
0xe9: {  	v1 =	vld [tilespmem:s12+$0x30];
	_ =	sdelay $0x4  }
0xea: {  	v0 =	vmul.f32 v1, v0;
	_ =	sdelay $0x1  }
0xeb: {  	s30 =	simm.s32 $0x78;
	[tilespmem:s25+$0x30] =	vst v0  }
0xec: {  	[tilespmem:s19], [sflag:$0x3] =	stream.indirect.gather [hbm4b:s4+s17], $0x80, s30, s17, $0xb8;
	[tilespmem:$0x1FDB0] =	vst v63  }
0xed: {  	s31 =	simm.s32 $0x2738;
	s0 =	simm.s32 $0x0;
	s13 =	simm.s32 $0x0  }
0xee: {  	[spmem:s2] =	stream.indirect.scatter.add.f32 [tilespmem:s26], [sflag:$0x5], $0x80, s31, s17, $0xb8;
	[tilespmem:$0x1FDB0] =	vst v63  }
.LBB2_6:
0xef: {  	s24 =	smul.u32 $0x140, s13;
	_ =	sdelay $0x1  }
0xf0: {  	s5 =	sadd.s32 $0x140, s24  }
0xf1: {  	s25 =	sshra.s32 s5, $0x2  }
0xf2: {  	_ =	swait.ge [sflag:s20], $0x1400;
	s5 =	sadd.s32 $0x4E20, s25  }
0xf3: {  	[sflag:s20] =	ssyncset.done $0x0;
	v0 =	vmov s5  }
0xf4: {  	[sflag:s20] =	ssyncadd.s32 $0xFFFFEC00  }
0xf5: {  	_ =	swait.ge [sflag:s28], $0x1400  }
0xf6: {  	s21 =	sand.u32 $0x30, s0;
	[sflag:s28] =	ssyncset.done $0x0  }
0xf7: {  	[sflag:s28] =	ssyncadd.s32 $0xFFFFEC00;
	s5 =	smin.u32 s21, $0x18  }
0xf8: {  	v1 =	vld.idx.msk [tilespmem:v0+s5+$0x0 ss:$0x1], $0xffff  }
0xf9: {  	s30 =	simm.s32 $0x7570  }
0xfa: {  	v2 =	vld [tilespmem:s30+$0xFFFFFFC0]  }
0xfb: {  	s5 =	ssub.s32 $0x0, s5  }
0xfc: {  	v3 =	vmov s5  }
0xfd: {  	v1 =	vperm.xlane v1, v3;
	_ =	sdelay $0x1  }
0xfe: {  	v2 =	vmul.f32 v2, v1  }
0xff: {  	s21 =	simm.s32 $0x9D70  }
0x100: {  	[tilespmem:s21+$0xFFFFFFC0] =	vst v2  }
0x101: {  	v2 =	vld [tilespmem:s30+$0xFFFFFFD0];
	_ =	sdelay $0x4  }
0x102: {  	v2 =	vmul.f32 v2, v1;
	_ =	sdelay $0x1  }
0x103: {  	[tilespmem:s21+$0xFFFFFFD0] =	vst v2  }
0x104: {  	v2 =	vld [tilespmem:s30+$0xFFFFFFE0];
	_ =	sdelay $0x4  }
0x105: {  	v2 =	vmul.f32 v2, v1;
	_ =	sdelay $0x1  }
0x106: {  	[tilespmem:s21+$0xFFFFFFE0] =	vst v2  }
0x107: {  	v2 =	vld [tilespmem:s30+$0xFFFFFFF0];
	_ =	sdelay $0x4  }
0x108: {  	v2 =	vmul.f32 v2, v1;
	_ =	sdelay $0x1  }
0x109: {  	[tilespmem:s21+$0xFFFFFFF0] =	vst v2  }
0x10a: {  	v2 =	vld [tilespmem:s30+$0x0];
	_ =	sdelay $0x4  }
0x10b: {  	v2 =	vmul.f32 v2, v1;
	_ =	sdelay $0x1  }
0x10c: {  	[tilespmem:s21+$0x0] =	vst v2  }
0x10d: {  	v2 =	vld [tilespmem:s30+$0x10];
	_ =	sdelay $0x4  }
0x10e: {  	v2 =	vmul.f32 v2, v1;
	_ =	sdelay $0x1  }
0x10f: {  	[tilespmem:s21+$0x10] =	vst v2  }
0x110: {  	v2 =	vld [tilespmem:s30+$0x20];
	_ =	sdelay $0x4  }
0x111: {  	v2 =	vmul.f32 v2, v1;
	_ =	sdelay $0x1  }
0x112: {  	[tilespmem:s21+$0x20] =	vst v2  }
0x113: {  	v2 =	vld [tilespmem:s30+$0x30];
	_ =	sdelay $0x4  }
0x114: {  	s31 =	simm.s32 $0x1;
	v1 =	vmul.f32 v2, v1  }
0x115: {  	s12 =	simm.s32 $0x2;
	s5 =	sand.u32 $0x30, s31  }
.LBB2_7:
0x116: {  	p0 =	sne.s32 s12, $0x27;
	s5 =	smin.u32 s5, $0x18;
	[tilespmem:s21+$0x30] =	vst v1  }
0x117: {  	s30 =	sadd.s32 $0x80, s30;
	v1 =	vld.idx.msk [tilespmem:v0+s5+$0x0 ss:$0x1], $0xffff  }
0x118: {  	v2 =	vld [tilespmem:s30+$0xFFFFFFC0];
	_ =	sdelay $0x2  }
0x119: {  	s5 =	ssub.s32 s31, s5;
	s31 =	smov.u32 s12  }
0x11a: {  	v3 =	vmov s5  }
0x11b: {  	v1 =	vperm.xlane v1, v3;
	_ =	sdelay $0x1  }
0x11c: {  	v2 =	vmul.f32 v2, v1  }
0x11d: {  	s21 =	sadd.s32 $0x80, s21  }
0x11e: {  	[tilespmem:s21+$0xFFFFFFC0] =	vst v2  }
0x11f: {  	v2 =	vld [tilespmem:s30+$0xFFFFFFD0];
	_ =	sdelay $0x4  }
0x120: {  	v2 =	vmul.f32 v2, v1;
	_ =	sdelay $0x1  }
0x121: {  	[tilespmem:s21+$0xFFFFFFD0] =	vst v2  }
0x122: {  	v2 =	vld [tilespmem:s30+$0xFFFFFFE0];
	_ =	sdelay $0x4  }
0x123: {  	v2 =	vmul.f32 v2, v1;
	_ =	sdelay $0x1  }
0x124: {  	[tilespmem:s21+$0xFFFFFFE0] =	vst v2  }
0x125: {  	v2 =	vld [tilespmem:s30+$0xFFFFFFF0];
	_ =	sdelay $0x4  }
0x126: {  	v2 =	vmul.f32 v2, v1;
	_ =	sdelay $0x1  }
0x127: {  	[tilespmem:s21+$0xFFFFFFF0] =	vst v2  }
0x128: {  	v2 =	vld [tilespmem:s30+$0x0];
	_ =	sdelay $0x4  }
0x129: {  	v2 =	vmul.f32 v2, v1;
	_ =	sdelay $0x1  }
0x12a: {  	[tilespmem:s21+$0x0] =	vst v2  }
0x12b: {  	v2 =	vld [tilespmem:s30+$0x10];
	_ =	sdelay $0x4  }
0x12c: {  	v2 =	vmul.f32 v2, v1;
	_ =	sdelay $0x1  }
0x12d: {  	[tilespmem:s21+$0x10] =	vst v2  }
0x12e: {  	v2 =	vld [tilespmem:s30+$0x20];
	_ =	sdelay $0x4  }
0x12f: {  	v2 =	vmul.f32 v2, v1;
	_ =	sdelay $0x1  }
0x130: {  	[tilespmem:s21+$0x20] =	vst v2  }
0x131: {  	v2 =	vld [tilespmem:s30+$0x30];
	_ =	sdelay $0x1  }
.Ltmp2:
0x132: {  	(pc) =	sbr.rel @p0 .LBB2_7-.Ltmp2, $3  }
0x133: {  	_ =	sdelay $0x1  }
0x134: {  	v1 =	vmul.f32 v2, v1  }
0x135: {  	s12 =	sadd.s32 $0x1, s12;
	s5 =	sand.u32 $0x30, s31  }
0x136: {  	_ =	sdelay $0x2  }
0x137: {  	s5 =	smin.u32 s5, $0x18;
	[tilespmem:s21+$0x30] =	vst v1  }
0x138: {  	v0 =	vld.idx.msk [tilespmem:v0+s5+$0x0 ss:$0x1], $0xffff  }
0x139: {  	s12 =	sadd.s32 $0x80, s30  }
0x13a: {  	v1 =	vld [tilespmem:s12+$0xFFFFFFC0]  }
0x13b: {  	s5 =	ssub.s32 s31, s5  }
0x13c: {  	v2 =	vmov s5  }
0x13d: {  	v0 =	vperm.xlane v0, v2;
	_ =	sdelay $0x1  }
0x13e: {  	v1 =	vmul.f32 v1, v0  }
0x13f: {  	s5 =	sadd.s32 $0x80, s21  }
0x140: {  	[tilespmem:s5+$0xFFFFFFC0] =	vst v1  }
0x141: {  	v1 =	vld [tilespmem:s12+$0xFFFFFFD0];
	_ =	sdelay $0x4  }
0x142: {  	v1 =	vmul.f32 v1, v0;
	_ =	sdelay $0x1  }
0x143: {  	[tilespmem:s5+$0xFFFFFFD0] =	vst v1  }
0x144: {  	v1 =	vld [tilespmem:s12+$0xFFFFFFE0];
	_ =	sdelay $0x4  }
0x145: {  	v1 =	vmul.f32 v1, v0;
	_ =	sdelay $0x1  }
0x146: {  	[tilespmem:s5+$0xFFFFFFE0] =	vst v1  }
0x147: {  	v1 =	vld [tilespmem:s12+$0xFFFFFFF0];
	_ =	sdelay $0x4  }
0x148: {  	v1 =	vmul.f32 v1, v0;
	_ =	sdelay $0x1  }
0x149: {  	[tilespmem:s5+$0xFFFFFFF0] =	vst v1  }
0x14a: {  	v1 =	vld [tilespmem:s12+$0x0];
	_ =	sdelay $0x4  }
0x14b: {  	v1 =	vmul.f32 v1, v0;
	_ =	sdelay $0x1  }
0x14c: {  	[tilespmem:s5+$0x0] =	vst v1  }
0x14d: {  	v1 =	vld [tilespmem:s12+$0x10];
	_ =	sdelay $0x4  }
0x14e: {  	v1 =	vmul.f32 v1, v0;
	_ =	sdelay $0x1  }
0x14f: {  	[tilespmem:s5+$0x10] =	vst v1  }
0x150: {  	v1 =	vld [tilespmem:s12+$0x20];
	_ =	sdelay $0x4  }
0x151: {  	v1 =	vmul.f32 v1, v0;
	_ =	sdelay $0x1  }
0x152: {  	[tilespmem:s5+$0x20] =	vst v1  }
0x153: {  	v1 =	vld [tilespmem:s12+$0x30];
	_ =	sdelay $0x4  }
0x154: {  	v0 =	vmul.f32 v1, v0  }
0x155: {  	s21 =	sshra.s32 s24, $0x2  }
0x156: {  	s24 =	sadd.s32 $0x1E0, s24;
	s12 =	sadd.s32 $0xA0, s21;
	[tilespmem:s5+$0x30] =	vst v0  }
0x157: {  	[tilespmem:s18], [sflag:$0x2] =	stream.indirect.gather [hbm4b:s4+s17], $0x80, s12, s17, $0xb8;
	[tilespmem:$0x1FDB0] =	vst v63  }
0x158: {  	s24 =	sshra.s32 s24, $0x2;
	s12 =	sadd.s32 $0x2710, s25  }
0x159: {  	[spmem:s2] =	stream.indirect.scatter.add.f32 [tilespmem:s22], [sflag:$0x4], $0x80, s12, s17, $0xb8;
	[tilespmem:$0x1FDB0] =	vst v63  }
0x15a: {  	s5 =	sadd.s32 $0x4E20, s24;
	_ =	swait.ge [sflag:s23], $0x1400  }
0x15b: {  	v0 =	vmov s5;
	[sflag:s23] =	ssyncset.done $0x0  }
0x15c: {  	[sflag:s23] =	ssyncadd.s32 $0xFFFFEC00  }
0x15d: {  	s25 =	simm.s32 $0x0;
	_ =	swait.ge [sflag:s29], $0x1400  }
0x15e: {  	s5 =	sand.u32 $0x30, s25;
	[sflag:s29] =	ssyncset.done $0x0  }
0x15f: {  	s5 =	smin.u32 s5, $0x18;
	[sflag:s29] =	ssyncadd.s32 $0xFFFFEC00  }
0x160: {  	v1 =	vld.idx.msk [tilespmem:v0+s5+$0x0 ss:$0x1], $0xffff  }
0x161: {  	s30 =	simm.s32 $0x8970  }
0x162: {  	v2 =	vld [tilespmem:s30+$0xFFFFFFC0]  }
0x163: {  	s5 =	ssub.s32 $0x0, s5  }
0x164: {  	v3 =	vmov s5  }
0x165: {  	v1 =	vperm.xlane v1, v3;
	_ =	sdelay $0x1  }
0x166: {  	v2 =	vmul.f32 v2, v1  }
0x167: {  	s25 =	simm.s32 $0xB170  }
0x168: {  	[tilespmem:s25+$0xFFFFFFC0] =	vst v2  }
0x169: {  	v2 =	vld [tilespmem:s30+$0xFFFFFFD0];
	_ =	sdelay $0x4  }
0x16a: {  	v2 =	vmul.f32 v2, v1;
	_ =	sdelay $0x1  }
0x16b: {  	[tilespmem:s25+$0xFFFFFFD0] =	vst v2  }
0x16c: {  	v2 =	vld [tilespmem:s30+$0xFFFFFFE0];
	_ =	sdelay $0x4  }
0x16d: {  	v2 =	vmul.f32 v2, v1;
	_ =	sdelay $0x1  }
0x16e: {  	[tilespmem:s25+$0xFFFFFFE0] =	vst v2  }
0x16f: {  	v2 =	vld [tilespmem:s30+$0xFFFFFFF0];
	_ =	sdelay $0x4  }
0x170: {  	v2 =	vmul.f32 v2, v1;
	_ =	sdelay $0x1  }
0x171: {  	[tilespmem:s25+$0xFFFFFFF0] =	vst v2  }
0x172: {  	v2 =	vld [tilespmem:s30+$0x0];
	_ =	sdelay $0x4  }
0x173: {  	v2 =	vmul.f32 v2, v1;
	_ =	sdelay $0x1  }
0x174: {  	[tilespmem:s25+$0x0] =	vst v2  }
0x175: {  	v2 =	vld [tilespmem:s30+$0x10];
	_ =	sdelay $0x4  }
0x176: {  	v2 =	vmul.f32 v2, v1;
	_ =	sdelay $0x1  }
0x177: {  	[tilespmem:s25+$0x10] =	vst v2  }
0x178: {  	v2 =	vld [tilespmem:s30+$0x20];
	_ =	sdelay $0x4  }
0x179: {  	v2 =	vmul.f32 v2, v1;
	_ =	sdelay $0x1  }
0x17a: {  	[tilespmem:s25+$0x20] =	vst v2  }
0x17b: {  	v2 =	vld [tilespmem:s30+$0x30];
	_ =	sdelay $0x4  }
0x17c: {  	s31 =	simm.s32 $0x1;
	v1 =	vmul.f32 v2, v1  }
0x17d: {  	s12 =	simm.s32 $0x2;
	s5 =	sand.u32 $0x30, s31  }
.LBB2_9:
0x17e: {  	p0 =	sne.s32 s12, $0x27;
	s5 =	smin.u32 s5, $0x18;
	[tilespmem:s25+$0x30] =	vst v1  }
0x17f: {  	s30 =	sadd.s32 $0x80, s30;
	v1 =	vld.idx.msk [tilespmem:v0+s5+$0x0 ss:$0x1], $0xffff  }
0x180: {  	v2 =	vld [tilespmem:s30+$0xFFFFFFC0];
	_ =	sdelay $0x2  }
0x181: {  	s5 =	ssub.s32 s31, s5;
	s31 =	smov.u32 s12  }
0x182: {  	v3 =	vmov s5  }
0x183: {  	v1 =	vperm.xlane v1, v3;
	_ =	sdelay $0x1  }
0x184: {  	v2 =	vmul.f32 v2, v1  }
0x185: {  	s25 =	sadd.s32 $0x80, s25  }
0x186: {  	[tilespmem:s25+$0xFFFFFFC0] =	vst v2  }
0x187: {  	v2 =	vld [tilespmem:s30+$0xFFFFFFD0];
	_ =	sdelay $0x4  }
0x188: {  	v2 =	vmul.f32 v2, v1;
	_ =	sdelay $0x1  }
0x189: {  	[tilespmem:s25+$0xFFFFFFD0] =	vst v2  }
0x18a: {  	v2 =	vld [tilespmem:s30+$0xFFFFFFE0];
	_ =	sdelay $0x4  }
0x18b: {  	v2 =	vmul.f32 v2, v1;
	_ =	sdelay $0x1  }
0x18c: {  	[tilespmem:s25+$0xFFFFFFE0] =	vst v2  }
0x18d: {  	v2 =	vld [tilespmem:s30+$0xFFFFFFF0];
	_ =	sdelay $0x4  }
0x18e: {  	v2 =	vmul.f32 v2, v1;
	_ =	sdelay $0x1  }
0x18f: {  	[tilespmem:s25+$0xFFFFFFF0] =	vst v2  }
0x190: {  	v2 =	vld [tilespmem:s30+$0x0];
	_ =	sdelay $0x4  }
0x191: {  	v2 =	vmul.f32 v2, v1;
	_ =	sdelay $0x1  }
0x192: {  	[tilespmem:s25+$0x0] =	vst v2  }
0x193: {  	v2 =	vld [tilespmem:s30+$0x10];
	_ =	sdelay $0x4  }
0x194: {  	v2 =	vmul.f32 v2, v1;
	_ =	sdelay $0x1  }
0x195: {  	[tilespmem:s25+$0x10] =	vst v2  }
0x196: {  	v2 =	vld [tilespmem:s30+$0x20];
	_ =	sdelay $0x4  }
0x197: {  	v2 =	vmul.f32 v2, v1;
	_ =	sdelay $0x1  }
0x198: {  	[tilespmem:s25+$0x20] =	vst v2  }
0x199: {  	v2 =	vld [tilespmem:s30+$0x30];
	_ =	sdelay $0x1  }
.Ltmp3:
0x19a: {  	(pc) =	sbr.rel @p0 .LBB2_9-.Ltmp3, $3  }
0x19b: {  	_ =	sdelay $0x1  }
0x19c: {  	v1 =	vmul.f32 v2, v1  }
0x19d: {  	s12 =	sadd.s32 $0x1, s12;
	s5 =	sand.u32 $0x30, s31  }
0x19e: {  	_ =	sdelay $0x2  }
0x19f: {  	s5 =	smin.u32 s5, $0x18;
	[tilespmem:s25+$0x30] =	vst v1  }
0x1a0: {  	v0 =	vld.idx.msk [tilespmem:v0+s5+$0x0 ss:$0x1], $0xffff  }
0x1a1: {  	s12 =	sadd.s32 $0x80, s30  }
0x1a2: {  	v1 =	vld [tilespmem:s12+$0xFFFFFFC0]  }
0x1a3: {  	s5 =	ssub.s32 s31, s5  }
0x1a4: {  	v2 =	vmov s5  }
0x1a5: {  	v0 =	vperm.xlane v0, v2;
	_ =	sdelay $0x1  }
0x1a6: {  	v1 =	vmul.f32 v1, v0  }
0x1a7: {  	s25 =	sadd.s32 $0x80, s25  }
0x1a8: {  	[tilespmem:s25+$0xFFFFFFC0] =	vst v1  }
0x1a9: {  	v1 =	vld [tilespmem:s12+$0xFFFFFFD0];
	_ =	sdelay $0x4  }
0x1aa: {  	v1 =	vmul.f32 v1, v0;
	_ =	sdelay $0x1  }
0x1ab: {  	[tilespmem:s25+$0xFFFFFFD0] =	vst v1  }
0x1ac: {  	v1 =	vld [tilespmem:s12+$0xFFFFFFE0];
	_ =	sdelay $0x4  }
0x1ad: {  	v1 =	vmul.f32 v1, v0;
	_ =	sdelay $0x1  }
0x1ae: {  	[tilespmem:s25+$0xFFFFFFE0] =	vst v1  }
0x1af: {  	v1 =	vld [tilespmem:s12+$0xFFFFFFF0];
	_ =	sdelay $0x4  }
0x1b0: {  	v1 =	vmul.f32 v1, v0;
	_ =	sdelay $0x1  }
0x1b1: {  	[tilespmem:s25+$0xFFFFFFF0] =	vst v1  }
0x1b2: {  	v1 =	vld [tilespmem:s12+$0x0];
	_ =	sdelay $0x4  }
0x1b3: {  	v1 =	vmul.f32 v1, v0;
	_ =	sdelay $0x1  }
0x1b4: {  	[tilespmem:s25+$0x0] =	vst v1  }
0x1b5: {  	v1 =	vld [tilespmem:s12+$0x10];
	_ =	sdelay $0x4  }
0x1b6: {  	v1 =	vmul.f32 v1, v0;
	_ =	sdelay $0x1  }
0x1b7: {  	[tilespmem:s25+$0x10] =	vst v1  }
0x1b8: {  	v1 =	vld [tilespmem:s12+$0x20];
	_ =	sdelay $0x4  }
0x1b9: {  	v1 =	vmul.f32 v1, v0;
	_ =	sdelay $0x1  }
0x1ba: {  	[tilespmem:s25+$0x20] =	vst v1  }
0x1bb: {  	v1 =	vld [tilespmem:s12+$0x30];
	_ =	sdelay $0x3  }
0x1bc: {  	s13 =	sadd.s32 $0x1, s13  }
0x1bd: {  	p0 =	sne.s32 s13, $0x7B;
	v0 =	vmul.f32 v1, v0  }
.Ltmp4:
0x1be: {  	_ = 	snop;
	(pc) =	sbr.rel @p0 .LBB2_6-.Ltmp4, $4  }
0x1bf: {  	s30 =	sadd.s32 $0xC8, s21;
	[tilespmem:s25+$0x30] =	vst v0  }
0x1c0: {  	[tilespmem:s19], [sflag:$0x3] =	stream.indirect.gather [hbm4b:s4+s17], $0x80, s30, s17, $0xb8;
	[tilespmem:$0x1FDB0] =	vst v63  }
0x1c1: {  	s31 =	sadd.s32 $0x2710, s24  }
0x1c2: {  	[spmem:s2] =	stream.indirect.scatter.add.f32 [tilespmem:s26], [sflag:$0x5], $0x80, s31, s17, $0xb8;
	[tilespmem:$0x1FDB0] =	vst v63  }
0x1c3: {  	_ =	swait.ge [sflag:s20], $0x1400  }
0x1c4: {  	[sflag:s20] =	ssyncset.done $0x0  }
0x1c5: {  	[sflag:s20] =	ssyncadd.s32 $0xFFFFEC00  }
0x1c6: {  	s0 =	simm.s32 $0x0;
	_ =	swait.ge [sflag:s28], $0x1400  }
0x1c7: {  	s0 =	sand.u32 $0x30, s0;
	[sflag:s28] =	ssyncset.done $0x0  }
0x1c8: {  	s0 =	smin.u32 s0, $0x18;
	[sflag:s28] =	ssyncadd.s32 $0xFFFFEC00  }
0x1c9: {  	v0 =	vld [tilespmem:s0+$0x74E0]  }
0x1ca: {  	s13 =	simm.s32 $0x7570  }
0x1cb: {  	v1 =	vld [tilespmem:s13+$0xFFFFFFC0]  }
0x1cc: {  	s0 =	ssub.s32 $0x0, s0  }
0x1cd: {  	v2 =	vmov s0  }
0x1ce: {  	v0 =	vperm.xlane v0, v2;
	_ =	sdelay $0x1  }
0x1cf: {  	v1 =	vmul.f32 v1, v0  }
0x1d0: {  	s0 =	simm.s32 $0x9D70  }
0x1d1: {  	[tilespmem:s0+$0xFFFFFFC0] =	vst v1  }
0x1d2: {  	v1 =	vld [tilespmem:s13+$0xFFFFFFD0];
	_ =	sdelay $0x4  }
0x1d3: {  	v1 =	vmul.f32 v1, v0;
	_ =	sdelay $0x1  }
0x1d4: {  	[tilespmem:s0+$0xFFFFFFD0] =	vst v1  }
0x1d5: {  	v1 =	vld [tilespmem:s13+$0xFFFFFFE0];
	_ =	sdelay $0x4  }
0x1d6: {  	v1 =	vmul.f32 v1, v0;
	_ =	sdelay $0x1  }
0x1d7: {  	[tilespmem:s0+$0xFFFFFFE0] =	vst v1  }
0x1d8: {  	v1 =	vld [tilespmem:s13+$0xFFFFFFF0];
	_ =	sdelay $0x4  }
0x1d9: {  	v1 =	vmul.f32 v1, v0;
	_ =	sdelay $0x1  }
0x1da: {  	[tilespmem:s0+$0xFFFFFFF0] =	vst v1  }
0x1db: {  	v1 =	vld [tilespmem:s13+$0x0];
	_ =	sdelay $0x4  }
0x1dc: {  	v1 =	vmul.f32 v1, v0;
	_ =	sdelay $0x1  }
0x1dd: {  	[tilespmem:s0+$0x0] =	vst v1  }
0x1de: {  	v1 =	vld [tilespmem:s13+$0x10];
	_ =	sdelay $0x4  }
0x1df: {  	v1 =	vmul.f32 v1, v0;
	_ =	sdelay $0x1  }
0x1e0: {  	[tilespmem:s0+$0x10] =	vst v1  }
0x1e1: {  	v1 =	vld [tilespmem:s13+$0x20];
	_ =	sdelay $0x4  }
0x1e2: {  	v1 =	vmul.f32 v1, v0;
	_ =	sdelay $0x1  }
0x1e3: {  	[tilespmem:s0+$0x20] =	vst v1  }
0x1e4: {  	v1 =	vld [tilespmem:s13+$0x30];
	_ =	sdelay $0x4  }
0x1e5: {  	s21 =	simm.s32 $0x1;
	v0 =	vmul.f32 v1, v0  }
0x1e6: {  	s12 =	simm.s32 $0x2;
	s5 =	sand.u32 $0x30, s21  }
.LBB2_12:
0x1e7: {  	p0 =	sne.s32 s12, $0x27;
	s5 =	smin.u32 s5, $0x18;
	[tilespmem:s0+$0x30] =	vst v0  }
0x1e8: {  	s13 =	sadd.s32 $0x80, s13;
	v0 =	vld [tilespmem:s5+$0x74E0]  }
0x1e9: {  	v1 =	vld [tilespmem:s13+$0xFFFFFFC0];
	_ =	sdelay $0x1  }
0x1ea: {  	s5 =	ssub.s32 s21, s5;
	s21 =	smov.u32 s12  }
0x1eb: {  	v2 =	vmov s5  }
0x1ec: {  	v0 =	vperm.xlane v0, v2;
	_ =	sdelay $0x1  }
0x1ed: {  	v1 =	vmul.f32 v1, v0  }
0x1ee: {  	s0 =	sadd.s32 $0x80, s0  }
0x1ef: {  	[tilespmem:s0+$0xFFFFFFC0] =	vst v1  }
0x1f0: {  	v1 =	vld [tilespmem:s13+$0xFFFFFFD0];
	_ =	sdelay $0x4  }
0x1f1: {  	v1 =	vmul.f32 v1, v0;
	_ =	sdelay $0x1  }
0x1f2: {  	[tilespmem:s0+$0xFFFFFFD0] =	vst v1  }
0x1f3: {  	v1 =	vld [tilespmem:s13+$0xFFFFFFE0];
	_ =	sdelay $0x4  }
0x1f4: {  	v1 =	vmul.f32 v1, v0;
	_ =	sdelay $0x1  }
0x1f5: {  	[tilespmem:s0+$0xFFFFFFE0] =	vst v1  }
0x1f6: {  	v1 =	vld [tilespmem:s13+$0xFFFFFFF0];
	_ =	sdelay $0x4  }
0x1f7: {  	v1 =	vmul.f32 v1, v0;
	_ =	sdelay $0x1  }
0x1f8: {  	[tilespmem:s0+$0xFFFFFFF0] =	vst v1  }
0x1f9: {  	v1 =	vld [tilespmem:s13+$0x0];
	_ =	sdelay $0x4  }
0x1fa: {  	v1 =	vmul.f32 v1, v0;
	_ =	sdelay $0x1  }
0x1fb: {  	[tilespmem:s0+$0x0] =	vst v1  }
0x1fc: {  	v1 =	vld [tilespmem:s13+$0x10];
	_ =	sdelay $0x4  }
0x1fd: {  	v1 =	vmul.f32 v1, v0;
	_ =	sdelay $0x1  }
0x1fe: {  	[tilespmem:s0+$0x10] =	vst v1  }
0x1ff: {  	v1 =	vld [tilespmem:s13+$0x20];
	_ =	sdelay $0x4  }
0x200: {  	v1 =	vmul.f32 v1, v0;
	_ =	sdelay $0x1  }
0x201: {  	[tilespmem:s0+$0x20] =	vst v1  }
0x202: {  	v1 =	vld [tilespmem:s13+$0x30];
	_ =	sdelay $0x1  }
.Ltmp5:
0x203: {  	(pc) =	sbr.rel @p0 .LBB2_12-.Ltmp5, $3  }
0x204: {  	_ =	sdelay $0x1  }
0x205: {  	v0 =	vmul.f32 v1, v0  }
0x206: {  	s12 =	sadd.s32 $0x1, s12;
	s5 =	sand.u32 $0x30, s21  }
0x207: {  	s5 =	smin.u32 s5, $0x18;
	[tilespmem:s0+$0x30] =	vst v0  }
0x208: {  	v0 =	vld [tilespmem:s5+$0x74E0]  }
0x209: {  	s12 =	sadd.s32 $0x80, s13  }
0x20a: {  	v1 =	vld [tilespmem:s12+$0xFFFFFFC0]  }
0x20b: {  	s5 =	ssub.s32 s21, s5  }
0x20c: {  	v2 =	vmov s5  }
0x20d: {  	v0 =	vperm.xlane v0, v2;
	_ =	sdelay $0x1  }
0x20e: {  	v1 =	vmul.f32 v1, v0  }
0x20f: {  	s25 =	sadd.s32 $0x80, s0  }
0x210: {  	[tilespmem:s25+$0xFFFFFFC0] =	vst v1  }
0x211: {  	v1 =	vld [tilespmem:s12+$0xFFFFFFD0];
	_ =	sdelay $0x4  }
0x212: {  	v1 =	vmul.f32 v1, v0;
	_ =	sdelay $0x1  }
0x213: {  	[tilespmem:s25+$0xFFFFFFD0] =	vst v1  }
0x214: {  	v1 =	vld [tilespmem:s12+$0xFFFFFFE0];
	_ =	sdelay $0x4  }
0x215: {  	v1 =	vmul.f32 v1, v0;
	_ =	sdelay $0x1  }
0x216: {  	[tilespmem:s25+$0xFFFFFFE0] =	vst v1  }
0x217: {  	v1 =	vld [tilespmem:s12+$0xFFFFFFF0];
	_ =	sdelay $0x4  }
0x218: {  	v1 =	vmul.f32 v1, v0;
	_ =	sdelay $0x1  }
0x219: {  	[tilespmem:s25+$0xFFFFFFF0] =	vst v1  }
0x21a: {  	v1 =	vld [tilespmem:s12+$0x0];
	_ =	sdelay $0x4  }
0x21b: {  	v1 =	vmul.f32 v1, v0;
	_ =	sdelay $0x1  }
0x21c: {  	[tilespmem:s25+$0x0] =	vst v1  }
0x21d: {  	v1 =	vld [tilespmem:s12+$0x10];
	_ =	sdelay $0x4  }
0x21e: {  	v1 =	vmul.f32 v1, v0;
	_ =	sdelay $0x1  }
0x21f: {  	[tilespmem:s25+$0x10] =	vst v1  }
0x220: {  	v1 =	vld [tilespmem:s12+$0x20];
	_ =	sdelay $0x4  }
0x221: {  	v1 =	vmul.f32 v1, v0;
	_ =	sdelay $0x1  }
0x222: {  	[tilespmem:s25+$0x20] =	vst v1  }
0x223: {  	v1 =	vld [tilespmem:s12+$0x30];
	_ =	sdelay $0x4  }
0x224: {  	v0 =	vmul.f32 v1, v0;
	_ =	sdelay $0x1  }
0x225: {  	s30 =	simm.s32 $0x4DD0;
	[tilespmem:s25+$0x30] =	vst v0  }
0x226: {  	[spmem:s2] =	stream.indirect.scatter.add.f32 [tilespmem:s22], [sflag:$0x4], $0x80, s30, s17, $0xb8;
	[tilespmem:$0x1FDB0] =	vst v63  }
0x227: {  	_ =	swait.ge [sflag:s23], $0x1400  }
0x228: {  	[sflag:s23] =	ssyncset.done $0x0  }
0x229: {  	[sflag:s23] =	ssyncadd.s32 $0xFFFFEC00  }
0x22a: {  	s31 =	simm.s32 $0x0;
	_ =	swait.ge [sflag:s29], $0x1400  }
0x22b: {  	s0 =	sand.u32 $0x30, s31;
	[sflag:s29] =	ssyncset.done $0x0  }
0x22c: {  	s0 =	smin.u32 s0, $0x18;
	[sflag:s29] =	ssyncadd.s32 $0xFFFFEC00  }
0x22d: {  	v0 =	vld [tilespmem:s0+$0x7508]  }
0x22e: {  	s13 =	simm.s32 $0x8970  }
0x22f: {  	v1 =	vld [tilespmem:s13+$0xFFFFFFC0]  }
0x230: {  	s0 =	ssub.s32 $0x0, s0  }
0x231: {  	v2 =	vmov s0  }
0x232: {  	v0 =	vperm.xlane v0, v2;
	_ =	sdelay $0x1  }
0x233: {  	v1 =	vmul.f32 v1, v0  }
0x234: {  	s0 =	simm.s32 $0xB170  }
0x235: {  	[tilespmem:s0+$0xFFFFFFC0] =	vst v1  }
0x236: {  	v1 =	vld [tilespmem:s13+$0xFFFFFFD0];
	_ =	sdelay $0x4  }
0x237: {  	v1 =	vmul.f32 v1, v0;
	_ =	sdelay $0x1  }
0x238: {  	[tilespmem:s0+$0xFFFFFFD0] =	vst v1  }
0x239: {  	v1 =	vld [tilespmem:s13+$0xFFFFFFE0];
	_ =	sdelay $0x4  }
0x23a: {  	v1 =	vmul.f32 v1, v0;
	_ =	sdelay $0x1  }
0x23b: {  	[tilespmem:s0+$0xFFFFFFE0] =	vst v1  }
0x23c: {  	v1 =	vld [tilespmem:s13+$0xFFFFFFF0];
	_ =	sdelay $0x4  }
0x23d: {  	v1 =	vmul.f32 v1, v0;
	_ =	sdelay $0x1  }
0x23e: {  	[tilespmem:s0+$0xFFFFFFF0] =	vst v1  }
0x23f: {  	v1 =	vld [tilespmem:s13+$0x0];
	_ =	sdelay $0x4  }
0x240: {  	v1 =	vmul.f32 v1, v0;
	_ =	sdelay $0x1  }
0x241: {  	[tilespmem:s0+$0x0] =	vst v1  }
0x242: {  	v1 =	vld [tilespmem:s13+$0x10];
	_ =	sdelay $0x4  }
0x243: {  	v1 =	vmul.f32 v1, v0;
	_ =	sdelay $0x1  }
0x244: {  	[tilespmem:s0+$0x10] =	vst v1  }
0x245: {  	v1 =	vld [tilespmem:s13+$0x20];
	_ =	sdelay $0x4  }
0x246: {  	v1 =	vmul.f32 v1, v0;
	_ =	sdelay $0x1  }
0x247: {  	[tilespmem:s0+$0x20] =	vst v1  }
0x248: {  	v1 =	vld [tilespmem:s13+$0x30];
	_ =	sdelay $0x4  }
0x249: {  	s21 =	simm.s32 $0x1;
	v0 =	vmul.f32 v1, v0  }
0x24a: {  	s5 =	sand.u32 $0x30, s21;
	s12 =	simm.s32 $0x2;
	s25 =	simm.s32 $0x2710  }
.LBB2_14:
0x24b: {  	p0 =	sne.s32 s12, $0x27;
	s5 =	smin.u32 s5, $0x18;
	[tilespmem:s0+$0x30] =	vst v0  }
0x24c: {  	s13 =	sadd.s32 $0x80, s13;
	v0 =	vld [tilespmem:s5+$0x7508]  }
0x24d: {  	v1 =	vld [tilespmem:s13+$0xFFFFFFC0];
	_ =	sdelay $0x1  }
0x24e: {  	s5 =	ssub.s32 s21, s5;
	s21 =	smov.u32 s12  }
0x24f: {  	v2 =	vmov s5  }
0x250: {  	v0 =	vperm.xlane v0, v2;
	_ =	sdelay $0x1  }
0x251: {  	v1 =	vmul.f32 v1, v0  }
0x252: {  	s0 =	sadd.s32 $0x80, s0  }
0x253: {  	[tilespmem:s0+$0xFFFFFFC0] =	vst v1  }
0x254: {  	v1 =	vld [tilespmem:s13+$0xFFFFFFD0];
	_ =	sdelay $0x4  }
0x255: {  	v1 =	vmul.f32 v1, v0;
	_ =	sdelay $0x1  }
0x256: {  	[tilespmem:s0+$0xFFFFFFD0] =	vst v1  }
0x257: {  	v1 =	vld [tilespmem:s13+$0xFFFFFFE0];
	_ =	sdelay $0x4  }
0x258: {  	v1 =	vmul.f32 v1, v0;
	_ =	sdelay $0x1  }
0x259: {  	[tilespmem:s0+$0xFFFFFFE0] =	vst v1  }
0x25a: {  	v1 =	vld [tilespmem:s13+$0xFFFFFFF0];
	_ =	sdelay $0x4  }
0x25b: {  	v1 =	vmul.f32 v1, v0;
	_ =	sdelay $0x1  }
0x25c: {  	[tilespmem:s0+$0xFFFFFFF0] =	vst v1  }
0x25d: {  	v1 =	vld [tilespmem:s13+$0x0];
	_ =	sdelay $0x4  }
0x25e: {  	v1 =	vmul.f32 v1, v0;
	_ =	sdelay $0x1  }
0x25f: {  	[tilespmem:s0+$0x0] =	vst v1  }
0x260: {  	v1 =	vld [tilespmem:s13+$0x10];
	_ =	sdelay $0x4  }
0x261: {  	v1 =	vmul.f32 v1, v0;
	_ =	sdelay $0x1  }
0x262: {  	[tilespmem:s0+$0x10] =	vst v1  }
0x263: {  	v1 =	vld [tilespmem:s13+$0x20];
	_ =	sdelay $0x4  }
0x264: {  	v1 =	vmul.f32 v1, v0;
	_ =	sdelay $0x1  }
0x265: {  	[tilespmem:s0+$0x20] =	vst v1  }
0x266: {  	v1 =	vld [tilespmem:s13+$0x30];
	_ =	sdelay $0x1  }
.Ltmp6:
0x267: {  	(pc) =	sbr.rel @p0 .LBB2_14-.Ltmp6, $3  }
0x268: {  	_ =	sdelay $0x1  }
0x269: {  	v0 =	vmul.f32 v1, v0  }
0x26a: {  	s12 =	sadd.s32 $0x1, s12;
	s5 =	sand.u32 $0x30, s21  }
0x26b: {  	s5 =	smin.u32 s5, $0x18;
	[tilespmem:s0+$0x30] =	vst v0  }
0x26c: {  	v0 =	vld [tilespmem:s5+$0x7508]  }
0x26d: {  	s12 =	sadd.s32 $0x80, s13  }
0x26e: {  	v1 =	vld [tilespmem:s12+$0xFFFFFFC0]  }
0x26f: {  	s5 =	ssub.s32 s21, s5  }
0x270: {  	v2 =	vmov s5  }
0x271: {  	v0 =	vperm.xlane v0, v2;
	_ =	sdelay $0x1  }
0x272: {  	v1 =	vmul.f32 v1, v0  }
0x273: {  	s30 =	sadd.s32 $0x80, s0  }
0x274: {  	[tilespmem:s30+$0xFFFFFFC0] =	vst v1  }
0x275: {  	v1 =	vld [tilespmem:s12+$0xFFFFFFD0];
	_ =	sdelay $0x4  }
0x276: {  	v1 =	vmul.f32 v1, v0;
	_ =	sdelay $0x1  }
0x277: {  	[tilespmem:s30+$0xFFFFFFD0] =	vst v1  }
0x278: {  	v1 =	vld [tilespmem:s12+$0xFFFFFFE0];
	_ =	sdelay $0x4  }
0x279: {  	v1 =	vmul.f32 v1, v0;
	_ =	sdelay $0x1  }
0x27a: {  	[tilespmem:s30+$0xFFFFFFE0] =	vst v1  }
0x27b: {  	v1 =	vld [tilespmem:s12+$0xFFFFFFF0];
	_ =	sdelay $0x4  }
0x27c: {  	v1 =	vmul.f32 v1, v0;
	_ =	sdelay $0x1  }
0x27d: {  	[tilespmem:s30+$0xFFFFFFF0] =	vst v1  }
0x27e: {  	v1 =	vld [tilespmem:s12+$0x0];
	_ =	sdelay $0x4  }
0x27f: {  	v1 =	vmul.f32 v1, v0;
	_ =	sdelay $0x1  }
0x280: {  	[tilespmem:s30+$0x0] =	vst v1  }
0x281: {  	v1 =	vld [tilespmem:s12+$0x10];
	_ =	sdelay $0x4  }
0x282: {  	v1 =	vmul.f32 v1, v0;
	_ =	sdelay $0x1  }
0x283: {  	[tilespmem:s30+$0x10] =	vst v1  }
0x284: {  	v1 =	vld [tilespmem:s12+$0x20];
	_ =	sdelay $0x4  }
0x285: {  	v1 =	vmul.f32 v1, v0;
	_ =	sdelay $0x1  }
0x286: {  	[tilespmem:s30+$0x20] =	vst v1  }
0x287: {  	v1 =	vld [tilespmem:s12+$0x30];
	_ =	sdelay $0x4  }
0x288: {  	v0 =	vmul.f32 v1, v0;
	_ =	sdelay $0x1  }
0x289: {  	s31 =	simm.s32 $0x4DF8;
	[tilespmem:s30+$0x30] =	vst v0  }
0x28a: {  	[spmem:s2] =	stream.indirect.scatter.add.f32 [tilespmem:s26], [sflag:$0x5], $0x80, s31, s17, $0xb8;
	[tilespmem:$0x1FDB0] =	vst v63  }
0x28b: {  	_ =	swait.ge [sflag:s28], $0x1400  }
0x28c: {  	[sflag:s28] =	ssyncset.done $0x0  }
0x28d: {  	[sflag:s28] =	ssyncadd.s32 $0xFFFFEC00  }
0x28e: {  	_ =	swait.ge [sflag:s29], $0x1400  }
0x28f: {  	s1 =	sadd.s32 $0x1, s1;
	[sflag:s29] =	ssyncset.done $0x0  }
0x290: {  	p0 =	sne.s32 s1, s11;
	[sflag:s29] =	ssyncadd.s32 $0xFFFFEC00  }
.Ltmp7:
0x291: {  	[bflag:$0x0] =	sbarrier.arrive $0xFFFF;
	(pc) =	sbr.rel @p0 .LBB2_1-.Ltmp7, $4  }
0x292: {  	[hbm:s10], [sflag:s9] =	dma.local [spmem:s14], $0x2800  }
0x293: {  	_ =	swait.ge [sflag:s15], $0x2800  }
0x294: {  	[sflag:s15] =	ssyncset.done $0x0  }
0x295: {  	[sflag:s15] =	ssyncadd.s32 $0xFFFFD800  }
0x296: {  	_ =	sfence.sel $0x180000  }
0x297: {  	[bflag:$0x0] =	sbarrier.arrive $0xFFFF  }
0x298: {  	_ =	strace $0x90000047  }
0x299: {  	s0 =	stileid.u32;
	[bflag:$0x2] =	sbarrier.arrive $0xFFFF  }
0x29a: {  	p0 =	sne.s32 s0, $0x0;
	s0 =	rddreg [dreg:$0x3]  }
0x29b: {  	s0 =	sadd.s32 @!p0 $0x100000, s0  }
0x29c: {  	[sflag:s0] =	ssyncadd.tile.s32 @!p0 $0x1;
	_ =	shalt  }
.Lfunc_end2:
_tile_overlayer_lowered:
.L_overlay_start_2:
0x29d: {  	(tag) =	ssettag $0x2  }
0x29e: {  	s0 =	rddreg [dreg:$0x0];
	s2 =	stileid.u32  }
0x29f: {  	s1 =	rddreg [dreg:$0x1];
	p0 =	sne.s32 s2, $0x0  }
0x2a0: {  	s3 =	rddreg [dreg:$0x2];
	[bflag:$0x3] =	sbarrier.arrive $0xFFFF;
	s2 =	simm.s32 @!p0 $0x1C06  }
0x2a1: {  	[timem:s3], [sflag:s2] =	dma.local @!p0 [hbm:s0], s1  }
0x2a2: {  	s0 =	simm.s32 @!p0 $0x6  }
0x2a3: {  	_ =	swait.ge @!p0 [sflag:s0], s1  }
0x2a4: {  	s1 =	ssub.s32 @!p0 $0x0, s1;
	[sflag:s0] =	ssyncset.done @!p0 $0x0  }
0x2a5: {  	[sflag:s0] =	ssyncadd.s32 @!p0 s1  }
0x2a6: {  	[bflag:$0x3] =	sbarrier.arrive $0xFFFF  }
0x2a7: {  	_ =	shalt  }

</sc_bundles>
